<compile_context>
chip_gen: v7x
topology: tpu7x:2x2x1
jax: 0.10.2.dev20260603
libtpu: 0.0.44.dev20260713+nightly
codegen_flags: <defaults>
</compile_context>

<pallas_src>
import dataclasses
import functools

import jax
import jax.numpy as jnp
from jax import lax
from jax.experimental import pallas as pl
from jax.experimental.pallas import tpu as pltpu
from jax.experimental.pallas import tpu_sc as plsc

_NEG_SLOPE = 0.01
_NW = 32
_NT = 16
_CH = 128


def _leaky(v):
    return jnp.where(v >= 0, v, _NEG_SLOPE * v)



def _stage_a(x, W1, b1):
    N, D = x.shape
    F = W1.shape[1]
    BN = 1000

    def body(x_ref, w_ref, b_ref, a_ref, m_ref):
        xv = x_ref[...]
        a_ref[...] = jnp.dot(xv, w_ref[0:D, :],
                             preferred_element_type=jnp.float32,
                             precision=lax.Precision.HIGHEST) + b_ref[...]
        m_ref[...] = jnp.dot(xv, w_ref[D:, :],
                             preferred_element_type=jnp.float32,
                             precision=lax.Precision.HIGHEST)

    return pl.pallas_call(
        body,
        grid=(N // BN,),
        in_specs=[pl.BlockSpec((BN, D), lambda i: (i, 0)),
                  pl.BlockSpec((2 * D, F), lambda i: (0, 0)),
                  pl.BlockSpec((1, F), lambda i: (0, 0))],
        out_specs=[pl.BlockSpec((BN, F), lambda i: (i, 0)),
                   pl.BlockSpec((BN, F), lambda i: (i, 0))],
        out_shape=[jax.ShapeDtypeStruct((N, F), jnp.float32),
                   jax.ShapeDtypeStruct((N, F), jnp.float32)],
    )(x, W1, b1.reshape(1, F))


def _stage_b(a1, p):
    N, F = a1.shape
    BN = 1000

    def body(a_ref, p_ref, o_ref):
        v = a_ref[...] + p_ref[0] + p_ref[1]
        o_ref[...] = _leaky(v)

    return pl.pallas_call(
        body,
        grid=(N // BN,),
        in_specs=[pl.BlockSpec((BN, F), lambda i: (i, 0)),
                  pl.BlockSpec((2, BN, F), lambda i: (0, i, 0))],
        out_specs=pl.BlockSpec((BN, F), lambda i: (i, 0)),
        out_shape=jax.ShapeDtypeStruct((N, F), jnp.float32),
    )(a1, p)


def _stage_c(h1, p, W2, b2):
    N, F = h1.shape
    OUTD = W2.shape[1]
    BN = 1000

    def body(h_ref, p_ref, w_ref, b_ref, o_ref):
        s = p_ref[0] + p_ref[1]
        v = (jnp.dot(h_ref[...], w_ref[0:F, :],
                     preferred_element_type=jnp.float32,
                     precision=lax.Precision.HIGHEST)
             + jnp.dot(s, w_ref[F:, :],
                       preferred_element_type=jnp.float32,
                       precision=lax.Precision.HIGHEST)
             + b_ref[...])
        o_ref[...] = _leaky(v)

    return pl.pallas_call(
        body,
        grid=(N // BN,),
        in_specs=[pl.BlockSpec((BN, F), lambda i: (i, 0)),
                  pl.BlockSpec((2, BN, F), lambda i: (0, i, 0)),
                  pl.BlockSpec((2 * F, OUTD), lambda i: (0, 0)),
                  pl.BlockSpec((1, OUTD), lambda i: (0, 0))],
        out_specs=pl.BlockSpec((BN, OUTD), lambda i: (i, 0)),
        out_shape=jax.ShapeDtypeStruct((N, OUTD), jnp.float32),
    )(h1, p, W2, b2.reshape(1, OUTD))



def _make_spmv(N_pad, F, NCH0, NCH1):
    mesh = plsc.VectorSubcoreMesh(core_axis_name="c", subcore_axis_name="s",
                                  num_cores=2, num_subcores=_NT)
    cp = pltpu.CompilerParams()
    if "needs_layout_passes" in pltpu.CompilerParams.__dataclass_fields__:
        cp = dataclasses.replace(cp, needs_layout_passes=False)
    rows_per_tile = N_pad // _NT
    nz = rows_per_tile // _CH

    @functools.partial(
        pl.kernel,
        out_type=jax.ShapeDtypeStruct((2, N_pad, F), jnp.float32),
        mesh=mesh,
        scratch_types=[
            pltpu.VMEM((NCH0, _CH), jnp.int32),
            pltpu.VMEM((2 * _CH,), jnp.int32),
            pltpu.VMEM((2 * _CH,), jnp.float32),
            pltpu.VMEM((_CH, F), jnp.float32),
            pltpu.VMEM((_CH, F), jnp.float32),
            pltpu.VMEM_SHARED((N_pad, F), jnp.float32),
            pltpu.SemaphoreType.DMA,
            pltpu.SemaphoreType.DMA,
            pltpu.SemaphoreType.DMA,
            pltpu.SemaphoreType.DMA,
            pltpu.SemaphoreType.DMA,
            pltpu.SemaphoreType.DMA,
        ],
        compiler_params=cp,
    )
    def spmv(m_hbm, col_hbm, row_hbm, w_hbm, out_hbm,
             row_v, col_p, w_p, msg0_v, msg1_v, acc_sh,
             gsem0, gsem1, ssem0, ssem1, icsem, iwsem):
        cid = lax.axis_index("c")
        sid = lax.axis_index("s")
        wid = cid * _NT + sid
        ncw = jnp.where(cid == 0, NCH0, NCH1)

        pltpu.sync_copy(row_hbm.at[pl.ds(wid * NCH0, NCH0)], row_v)

        zero = jnp.zeros((16,), jnp.float32)

        @pl.loop(0, _CH)
        def _(i):
            for f in range(F // 16):
                msg0_v[i, pl.ds(f * 16, 16)] = zero

        @pl.loop(0, nz)
        def _(j):
            pltpu.sync_copy(
                msg0_v,
                acc_sh.at[pl.ds(sid * rows_per_tile + j * _CH, _CH)])

        plsc.subcore_barrier()

        def scale(eoff, buf):
            @pl.loop(0, _CH, unroll=4)
            def _(e):
                ee = jnp.full((16,), eoff + e, jnp.int32)
                wv = plsc.load_gather(w_p, [ee])
                for f in range(F // 16):
                    buf[e, pl.ds(f * 16, 16)] = buf[e, pl.ds(f * 16, 16)] * wv

        base0 = wid * NCH0 * _CH
        pltpu.sync_copy(col_hbm.at[pl.ds(base0, 2 * _CH)], col_p)
        pltpu.sync_copy(w_hbm.at[pl.ds(base0, 2 * _CH)], w_p)

        def wait_scatter(buf, sem):
            pltpu.make_async_copy(buf, acc_sh.at[row_v.at[0]], sem).wait()

        @pl.loop(0, NCH0 // 2)
        def _(i):
            j0 = 2 * i
            j1 = j0 + 1

            @pl.when(j0 < ncw)
            def _():
                @pl.when(i > 0)
                def _():
                    pltpu.make_async_copy(
                        col_hbm.at[pl.ds(base0, 2 * _CH)], col_p,
                        icsem).wait()
                    wait_scatter(msg0_v, ssem0)

                g0 = pltpu.async_copy(m_hbm.at[col_p.at[pl.ds(0, _CH)]],
                                      msg0_v, gsem0)

                @pl.when(i > 0)
                def _():
                    wait_scatter(msg1_v, ssem1)

                g1 = pltpu.async_copy(m_hbm.at[col_p.at[pl.ds(_CH, _CH)]],
                                      msg1_v, gsem1)
                g0.wait()

                @pl.when(i > 0)
                def _():
                    pltpu.make_async_copy(
                        w_hbm.at[pl.ds(base0, 2 * _CH)], w_p, iwsem).wait()

                scale(0, msg0_v)
                pltpu.async_copy(msg0_v, acc_sh.at[row_v.at[j0]], ssem0,
                                 add=True)
                g1.wait()

                nbase = (wid * NCH0 + j0 + 2) * _CH

                @pl.when(j0 + 2 < ncw)
                def _():
                    pltpu.async_copy(col_hbm.at[pl.ds(nbase, 2 * _CH)],
                                     col_p, icsem)

                scale(_CH, msg1_v)
                pltpu.async_copy(msg1_v, acc_sh.at[row_v.at[j1]], ssem1,
                                 add=True)

                @pl.when(j0 + 2 < ncw)
                def _():
                    pltpu.async_copy(w_hbm.at[pl.ds(nbase, 2 * _CH)],
                                     w_p, iwsem)

        @pl.when(ncw > 0)
        def _():
            wait_scatter(msg0_v, ssem0)
            wait_scatter(msg1_v, ssem1)

        plsc.subcore_barrier()

        base = sid * rows_per_tile
        pltpu.sync_copy(acc_sh.at[pl.ds(base, rows_per_tile)],
                        out_hbm.at[cid, pl.ds(base, rows_per_tile)])

    return spmv



def kernel(x, edge_index, edge_weight, W1, b1, W2, b2):
    N, D = x.shape
    F = W1.shape[1]
    E = edge_weight.shape[0]

    NCHT = 2 * (-(-E // (_NW * _CH)))
    NCH0 = max(8, min(NCHT - 8, ((NCHT * 7 // 8 + 4) // 8) * 8))
    NCH1 = NCHT - NCH0
    E0 = _NT * NCH0 * _CH
    E1_pad = _NT * NCH1 * _CH
    assert E <= E0 + E1_pad

    def pack(a):
        a = jnp.pad(a, (0, E0 + E1_pad - E))
        a0 = a[:E0].reshape(_NT, NCH0, _CH)
        a1 = a[E0:].reshape(_NT, NCH1, _CH)
        a1 = jnp.pad(a1, ((0, 0), (0, NCH0 - NCH1), (0, 0)))
        return jnp.concatenate([a0, a1], axis=0).reshape(_NW * NCH0, _CH)

    row = pack(edge_index[0])
    col = pack(edge_index[1]).reshape(-1)
    w = pack(edge_weight).reshape(-1)

    N_pad = -(-N // (_NT * _CH)) * (_NT * _CH)
    spmv = _make_spmv(N_pad, F, NCH0, NCH1)

    a1, m1 = _stage_a(x, W1, b1)
    p1 = spmv(m1, col, row, w)
    h1 = _stage_b(a1, p1)
    p2 = spmv(h1, col, row, w)
    return _stage_c(h1, p2, W2, b2)

# --- scband reference (transcript-rebuilt; emitter-appended) ---
"""Pipeline reference for scband-planetoid-ebli-53291954208856 (READ-ONLY COPY).

The authoritative reference and input builder live on the scoring server;
editing this copy changes nothing except your own understanding.
"""

import jax, jax.numpy as jnp
import numpy as np

N = 10000
E = 160000
D = 256
OUT = 256
CONV = OUT // 2  # 128
K = 2


def setup_inputs(seed: int = 0) -> dict:
    key = jax.random.key(seed)
    ks = jax.random.split(key, 8)
    x = jax.random.normal(ks[0], (N, D), dtype=jnp.float32)
    edge_index = jax.random.randint(ks[1], (2, E), 0, N, dtype=jnp.int32)
    edge_weight = jax.random.normal(ks[2], (E,), dtype=jnp.float32)
    # SCNLayer 1: Linear(k*D -> CONV). Stored as (in, out) so forward is X @ W + b.
    W1 = jax.random.normal(ks[3], (K * D, CONV), dtype=jnp.float32) * (1.0 / np.sqrt(K * D))
    b1 = jax.random.normal(ks[4], (CONV,), dtype=jnp.float32) * 0.01
    # SCNLayer 2: Linear(k*CONV -> OUT)
    W2 = jax.random.normal(ks[5], (K * CONV, OUT), dtype=jnp.float32) * (1.0 / np.sqrt(K * CONV))
    b2 = jax.random.normal(ks[6], (OUT,), dtype=jnp.float32) * 0.01
    return {"x": x, "edge_index": edge_index, "edge_weight": edge_weight,
            "W1": W1, "b1": b1, "W2": W2, "b2": b2}


def reference(x, edge_index, edge_weight, W1, b1, W2, b2):
    row = edge_index[0]
    col = edge_index[1]

    def spmv(h):
        # sparse Laplacian mat-vec: (L @ h)[i] = sum_{e:(i,j)} w_e * h[j]
        msg = edge_weight[:, None] * jnp.take(h, col, axis=0)
        return jnp.zeros((h.shape[0], h.shape[1]), dtype=h.dtype).at[row].add(msg)

    def chebyshev(h):
        # k=2 Chebyshev basis: [T0(L) h, T1(L) h] = [h, L h], concat on feature dim
        return jnp.concatenate([h, spmv(h)], axis=1)

    def scn_layer(h, W, b):
        X = chebyshev(h)
        return X @ W + b

    out0_1 = jax.nn.leaky_relu(scn_layer(x, W1, b1), negative_slope=0.01)
    out0_2 = jax.nn.leaky_relu(scn_layer(out0_1, W2, b2), negative_slope=0.01)
    return out0_2

if __name__ == "__main__":
    import jax
    _d = setup_inputs()
    print(jax.jit(kernel)(*tuple(_d.values())))

</pallas_src>

<mosaic_0001>
#map = affine_map<(d0, d1) -> (0, 0)>
#map1 = affine_map<(d0, d1) -> (0)>
#map2 = affine_map<(d0, d1) -> (0, 0, 0)>
module attributes {stable_mosaic.version = 14 : i64} {
  func.func @spmv(%arg0: i32, %arg1: i32, %arg2: memref<10000x128xf32, #tpu.memory_space<hbm>>, %arg3: memref<294912xi32, #tpu.memory_space<hbm>>, %arg4: memref<2304x128xi32, #tpu.memory_space<hbm>>, %arg5: memref<294912xf32, #tpu.memory_space<hbm>>, %arg6: memref<2x10240x128xf32, #tpu.memory_space<hbm>>, %arg7: memref<72x128xi32, #tpu.memory_space<vmem>>, %arg8: memref<256xi32, #tpu.memory_space<vmem>>, %arg9: memref<256xf32, #tpu.memory_space<vmem>>, %arg10: memref<128x128xf32, #tpu.memory_space<vmem>>, %arg11: memref<128x128xf32, #tpu.memory_space<vmem>>, %arg12: memref<10240x128xf32, #tpu.memory_space<vmem_shared>>, %arg13: memref<!tpu.dma_semaphore, #tpu.memory_space<semaphore_mem>>, %arg14: memref<!tpu.dma_semaphore, #tpu.memory_space<semaphore_mem>>, %arg15: memref<!tpu.dma_semaphore, #tpu.memory_space<semaphore_mem>>, %arg16: memref<!tpu.dma_semaphore, #tpu.memory_space<semaphore_mem>>, %arg17: memref<!tpu.dma_semaphore, #tpu.memory_space<semaphore_mem>>, %arg18: memref<!tpu.dma_semaphore, #tpu.memory_space<semaphore_mem>>) attributes {dimension_semantics = [#tpu.dimension_semantics<core_parallel>, #tpu.dimension_semantics<subcore_parallel>], iteration_bounds = array<i64: 2, 16>, scalar_prefetch = 0 : i64, scratch_operands = 12 : i64, tpu.core_type = #tpu.core_type<sc_vector_subcore>, window_params = [{transform_indices = #map}, {transform_indices = #map1}, {transform_indices = #map}, {transform_indices = #map1}, {transform_indices = #map2}]} {
    %mul3A = arith.constant 16 : i32
    %mul3A_0 = arith.muli %arg0, %mul3A : i32
    %add3A = arith.addi %mul3A_0, %arg1 : i32
    %eq3A = arith.constant 0 : i32
    %eq3A_1 = arith.cmpi eq, %arg0, %eq3A : i32
    %jit3A = arith.constant 72 : i32
    %jit3A_2 = arith.constant 8 : i32
    %select_n3A = arith.select %eq3A_1, %jit3A, %jit3A_2 : i32
    %mul3A_3 = arith.constant 72 : i32
    %mul3A_4 = arith.muli %add3A, %mul3A_3 : i32
    "tpu.region"() ({
      %run_scoped3A = tpu.sem_alloc : memref<!tpu.dma_semaphore, #tpu.memory_space<semaphore_mem>>
      %dma_start3A = arith.constant 0 : i32
      %dma_start3A_29 = tpu.memref_slice %arg4[%mul3A_4, %dma_start3A] : memref<2304x128xi32, #tpu.memory_space<hbm>> -> memref<72x128xi32, #tpu.memory_space<hbm>>
      %dma_start3A_30 = arith.constant 0 : i32
      %dma_start3A_31 = tpu.memref_slice %arg4[%mul3A_4, %dma_start3A_30] : memref<2304x128xi32, #tpu.memory_space<hbm>> -> memref<72x128xi32, #tpu.memory_space<hbm>>
      tpu.enqueue_dma source(%dma_start3A_31 : memref<72x128xi32, #tpu.memory_space<hbm>>) target(%arg7 : memref<72x128xi32, #tpu.memory_space<vmem>>) target_semaphore(%run_scoped3A : memref<!tpu.dma_semaphore, #tpu.memory_space<semaphore_mem>>)
      %dma_wait3A = arith.constant 0 : i32
      %dma_wait3A_32 = tpu.memref_slice %arg4[%mul3A_4, %dma_wait3A] : memref<2304x128xi32, #tpu.memory_space<hbm>> -> memref<72x128xi32, #tpu.memory_space<hbm>>
      %dma_wait3A_33 = arith.constant 0 : i32
      %dma_wait3A_34 = tpu.memref_slice %arg4[%mul3A_4, %dma_wait3A_33] : memref<2304x128xi32, #tpu.memory_space<hbm>> -> memref<72x128xi32, #tpu.memory_space<hbm>>
      tpu.wait_dma2 semaphore(%run_scoped3A : memref<!tpu.dma_semaphore, #tpu.memory_space<semaphore_mem>>) src(%dma_wait3A_34 : memref<72x128xi32, #tpu.memory_space<hbm>>) dst(%arg7 : memref<72x128xi32, #tpu.memory_space<vmem>>)
      tpu.yield
    }) : () -> ()
    %broadcast_in_dim3A = arith.constant 0.000000e+00 : f32
    %broadcast_in_dim3A_5 = vector.broadcast %broadcast_in_dim3A : f32 to vector<16xf32>
    %scan3A = arith.constant 0 : i32
    %scan3A_6 = arith.constant 128 : i32
    %scan3A_7 = arith.addi %scan3A, %scan3A_6 : i32
    %scan3A_8 = arith.constant 1 : i32
    scf.for %scan3A_29 = %scan3A to %scan3A_7 step %scan3A_8  : i32 {
      %mul3A_30 = arith.constant 1 : i32
      %mul3A_31 = arith.muli %scan3A_29, %mul3A_30 : i32
      %add3A_32 = arith.constant 0 : i32
      %add3A_33 = arith.addi %add3A_32, %mul3A_31 : i32
      %swap3A = arith.index_cast %add3A_33 : i32 to index
      %swap3A_34 = arith.constant 0 : index
      %swap3A_35 = tpu.vector_load %arg10[%swap3A, %swap3A_34] {strides = array<i32>} : memref<128x128xf32, #tpu.memory_space<vmem>>, vector<16xf32>,
      tpu.vector_store %arg10[%swap3A, %swap3A_34], %broadcast_in_dim3A_5 {strides = array<i32>} : memref<128x128xf32, #tpu.memory_space<vmem>>, vector<16xf32>,
      %swap3A_36 = arith.index_cast %add3A_33 : i32 to index
      %swap3A_37 = arith.constant 16 : index
      %swap3A_38 = tpu.vector_load %arg10[%swap3A_36, %swap3A_37] {strides = array<i32>} : memref<128x128xf32, #tpu.memory_space<vmem>>, vector<16xf32>,
      tpu.vector_store %arg10[%swap3A_36, %swap3A_37], %broadcast_in_dim3A_5 {strides = array<i32>} : memref<128x128xf32, #tpu.memory_space<vmem>>, vector<16xf32>,
      %swap3A_39 = arith.index_cast %add3A_33 : i32 to index
      %swap3A_40 = arith.constant 32 : index
      %swap3A_41 = tpu.vector_load %arg10[%swap3A_39, %swap3A_40] {strides = array<i32>} : memref<128x128xf32, #tpu.memory_space<vmem>>, vector<16xf32>,
      tpu.vector_store %arg10[%swap3A_39, %swap3A_40], %broadcast_in_dim3A_5 {strides = array<i32>} : memref<128x128xf32, #tpu.memory_space<vmem>>, vector<16xf32>,
      %swap3A_42 = arith.index_cast %add3A_33 : i32 to index
      %swap3A_43 = arith.constant 48 : index
      %swap3A_44 = tpu.vector_load %arg10[%swap3A_42, %swap3A_43] {strides = array<i32>} : memref<128x128xf32, #tpu.memory_space<vmem>>, vector<16xf32>,
      tpu.vector_store %arg10[%swap3A_42, %swap3A_43], %broadcast_in_dim3A_5 {strides = array<i32>} : memref<128x128xf32, #tpu.memory_space<vmem>>, vector<16xf32>,
      %swap3A_45 = arith.index_cast %add3A_33 : i32 to index
      %swap3A_46 = arith.constant 64 : index
      %swap3A_47 = tpu.vector_load %arg10[%swap3A_45, %swap3A_46] {strides = array<i32>} : memref<128x128xf32, #tpu.memory_space<vmem>>, vector<16xf32>,
      tpu.vector_store %arg10[%swap3A_45, %swap3A_46], %broadcast_in_dim3A_5 {strides = array<i32>} : memref<128x128xf32, #tpu.memory_space<vmem>>, vector<16xf32>,
      %swap3A_48 = arith.index_cast %add3A_33 : i32 to index
      %swap3A_49 = arith.constant 80 : index
      %swap3A_50 = tpu.vector_load %arg10[%swap3A_48, %swap3A_49] {strides = array<i32>} : memref<128x128xf32, #tpu.memory_space<vmem>>, vector<16xf32>,
      tpu.vector_store %arg10[%swap3A_48, %swap3A_49], %broadcast_in_dim3A_5 {strides = array<i32>} : memref<128x128xf32, #tpu.memory_space<vmem>>, vector<16xf32>,
      %swap3A_51 = arith.index_cast %add3A_33 : i32 to index
      %swap3A_52 = arith.constant 96 : index
      %swap3A_53 = tpu.vector_load %arg10[%swap3A_51, %swap3A_52] {strides = array<i32>} : memref<128x128xf32, #tpu.memory_space<vmem>>, vector<16xf32>,
      tpu.vector_store %arg10[%swap3A_51, %swap3A_52], %broadcast_in_dim3A_5 {strides = array<i32>} : memref<128x128xf32, #tpu.memory_space<vmem>>, vector<16xf32>,
      %swap3A_54 = arith.index_cast %add3A_33 : i32 to index
      %swap3A_55 = arith.constant 112 : index
      %swap3A_56 = tpu.vector_load %arg10[%swap3A_54, %swap3A_55] {strides = array<i32>} : memref<128x128xf32, #tpu.memory_space<vmem>>, vector<16xf32>,
      tpu.vector_store %arg10[%swap3A_54, %swap3A_55], %broadcast_in_dim3A_5 {strides = array<i32>} : memref<128x128xf32, #tpu.memory_space<vmem>>, vector<16xf32>,
    }
    %scan3A_9 = arith.constant 128 : i32
    %scan3A_10 = arith.constant 0 : i32
    %scan3A_11 = arith.constant 5 : i32
    %scan3A_12 = arith.addi %scan3A_10, %scan3A_11 : i32
    %scan3A_13 = arith.constant 1 : i32
    scf.for %scan3A_29 = %scan3A_10 to %scan3A_12 step %scan3A_13  : i32 {
      %mul3A_30 = arith.constant 1 : i32
      %mul3A_31 = arith.muli %scan3A_29, %mul3A_30 : i32
      %add3A_32 = arith.constant 0 : i32
      %add3A_33 = arith.addi %add3A_32, %mul3A_31 : i32
      %mul3A_34 = arith.constant 640 : i32
      %mul3A_35 = arith.muli %arg1, %mul3A_34 : i32
      %mul3A_36 = arith.constant 128 : i32
      %mul3A_37 = arith.muli %add3A_33, %mul3A_36 : i32
      %add3A_38 = arith.addi %mul3A_35, %mul3A_37 : i32
      "tpu.region"() ({
        %run_scoped3A = tpu.sem_alloc : memref<!tpu.dma_semaphore, #tpu.memory_space<semaphore_mem>>
        %dma_start3A = arith.constant 0 : i32
        %dma_start3A_39 = tpu.memref_slice %arg12[%add3A_38, %dma_start3A] : memref<10240x128xf32, #tpu.memory_space<vmem_shared>> -> memref<128x128xf32, #tpu.memory_space<vmem_shared>>
        %dma_start3A_40 = arith.constant 0 : i32
        %dma_start3A_41 = tpu.memref_slice %arg12[%add3A_38, %dma_start3A_40] : memref<10240x128xf32, #tpu.memory_space<vmem_shared>> -> memref<128x128xf32, #tpu.memory_space<vmem_shared>>
        tpu.enqueue_dma source(%arg10 : memref<128x128xf32, #tpu.memory_space<vmem>>) target(%dma_start3A_41 : memref<128x128xf32, #tpu.memory_space<vmem_shared>>) target_semaphore(%run_scoped3A : memref<!tpu.dma_semaphore, #tpu.memory_space<semaphore_mem>>)
        %dma_wait3A = arith.constant 0 : i32
        %dma_wait3A_42 = tpu.memref_slice %arg12[%add3A_38, %dma_wait3A] : memref<10240x128xf32, #tpu.memory_space<vmem_shared>> -> memref<128x128xf32, #tpu.memory_space<vmem_shared>>
        %dma_wait3A_43 = arith.constant 0 : i32
        %dma_wait3A_44 = tpu.memref_slice %arg12[%add3A_38, %dma_wait3A_43] : memref<10240x128xf32, #tpu.memory_space<vmem_shared>> -> memref<128x128xf32, #tpu.memory_space<vmem_shared>>
        tpu.wait_dma2 semaphore(%run_scoped3A : memref<!tpu.dma_semaphore, #tpu.memory_space<semaphore_mem>>) src(%arg10 : memref<128x128xf32, #tpu.memory_space<vmem>>) dst(%dma_wait3A_44 : memref<128x128xf32, #tpu.memory_space<vmem_shared>>)
        tpu.yield
      }) : () -> ()
    }
    %scan3A_14 = arith.constant 5 : i32
    %barrier3A = arith.constant 0 : index
    tpu.barrier barrier_id(%barrier3A)
    %mul3A_15 = arith.constant 72 : i32
    %mul3A_16 = arith.muli %add3A, %mul3A_15 : i32
    %mul3A_17 = arith.constant 128 : i32
    %mul3A_18 = arith.muli %mul3A_16, %mul3A_17 : i32
    "tpu.region"() ({
      %run_scoped3A = tpu.sem_alloc : memref<!tpu.dma_semaphore, #tpu.memory_space<semaphore_mem>>
      %dma_start3A = tpu.memref_slice %arg3[%mul3A_18] : memref<294912xi32, #tpu.memory_space<hbm>> -> memref<256xi32, #tpu.memory_space<hbm>>
      %dma_start3A_29 = tpu.memref_slice %arg3[%mul3A_18] : memref<294912xi32, #tpu.memory_space<hbm>> -> memref<256xi32, #tpu.memory_space<hbm>>
      tpu.enqueue_dma source(%dma_start3A_29 : memref<256xi32, #tpu.memory_space<hbm>>) target(%arg8 : memref<256xi32, #tpu.memory_space<vmem>>) target_semaphore(%run_scoped3A : memref<!tpu.dma_semaphore, #tpu.memory_space<semaphore_mem>>)
      %dma_wait3A = tpu.memref_slice %arg3[%mul3A_18] : memref<294912xi32, #tpu.memory_space<hbm>> -> memref<256xi32, #tpu.memory_space<hbm>>
      %dma_wait3A_30 = tpu.memref_slice %arg3[%mul3A_18] : memref<294912xi32, #tpu.memory_space<hbm>> -> memref<256xi32, #tpu.memory_space<hbm>>
      tpu.wait_dma2 semaphore(%run_scoped3A : memref<!tpu.dma_semaphore, #tpu.memory_space<semaphore_mem>>) src(%dma_wait3A_30 : memref<256xi32, #tpu.memory_space<hbm>>) dst(%arg8 : memref<256xi32, #tpu.memory_space<vmem>>)
      tpu.yield
    }) : () -> ()
    "tpu.region"() ({
      %run_scoped3A = tpu.sem_alloc : memref<!tpu.dma_semaphore, #tpu.memory_space<semaphore_mem>>
      %dma_start3A = tpu.memref_slice %arg5[%mul3A_18] : memref<294912xf32, #tpu.memory_space<hbm>> -> memref<256xf32, #tpu.memory_space<hbm>>
      %dma_start3A_29 = tpu.memref_slice %arg5[%mul3A_18] : memref<294912xf32, #tpu.memory_space<hbm>> -> memref<256xf32, #tpu.memory_space<hbm>>
      tpu.enqueue_dma source(%dma_start3A_29 : memref<256xf32, #tpu.memory_space<hbm>>) target(%arg9 : memref<256xf32, #tpu.memory_space<vmem>>) target_semaphore(%run_scoped3A : memref<!tpu.dma_semaphore, #tpu.memory_space<semaphore_mem>>)
      %dma_wait3A = tpu.memref_slice %arg5[%mul3A_18] : memref<294912xf32, #tpu.memory_space<hbm>> -> memref<256xf32, #tpu.memory_space<hbm>>
      %dma_wait3A_30 = tpu.memref_slice %arg5[%mul3A_18] : memref<294912xf32, #tpu.memory_space<hbm>> -> memref<256xf32, #tpu.memory_space<hbm>>
      tpu.wait_dma2 semaphore(%run_scoped3A : memref<!tpu.dma_semaphore, #tpu.memory_space<semaphore_mem>>) src(%dma_wait3A_30 : memref<256xf32, #tpu.memory_space<hbm>>) dst(%arg9 : memref<256xf32, #tpu.memory_space<vmem>>)
      tpu.yield
    }) : () -> ()
    %scan3A_19 = arith.constant 0 : i32
    %scan3A_20 = arith.constant 36 : i32
    %scan3A_21 = arith.addi %scan3A_19, %scan3A_20 : i32
    %scan3A_22 = arith.constant 1 : i32
    scf.for %scan3A_29 = %scan3A_19 to %scan3A_21 step %scan3A_22  : i32 {
      %mul3A_30 = arith.constant 1 : i32
      %mul3A_31 = arith.muli %scan3A_29, %mul3A_30 : i32
      %add3A_32 = arith.constant 0 : i32
      %add3A_33 = arith.addi %add3A_32, %mul3A_31 : i32
      %mul3A_34 = arith.constant 2 : i32
      %mul3A_35 = arith.muli %mul3A_34, %add3A_33 : i32
      %add3A_36 = arith.constant 1 : i32
      %add3A_37 = arith.addi %mul3A_35, %add3A_36 : i32
      %lt3A = arith.cmpi slt, %mul3A_35, %select_n3A : i32
      %convert_element_type3A_38 = arith.extui %lt3A : i1 to i32
      %cond3A_39 = arith.constant 0 : i32
      %cond3A_40 = arith.cmpi ne, %convert_element_type3A_38, %cond3A_39 : i32
      scf.if %cond3A_40 {
        %gt3A_41 = arith.constant 0 : i32
        %gt3A_42 = arith.cmpi sgt, %add3A_33, %gt3A_41 : i32
        %convert_element_type3A_43 = arith.extui %gt3A_42 : i1 to i32
        %cond3A_44 = arith.constant 0 : i32
        %cond3A_45 = arith.cmpi ne, %convert_element_type3A_43, %cond3A_44 : i32
        scf.if %cond3A_45 {
          %dma_wait3A_115 = tpu.memref_slice %arg3[%mul3A_18] : memref<294912xi32, #tpu.memory_space<hbm>> -> memref<256xi32, #tpu.memory_space<hbm>>
          %dma_wait3A_116 = tpu.memref_slice %arg3[%mul3A_18] : memref<294912xi32, #tpu.memory_space<hbm>> -> memref<256xi32, #tpu.memory_space<hbm>>
          tpu.wait_dma2 semaphore(%arg17 : memref<!tpu.dma_semaphore, #tpu.memory_space<semaphore_mem>>) src(%dma_wait3A_116 : memref<256xi32, #tpu.memory_space<hbm>>) dst(%arg8 : memref<256xi32, #tpu.memory_space<vmem>>)
          %dma_wait3A_117 = arith.constant 0 : i32
          %dma_wait3A_118 = arith.constant 0 : i32
          %dma_wait3A_119 = tpu.memref_slice %arg7[%dma_wait3A_117, %dma_wait3A_118] : memref<72x128xi32, #tpu.memory_space<vmem>> -> memref<1x128xi32, #tpu.memory_space<vmem>>
          %dma_wait3A_120 = tpu.memref_squeeze %dma_wait3A_119 : memref<1x128xi32, #tpu.memory_space<vmem>> -> memref<128xi32, #tpu.memory_space<vmem>>
          %dma_wait3A_121 = arith.constant 0 : i32
          %dma_wait3A_122 = arith.constant 0 : i32
          %dma_wait3A_123 = tpu.memref_slice %arg12[%dma_wait3A_121, %dma_wait3A_122] : memref<10240x128xf32, #tpu.memory_space<vmem_shared>> -> memref<10240x128xf32, #tpu.memory_space<vmem_shared>>
          tpu.wait_indirect_dma semaphore(%arg15 : memref<!tpu.dma_semaphore, #tpu.memory_space<semaphore_mem>>) src(%arg10 : memref<128x128xf32, #tpu.memory_space<vmem>>) dst(%dma_wait3A_123 : memref<10240x128xf32, #tpu.memory_space<vmem_shared>>)
        } else {
        }
        %dma_start3A = arith.constant 0 : i32
        %dma_start3A_46 = tpu.memref_slice %arg8[%dma_start3A] : memref<256xi32, #tpu.memory_space<vmem>> -> memref<128xi32, #tpu.memory_space<vmem>>
        %dma_start3A_47 = arith.constant 0 : i32
        %dma_start3A_48 = arith.constant 0 : i32
        %dma_start3A_49 = tpu.memref_slice %arg2[%dma_start3A_47, %dma_start3A_48] : memref<10000x128xf32, #tpu.memory_space<hbm>> -> memref<10000x128xf32, #tpu.memory_space<hbm>>
        tpu.enqueue_indirect_dma source(%dma_start3A_49 : memref<10000x128xf32, #tpu.memory_space<hbm>>) target(%arg10 : memref<128x128xf32, #tpu.memory_space<vmem>>) offsets(%dma_start3A_46 : memref<128xi32, #tpu.memory_space<vmem>>) semaphore(%arg13 : memref<!tpu.dma_semaphore, #tpu.memory_space<semaphore_mem>>)
        %gt3A_50 = arith.constant 0 : i32
        %gt3A_51 = arith.cmpi sgt, %add3A_33, %gt3A_50 : i32
        %convert_element_type3A_52 = arith.extui %gt3A_51 : i1 to i32
        %cond3A_53 = arith.constant 0 : i32
        %cond3A_54 = arith.cmpi ne, %convert_element_type3A_52, %cond3A_53 : i32
        scf.if %cond3A_54 {
          %dma_wait3A_115 = arith.constant 0 : i32
          %dma_wait3A_116 = arith.constant 0 : i32
          %dma_wait3A_117 = tpu.memref_slice %arg7[%dma_wait3A_115, %dma_wait3A_116] : memref<72x128xi32, #tpu.memory_space<vmem>> -> memref<1x128xi32, #tpu.memory_space<vmem>>
          %dma_wait3A_118 = tpu.memref_squeeze %dma_wait3A_117 : memref<1x128xi32, #tpu.memory_space<vmem>> -> memref<128xi32, #tpu.memory_space<vmem>>
          %dma_wait3A_119 = arith.constant 0 : i32
          %dma_wait3A_120 = arith.constant 0 : i32
          %dma_wait3A_121 = tpu.memref_slice %arg12[%dma_wait3A_119, %dma_wait3A_120] : memref<10240x128xf32, #tpu.memory_space<vmem_shared>> -> memref<10240x128xf32, #tpu.memory_space<vmem_shared>>
          tpu.wait_indirect_dma semaphore(%arg16 : memref<!tpu.dma_semaphore, #tpu.memory_space<semaphore_mem>>) src(%arg11 : memref<128x128xf32, #tpu.memory_space<vmem>>) dst(%dma_wait3A_121 : memref<10240x128xf32, #tpu.memory_space<vmem_shared>>)
        } else {
        }
        %dma_start3A_55 = arith.constant 128 : i32
        %dma_start3A_56 = tpu.memref_slice %arg8[%dma_start3A_55] : memref<256xi32, #tpu.memory_space<vmem>> -> memref<128xi32, #tpu.memory_space<vmem>>
        %dma_start3A_57 = arith.constant 0 : i32
        %dma_start3A_58 = arith.constant 0 : i32
        %dma_start3A_59 = tpu.memref_slice %arg2[%dma_start3A_57, %dma_start3A_58] : memref<10000x128xf32, #tpu.memory_space<hbm>> -> memref<10000x128xf32, #tpu.memory_space<hbm>>
        tpu.enqueue_indirect_dma source(%dma_start3A_59 : memref<10000x128xf32, #tpu.memory_space<hbm>>) target(%arg11 : memref<128x128xf32, #tpu.memory_space<vmem>>) offsets(%dma_start3A_56 : memref<128xi32, #tpu.memory_space<vmem>>) semaphore(%arg14 : memref<!tpu.dma_semaphore, #tpu.memory_space<semaphore_mem>>)
        %dma_wait3A = arith.constant 0 : i32
        %dma_wait3A_60 = tpu.memref_slice %arg8[%dma_wait3A] : memref<256xi32, #tpu.memory_space<vmem>> -> memref<128xi32, #tpu.memory_space<vmem>>
        %dma_wait3A_61 = arith.constant 0 : i32
        %dma_wait3A_62 = arith.constant 0 : i32
        %dma_wait3A_63 = tpu.memref_slice %arg2[%dma_wait3A_61, %dma_wait3A_62] : memref<10000x128xf32, #tpu.memory_space<hbm>> -> memref<10000x128xf32, #tpu.memory_space<hbm>>
        tpu.wait_indirect_dma semaphore(%arg13 : memref<!tpu.dma_semaphore, #tpu.memory_space<semaphore_mem>>) src(%dma_wait3A_63 : memref<10000x128xf32, #tpu.memory_space<hbm>>) dst(%arg10 : memref<128x128xf32, #tpu.memory_space<vmem>>)
        %gt3A_64 = arith.constant 0 : i32
        %gt3A_65 = arith.cmpi sgt, %add3A_33, %gt3A_64 : i32
        %convert_element_type3A_66 = arith.extui %gt3A_65 : i1 to i32
        %cond3A_67 = arith.constant 0 : i32
        %cond3A_68 = arith.cmpi ne, %convert_element_type3A_66, %cond3A_67 : i32
        scf.if %cond3A_68 {
          %dma_wait3A_115 = tpu.memref_slice %arg5[%mul3A_18] : memref<294912xf32, #tpu.memory_space<hbm>> -> memref<256xf32, #tpu.memory_space<hbm>>
          %dma_wait3A_116 = tpu.memref_slice %arg5[%mul3A_18] : memref<294912xf32, #tpu.memory_space<hbm>> -> memref<256xf32, #tpu.memory_space<hbm>>
          tpu.wait_dma2 semaphore(%arg18 : memref<!tpu.dma_semaphore, #tpu.memory_space<semaphore_mem>>) src(%dma_wait3A_116 : memref<256xf32, #tpu.memory_space<hbm>>) dst(%arg9 : memref<256xf32, #tpu.memory_space<vmem>>)
        } else {
        }
        %scan3A_69 = arith.constant 0 : i32
        %scan3A_70 = arith.constant 128 : i32
        %scan3A_71 = arith.addi %scan3A_69, %scan3A_70 : i32
        %scan3A_72 = arith.constant 4 : i32
        scf.for %scan3A_115 = %scan3A_69 to %scan3A_71 step %scan3A_72  : i32 {
          %mul3A_116 = arith.constant 1 : i32
          %mul3A_117 = arith.muli %scan3A_115, %mul3A_116 : i32
          %add3A_118 = arith.constant 0 : i32
          %add3A_119 = arith.addi %add3A_118, %mul3A_117 : i32
          %add3A_120 = arith.constant 0 : i32
          %add3A_121 = arith.addi %add3A_120, %add3A_119 : i32
          %broadcast_in_dim3A_122 = vector.broadcast %add3A_121 : i32 to vector<16xi32>
          %gather3A = tpu.vector_load_idx %arg9[%broadcast_in_dim3A_122] : memref<256xf32, #tpu.memory_space<vmem>>[vector<16xi32>], vector<16xf32>,
          %get3A = arith.index_cast %add3A_119 : i32 to index
          %get3A_123 = arith.constant 0 : index
          %get3A_124 = tpu.vector_load %arg10[%get3A, %get3A_123] {strides = array<i32>} : memref<128x128xf32, #tpu.memory_space<vmem>>, vector<16xf32>,
          %mul3A_125 = arith.mulf %get3A_124, %gather3A : vector<16xf32>
          %swap3A = arith.index_cast %add3A_119 : i32 to index
          %swap3A_126 = arith.constant 0 : index
          %swap3A_127 = tpu.vector_load %arg10[%swap3A, %swap3A_126] {strides = array<i32>} : memref<128x128xf32, #tpu.memory_space<vmem>>, vector<16xf32>,
          tpu.vector_store %arg10[%swap3A, %swap3A_126], %mul3A_125 {strides = array<i32>} : memref<128x128xf32, #tpu.memory_space<vmem>>, vector<16xf32>,
          %get3A_128 = arith.index_cast %add3A_119 : i32 to index
          %get3A_129 = arith.constant 16 : index
          %get3A_130 = tpu.vector_load %arg10[%get3A_128, %get3A_129] {strides = array<i32>} : memref<128x128xf32, #tpu.memory_space<vmem>>, vector<16xf32>,
          %mul3A_131 = arith.mulf %get3A_130, %gather3A : vector<16xf32>
          %swap3A_132 = arith.index_cast %add3A_119 : i32 to index
          %swap3A_133 = arith.constant 16 : index
          %swap3A_134 = tpu.vector_load %arg10[%swap3A_132, %swap3A_133] {strides = array<i32>} : memref<128x128xf32, #tpu.memory_space<vmem>>, vector<16xf32>,
          tpu.vector_store %arg10[%swap3A_132, %swap3A_133], %mul3A_131 {strides = array<i32>} : memref<128x128xf32, #tpu.memory_space<vmem>>, vector<16xf32>,
          %get3A_135 = arith.index_cast %add3A_119 : i32 to index
          %get3A_136 = arith.constant 32 : index
          %get3A_137 = tpu.vector_load %arg10[%get3A_135, %get3A_136] {strides = array<i32>} : memref<128x128xf32, #tpu.memory_space<vmem>>, vector<16xf32>,
          %mul3A_138 = arith.mulf %get3A_137, %gather3A : vector<16xf32>
          %swap3A_139 = arith.index_cast %add3A_119 : i32 to index
          %swap3A_140 = arith.constant 32 : index
          %swap3A_141 = tpu.vector_load %arg10[%swap3A_139, %swap3A_140] {strides = array<i32>} : memref<128x128xf32, #tpu.memory_space<vmem>>, vector<16xf32>,
          tpu.vector_store %arg10[%swap3A_139, %swap3A_140], %mul3A_138 {strides = array<i32>} : memref<128x128xf32, #tpu.memory_space<vmem>>, vector<16xf32>,
          %get3A_142 = arith.index_cast %add3A_119 : i32 to index
          %get3A_143 = arith.constant 48 : index
          %get3A_144 = tpu.vector_load %arg10[%get3A_142, %get3A_143] {strides = array<i32>} : memref<128x128xf32, #tpu.memory_space<vmem>>, vector<16xf32>,
          %mul3A_145 = arith.mulf %get3A_144, %gather3A : vector<16xf32>
          %swap3A_146 = arith.index_cast %add3A_119 : i32 to index
          %swap3A_147 = arith.constant 48 : index
          %swap3A_148 = tpu.vector_load %arg10[%swap3A_146, %swap3A_147] {strides = array<i32>} : memref<128x128xf32, #tpu.memory_space<vmem>>, vector<16xf32>,
          tpu.vector_store %arg10[%swap3A_146, %swap3A_147], %mul3A_145 {strides = array<i32>} : memref<128x128xf32, #tpu.memory_space<vmem>>, vector<16xf32>,
          %get3A_149 = arith.index_cast %add3A_119 : i32 to index
          %get3A_150 = arith.constant 64 : index
          %get3A_151 = tpu.vector_load %arg10[%get3A_149, %get3A_150] {strides = array<i32>} : memref<128x128xf32, #tpu.memory_space<vmem>>, vector<16xf32>,
          %mul3A_152 = arith.mulf %get3A_151, %gather3A : vector<16xf32>
          %swap3A_153 = arith.index_cast %add3A_119 : i32 to index
          %swap3A_154 = arith.constant 64 : index
          %swap3A_155 = tpu.vector_load %arg10[%swap3A_153, %swap3A_154] {strides = array<i32>} : memref<128x128xf32, #tpu.memory_space<vmem>>, vector<16xf32>,
          tpu.vector_store %arg10[%swap3A_153, %swap3A_154], %mul3A_152 {strides = array<i32>} : memref<128x128xf32, #tpu.memory_space<vmem>>, vector<16xf32>,
          %get3A_156 = arith.index_cast %add3A_119 : i32 to index
          %get3A_157 = arith.constant 80 : index
          %get3A_158 = tpu.vector_load %arg10[%get3A_156, %get3A_157] {strides = array<i32>} : memref<128x128xf32, #tpu.memory_space<vmem>>, vector<16xf32>,
          %mul3A_159 = arith.mulf %get3A_158, %gather3A : vector<16xf32>
          %swap3A_160 = arith.index_cast %add3A_119 : i32 to index
          %swap3A_161 = arith.constant 80 : index
          %swap3A_162 = tpu.vector_load %arg10[%swap3A_160, %swap3A_161] {strides = array<i32>} : memref<128x128xf32, #tpu.memory_space<vmem>>, vector<16xf32>,
          tpu.vector_store %arg10[%swap3A_160, %swap3A_161], %mul3A_159 {strides = array<i32>} : memref<128x128xf32, #tpu.memory_space<vmem>>, vector<16xf32>,
          %get3A_163 = arith.index_cast %add3A_119 : i32 to index
          %get3A_164 = arith.constant 96 : index
          %get3A_165 = tpu.vector_load %arg10[%get3A_163, %get3A_164] {strides = array<i32>} : memref<128x128xf32, #tpu.memory_space<vmem>>, vector<16xf32>,
          %mul3A_166 = arith.mulf %get3A_165, %gather3A : vector<16xf32>
          %swap3A_167 = arith.index_cast %add3A_119 : i32 to index
          %swap3A_168 = arith.constant 96 : index
          %swap3A_169 = tpu.vector_load %arg10[%swap3A_167, %swap3A_168] {strides = array<i32>} : memref<128x128xf32, #tpu.memory_space<vmem>>, vector<16xf32>,
          tpu.vector_store %arg10[%swap3A_167, %swap3A_168], %mul3A_166 {strides = array<i32>} : memref<128x128xf32, #tpu.memory_space<vmem>>, vector<16xf32>,
          %get3A_170 = arith.index_cast %add3A_119 : i32 to index
          %get3A_171 = arith.constant 112 : index
          %get3A_172 = tpu.vector_load %arg10[%get3A_170, %get3A_171] {strides = array<i32>} : memref<128x128xf32, #tpu.memory_space<vmem>>, vector<16xf32>,
          %mul3A_173 = arith.mulf %get3A_172, %gather3A : vector<16xf32>
          %swap3A_174 = arith.index_cast %add3A_119 : i32 to index
          %swap3A_175 = arith.constant 112 : index
          %swap3A_176 = tpu.vector_load %arg10[%swap3A_174, %swap3A_175] {strides = array<i32>} : memref<128x128xf32, #tpu.memory_space<vmem>>, vector<16xf32>,
          tpu.vector_store %arg10[%swap3A_174, %swap3A_175], %mul3A_173 {strides = array<i32>} : memref<128x128xf32, #tpu.memory_space<vmem>>, vector<16xf32>,
          %scan3A_177 = arith.constant 1 : i32
          %scan3A_178 = arith.addi %scan3A_115, %scan3A_177 : i32
          %mul3A_179 = arith.constant 1 : i32
          %mul3A_180 = arith.muli %scan3A_178, %mul3A_179 : i32
          %add3A_181 = arith.constant 0 : i32
          %add3A_182 = arith.addi %add3A_181, %mul3A_180 : i32
          %add3A_183 = arith.constant 0 : i32
          %add3A_184 = arith.addi %add3A_183, %add3A_182 : i32
          %broadcast_in_dim3A_185 = vector.broadcast %add3A_184 : i32 to vector<16xi32>
          %gather3A_186 = tpu.vector_load_idx %arg9[%broadcast_in_dim3A_185] : memref<256xf32, #tpu.memory_space<vmem>>[vector<16xi32>], vector<16xf32>,
          %get3A_187 = arith.index_cast %add3A_182 : i32 to index
          %get3A_188 = arith.constant 0 : index
          %get3A_189 = tpu.vector_load %arg10[%get3A_187, %get3A_188] {strides = array<i32>} : memref<128x128xf32, #tpu.memory_space<vmem>>, vector<16xf32>,
          %mul3A_190 = arith.mulf %get3A_189, %gather3A_186 : vector<16xf32>
          %swap3A_191 = arith.index_cast %add3A_182 : i32 to index
          %swap3A_192 = arith.constant 0 : index
          %swap3A_193 = tpu.vector_load %arg10[%swap3A_191, %swap3A_192] {strides = array<i32>} : memref<128x128xf32, #tpu.memory_space<vmem>>, vector<16xf32>,
          tpu.vector_store %arg10[%swap3A_191, %swap3A_192], %mul3A_190 {strides = array<i32>} : memref<128x128xf32, #tpu.memory_space<vmem>>, vector<16xf32>,
          %get3A_194 = arith.index_cast %add3A_182 : i32 to index
          %get3A_195 = arith.constant 16 : index
          %get3A_196 = tpu.vector_load %arg10[%get3A_194, %get3A_195] {strides = array<i32>} : memref<128x128xf32, #tpu.memory_space<vmem>>, vector<16xf32>,
          %mul3A_197 = arith.mulf %get3A_196, %gather3A_186 : vector<16xf32>
          %swap3A_198 = arith.index_cast %add3A_182 : i32 to index
          %swap3A_199 = arith.constant 16 : index
          %swap3A_200 = tpu.vector_load %arg10[%swap3A_198, %swap3A_199] {strides = array<i32>} : memref<128x128xf32, #tpu.memory_space<vmem>>, vector<16xf32>,
          tpu.vector_store %arg10[%swap3A_198, %swap3A_199], %mul3A_197 {strides = array<i32>} : memref<128x128xf32, #tpu.memory_space<vmem>>, vector<16xf32>,
          %get3A_201 = arith.index_cast %add3A_182 : i32 to index
          %get3A_202 = arith.constant 32 : index
          %get3A_203 = tpu.vector_load %arg10[%get3A_201, %get3A_202] {strides = array<i32>} : memref<128x128xf32, #tpu.memory_space<vmem>>, vector<16xf32>,
          %mul3A_204 = arith.mulf %get3A_203, %gather3A_186 : vector<16xf32>
          %swap3A_205 = arith.index_cast %add3A_182 : i32 to index
          %swap3A_206 = arith.constant 32 : index
          %swap3A_207 = tpu.vector_load %arg10[%swap3A_205, %swap3A_206] {strides = array<i32>} : memref<128x128xf32, #tpu.memory_space<vmem>>, vector<16xf32>,
          tpu.vector_store %arg10[%swap3A_205, %swap3A_206], %mul3A_204 {strides = array<i32>} : memref<128x128xf32, #tpu.memory_space<vmem>>, vector<16xf32>,
          %get3A_208 = arith.index_cast %add3A_182 : i32 to index
          %get3A_209 = arith.constant 48 : index
          %get3A_210 = tpu.vector_load %arg10[%get3A_208, %get3A_209] {strides = array<i32>} : memref<128x128xf32, #tpu.memory_space<vmem>>, vector<16xf32>,
          %mul3A_211 = arith.mulf %get3A_210, %gather3A_186 : vector<16xf32>
          %swap3A_212 = arith.index_cast %add3A_182 : i32 to index
          %swap3A_213 = arith.constant 48 : index
          %swap3A_214 = tpu.vector_load %arg10[%swap3A_212, %swap3A_213] {strides = array<i32>} : memref<128x128xf32, #tpu.memory_space<vmem>>, vector<16xf32>,
          tpu.vector_store %arg10[%swap3A_212, %swap3A_213], %mul3A_211 {strides = array<i32>} : memref<128x128xf32, #tpu.memory_space<vmem>>, vector<16xf32>,
          %get3A_215 = arith.index_cast %add3A_182 : i32 to index
          %get3A_216 = arith.constant 64 : index
          %get3A_217 = tpu.vector_load %arg10[%get3A_215, %get3A_216] {strides = array<i32>} : memref<128x128xf32, #tpu.memory_space<vmem>>, vector<16xf32>,
          %mul3A_218 = arith.mulf %get3A_217, %gather3A_186 : vector<16xf32>
          %swap3A_219 = arith.index_cast %add3A_182 : i32 to index
          %swap3A_220 = arith.constant 64 : index
          %swap3A_221 = tpu.vector_load %arg10[%swap3A_219, %swap3A_220] {strides = array<i32>} : memref<128x128xf32, #tpu.memory_space<vmem>>, vector<16xf32>,
          tpu.vector_store %arg10[%swap3A_219, %swap3A_220], %mul3A_218 {strides = array<i32>} : memref<128x128xf32, #tpu.memory_space<vmem>>, vector<16xf32>,
          %get3A_222 = arith.index_cast %add3A_182 : i32 to index
          %get3A_223 = arith.constant 80 : index
          %get3A_224 = tpu.vector_load %arg10[%get3A_222, %get3A_223] {strides = array<i32>} : memref<128x128xf32, #tpu.memory_space<vmem>>, vector<16xf32>,
          %mul3A_225 = arith.mulf %get3A_224, %gather3A_186 : vector<16xf32>
          %swap3A_226 = arith.index_cast %add3A_182 : i32 to index
          %swap3A_227 = arith.constant 80 : index
          %swap3A_228 = tpu.vector_load %arg10[%swap3A_226, %swap3A_227] {strides = array<i32>} : memref<128x128xf32, #tpu.memory_space<vmem>>, vector<16xf32>,
          tpu.vector_store %arg10[%swap3A_226, %swap3A_227], %mul3A_225 {strides = array<i32>} : memref<128x128xf32, #tpu.memory_space<vmem>>, vector<16xf32>,
          %get3A_229 = arith.index_cast %add3A_182 : i32 to index
          %get3A_230 = arith.constant 96 : index
          %get3A_231 = tpu.vector_load %arg10[%get3A_229, %get3A_230] {strides = array<i32>} : memref<128x128xf32, #tpu.memory_space<vmem>>, vector<16xf32>,
          %mul3A_232 = arith.mulf %get3A_231, %gather3A_186 : vector<16xf32>
          %swap3A_233 = arith.index_cast %add3A_182 : i32 to index
          %swap3A_234 = arith.constant 96 : index
          %swap3A_235 = tpu.vector_load %arg10[%swap3A_233, %swap3A_234] {strides = array<i32>} : memref<128x128xf32, #tpu.memory_space<vmem>>, vector<16xf32>,
          tpu.vector_store %arg10[%swap3A_233, %swap3A_234], %mul3A_232 {strides = array<i32>} : memref<128x128xf32, #tpu.memory_space<vmem>>, vector<16xf32>,
          %get3A_236 = arith.index_cast %add3A_182 : i32 to index
          %get3A_237 = arith.constant 112 : index
          %get3A_238 = tpu.vector_load %arg10[%get3A_236, %get3A_237] {strides = array<i32>} : memref<128x128xf32, #tpu.memory_space<vmem>>, vector<16xf32>,
          %mul3A_239 = arith.mulf %get3A_238, %gather3A_186 : vector<16xf32>
          %swap3A_240 = arith.index_cast %add3A_182 : i32 to index
          %swap3A_241 = arith.constant 112 : index
          %swap3A_242 = tpu.vector_load %arg10[%swap3A_240, %swap3A_241] {strides = array<i32>} : memref<128x128xf32, #tpu.memory_space<vmem>>, vector<16xf32>,
          tpu.vector_store %arg10[%swap3A_240, %swap3A_241], %mul3A_239 {strides = array<i32>} : memref<128x128xf32, #tpu.memory_space<vmem>>, vector<16xf32>,
          %scan3A_243 = arith.constant 2 : i32
          %scan3A_244 = arith.addi %scan3A_115, %scan3A_243 : i32
          %mul3A_245 = arith.constant 1 : i32
          %mul3A_246 = arith.muli %scan3A_244, %mul3A_245 : i32
          %add3A_247 = arith.constant 0 : i32
          %add3A_248 = arith.addi %add3A_247, %mul3A_246 : i32
          %add3A_249 = arith.constant 0 : i32
          %add3A_250 = arith.addi %add3A_249, %add3A_248 : i32
          %broadcast_in_dim3A_251 = vector.broadcast %add3A_250 : i32 to vector<16xi32>
          %gather3A_252 = tpu.vector_load_idx %arg9[%broadcast_in_dim3A_251] : memref<256xf32, #tpu.memory_space<vmem>>[vector<16xi32>], vector<16xf32>,
          %get3A_253 = arith.index_cast %add3A_248 : i32 to index
          %get3A_254 = arith.constant 0 : index
          %get3A_255 = tpu.vector_load %arg10[%get3A_253, %get3A_254] {strides = array<i32>} : memref<128x128xf32, #tpu.memory_space<vmem>>, vector<16xf32>,
          %mul3A_256 = arith.mulf %get3A_255, %gather3A_252 : vector<16xf32>
          %swap3A_257 = arith.index_cast %add3A_248 : i32 to index
          %swap3A_258 = arith.constant 0 : index
          %swap3A_259 = tpu.vector_load %arg10[%swap3A_257, %swap3A_258] {strides = array<i32>} : memref<128x128xf32, #tpu.memory_space<vmem>>, vector<16xf32>,
          tpu.vector_store %arg10[%swap3A_257, %swap3A_258], %mul3A_256 {strides = array<i32>} : memref<128x128xf32, #tpu.memory_space<vmem>>, vector<16xf32>,
          %get3A_260 = arith.index_cast %add3A_248 : i32 to index
          %get3A_261 = arith.constant 16 : index
          %get3A_262 = tpu.vector_load %arg10[%get3A_260, %get3A_261] {strides = array<i32>} : memref<128x128xf32, #tpu.memory_space<vmem>>, vector<16xf32>,
          %mul3A_263 = arith.mulf %get3A_262, %gather3A_252 : vector<16xf32>
          %swap3A_264 = arith.index_cast %add3A_248 : i32 to index
          %swap3A_265 = arith.constant 16 : index
          %swap3A_266 = tpu.vector_load %arg10[%swap3A_264, %swap3A_265] {strides = array<i32>} : memref<128x128xf32, #tpu.memory_space<vmem>>, vector<16xf32>,
          tpu.vector_store %arg10[%swap3A_264, %swap3A_265], %mul3A_263 {strides = array<i32>} : memref<128x128xf32, #tpu.memory_space<vmem>>, vector<16xf32>,
          %get3A_267 = arith.index_cast %add3A_248 : i32 to index
          %get3A_268 = arith.constant 32 : index
          %get3A_269 = tpu.vector_load %arg10[%get3A_267, %get3A_268] {strides = array<i32>} : memref<128x128xf32, #tpu.memory_space<vmem>>, vector<16xf32>,
          %mul3A_270 = arith.mulf %get3A_269, %gather3A_252 : vector<16xf32>
          %swap3A_271 = arith.index_cast %add3A_248 : i32 to index
          %swap3A_272 = arith.constant 32 : index
          %swap3A_273 = tpu.vector_load %arg10[%swap3A_271, %swap3A_272] {strides = array<i32>} : memref<128x128xf32, #tpu.memory_space<vmem>>, vector<16xf32>,
          tpu.vector_store %arg10[%swap3A_271, %swap3A_272], %mul3A_270 {strides = array<i32>} : memref<128x128xf32, #tpu.memory_space<vmem>>, vector<16xf32>,
          %get3A_274 = arith.index_cast %add3A_248 : i32 to index
          %get3A_275 = arith.constant 48 : index
          %get3A_276 = tpu.vector_load %arg10[%get3A_274, %get3A_275] {strides = array<i32>} : memref<128x128xf32, #tpu.memory_space<vmem>>, vector<16xf32>,
          %mul3A_277 = arith.mulf %get3A_276, %gather3A_252 : vector<16xf32>
          %swap3A_278 = arith.index_cast %add3A_248 : i32 to index
          %swap3A_279 = arith.constant 48 : index
          %swap3A_280 = tpu.vector_load %arg10[%swap3A_278, %swap3A_279] {strides = array<i32>} : memref<128x128xf32, #tpu.memory_space<vmem>>, vector<16xf32>,
          tpu.vector_store %arg10[%swap3A_278, %swap3A_279], %mul3A_277 {strides = array<i32>} : memref<128x128xf32, #tpu.memory_space<vmem>>, vector<16xf32>,
          %get3A_281 = arith.index_cast %add3A_248 : i32 to index
          %get3A_282 = arith.constant 64 : index
          %get3A_283 = tpu.vector_load %arg10[%get3A_281, %get3A_282] {strides = array<i32>} : memref<128x128xf32, #tpu.memory_space<vmem>>, vector<16xf32>,
          %mul3A_284 = arith.mulf %get3A_283, %gather3A_252 : vector<16xf32>
          %swap3A_285 = arith.index_cast %add3A_248 : i32 to index
          %swap3A_286 = arith.constant 64 : index
          %swap3A_287 = tpu.vector_load %arg10[%swap3A_285, %swap3A_286] {strides = array<i32>} : memref<128x128xf32, #tpu.memory_space<vmem>>, vector<16xf32>,
          tpu.vector_store %arg10[%swap3A_285, %swap3A_286], %mul3A_284 {strides = array<i32>} : memref<128x128xf32, #tpu.memory_space<vmem>>, vector<16xf32>,
          %get3A_288 = arith.index_cast %add3A_248 : i32 to index
          %get3A_289 = arith.constant 80 : index
          %get3A_290 = tpu.vector_load %arg10[%get3A_288, %get3A_289] {strides = array<i32>} : memref<128x128xf32, #tpu.memory_space<vmem>>, vector<16xf32>,
          %mul3A_291 = arith.mulf %get3A_290, %gather3A_252 : vector<16xf32>
          %swap3A_292 = arith.index_cast %add3A_248 : i32 to index
          %swap3A_293 = arith.constant 80 : index
          %swap3A_294 = tpu.vector_load %arg10[%swap3A_292, %swap3A_293] {strides = array<i32>} : memref<128x128xf32, #tpu.memory_space<vmem>>, vector<16xf32>,
          tpu.vector_store %arg10[%swap3A_292, %swap3A_293], %mul3A_291 {strides = array<i32>} : memref<128x128xf32, #tpu.memory_space<vmem>>, vector<16xf32>,
          %get3A_295 = arith.index_cast %add3A_248 : i32 to index
          %get3A_296 = arith.constant 96 : index
          %get3A_297 = tpu.vector_load %arg10[%get3A_295, %get3A_296] {strides = array<i32>} : memref<128x128xf32, #tpu.memory_space<vmem>>, vector<16xf32>,
          %mul3A_298 = arith.mulf %get3A_297, %gather3A_252 : vector<16xf32>
          %swap3A_299 = arith.index_cast %add3A_248 : i32 to index
          %swap3A_300 = arith.constant 96 : index
          %swap3A_301 = tpu.vector_load %arg10[%swap3A_299, %swap3A_300] {strides = array<i32>} : memref<128x128xf32, #tpu.memory_space<vmem>>, vector<16xf32>,
          tpu.vector_store %arg10[%swap3A_299, %swap3A_300], %mul3A_298 {strides = array<i32>} : memref<128x128xf32, #tpu.memory_space<vmem>>, vector<16xf32>,
          %get3A_302 = arith.index_cast %add3A_248 : i32 to index
          %get3A_303 = arith.constant 112 : index
          %get3A_304 = tpu.vector_load %arg10[%get3A_302, %get3A_303] {strides = array<i32>} : memref<128x128xf32, #tpu.memory_space<vmem>>, vector<16xf32>,
          %mul3A_305 = arith.mulf %get3A_304, %gather3A_252 : vector<16xf32>
          %swap3A_306 = arith.index_cast %add3A_248 : i32 to index
          %swap3A_307 = arith.constant 112 : index
          %swap3A_308 = tpu.vector_load %arg10[%swap3A_306, %swap3A_307] {strides = array<i32>} : memref<128x128xf32, #tpu.memory_space<vmem>>, vector<16xf32>,
          tpu.vector_store %arg10[%swap3A_306, %swap3A_307], %mul3A_305 {strides = array<i32>} : memref<128x128xf32, #tpu.memory_space<vmem>>, vector<16xf32>,
          %scan3A_309 = arith.constant 3 : i32
          %scan3A_310 = arith.addi %scan3A_115, %scan3A_309 : i32
          %mul3A_311 = arith.constant 1 : i32
          %mul3A_312 = arith.muli %scan3A_310, %mul3A_311 : i32
          %add3A_313 = arith.constant 0 : i32
          %add3A_314 = arith.addi %add3A_313, %mul3A_312 : i32
          %add3A_315 = arith.constant 0 : i32
          %add3A_316 = arith.addi %add3A_315, %add3A_314 : i32
          %broadcast_in_dim3A_317 = vector.broadcast %add3A_316 : i32 to vector<16xi32>
          %gather3A_318 = tpu.vector_load_idx %arg9[%broadcast_in_dim3A_317] : memref<256xf32, #tpu.memory_space<vmem>>[vector<16xi32>], vector<16xf32>,
          %get3A_319 = arith.index_cast %add3A_314 : i32 to index
          %get3A_320 = arith.constant 0 : index
          %get3A_321 = tpu.vector_load %arg10[%get3A_319, %get3A_320] {strides = array<i32>} : memref<128x128xf32, #tpu.memory_space<vmem>>, vector<16xf32>,
          %mul3A_322 = arith.mulf %get3A_321, %gather3A_318 : vector<16xf32>
          %swap3A_323 = arith.index_cast %add3A_314 : i32 to index
          %swap3A_324 = arith.constant 0 : index
          %swap3A_325 = tpu.vector_load %arg10[%swap3A_323, %swap3A_324] {strides = array<i32>} : memref<128x128xf32, #tpu.memory_space<vmem>>, vector<16xf32>,
          tpu.vector_store %arg10[%swap3A_323, %swap3A_324], %mul3A_322 {strides = array<i32>} : memref<128x128xf32, #tpu.memory_space<vmem>>, vector<16xf32>,
          %get3A_326 = arith.index_cast %add3A_314 : i32 to index
          %get3A_327 = arith.constant 16 : index
          %get3A_328 = tpu.vector_load %arg10[%get3A_326, %get3A_327] {strides = array<i32>} : memref<128x128xf32, #tpu.memory_space<vmem>>, vector<16xf32>,
          %mul3A_329 = arith.mulf %get3A_328, %gather3A_318 : vector<16xf32>
          %swap3A_330 = arith.index_cast %add3A_314 : i32 to index
          %swap3A_331 = arith.constant 16 : index
          %swap3A_332 = tpu.vector_load %arg10[%swap3A_330, %swap3A_331] {strides = array<i32>} : memref<128x128xf32, #tpu.memory_space<vmem>>, vector<16xf32>,
          tpu.vector_store %arg10[%swap3A_330, %swap3A_331], %mul3A_329 {strides = array<i32>} : memref<128x128xf32, #tpu.memory_space<vmem>>, vector<16xf32>,
          %get3A_333 = arith.index_cast %add3A_314 : i32 to index
          %get3A_334 = arith.constant 32 : index
          %get3A_335 = tpu.vector_load %arg10[%get3A_333, %get3A_334] {strides = array<i32>} : memref<128x128xf32, #tpu.memory_space<vmem>>, vector<16xf32>,
          %mul3A_336 = arith.mulf %get3A_335, %gather3A_318 : vector<16xf32>
          %swap3A_337 = arith.index_cast %add3A_314 : i32 to index
          %swap3A_338 = arith.constant 32 : index
          %swap3A_339 = tpu.vector_load %arg10[%swap3A_337, %swap3A_338] {strides = array<i32>} : memref<128x128xf32, #tpu.memory_space<vmem>>, vector<16xf32>,
          tpu.vector_store %arg10[%swap3A_337, %swap3A_338], %mul3A_336 {strides = array<i32>} : memref<128x128xf32, #tpu.memory_space<vmem>>, vector<16xf32>,
          %get3A_340 = arith.index_cast %add3A_314 : i32 to index
          %get3A_341 = arith.constant 48 : index
          %get3A_342 = tpu.vector_load %arg10[%get3A_340, %get3A_341] {strides = array<i32>} : memref<128x128xf32, #tpu.memory_space<vmem>>, vector<16xf32>,
          %mul3A_343 = arith.mulf %get3A_342, %gather3A_318 : vector<16xf32>
          %swap3A_344 = arith.index_cast %add3A_314 : i32 to index
          %swap3A_345 = arith.constant 48 : index
          %swap3A_346 = tpu.vector_load %arg10[%swap3A_344, %swap3A_345] {strides = array<i32>} : memref<128x128xf32, #tpu.memory_space<vmem>>, vector<16xf32>,
          tpu.vector_store %arg10[%swap3A_344, %swap3A_345], %mul3A_343 {strides = array<i32>} : memref<128x128xf32, #tpu.memory_space<vmem>>, vector<16xf32>,
          %get3A_347 = arith.index_cast %add3A_314 : i32 to index
          %get3A_348 = arith.constant 64 : index
          %get3A_349 = tpu.vector_load %arg10[%get3A_347, %get3A_348] {strides = array<i32>} : memref<128x128xf32, #tpu.memory_space<vmem>>, vector<16xf32>,
          %mul3A_350 = arith.mulf %get3A_349, %gather3A_318 : vector<16xf32>
          %swap3A_351 = arith.index_cast %add3A_314 : i32 to index
          %swap3A_352 = arith.constant 64 : index
          %swap3A_353 = tpu.vector_load %arg10[%swap3A_351, %swap3A_352] {strides = array<i32>} : memref<128x128xf32, #tpu.memory_space<vmem>>, vector<16xf32>,
          tpu.vector_store %arg10[%swap3A_351, %swap3A_352], %mul3A_350 {strides = array<i32>} : memref<128x128xf32, #tpu.memory_space<vmem>>, vector<16xf32>,
          %get3A_354 = arith.index_cast %add3A_314 : i32 to index
          %get3A_355 = arith.constant 80 : index
          %get3A_356 = tpu.vector_load %arg10[%get3A_354, %get3A_355] {strides = array<i32>} : memref<128x128xf32, #tpu.memory_space<vmem>>, vector<16xf32>,
          %mul3A_357 = arith.mulf %get3A_356, %gather3A_318 : vector<16xf32>
          %swap3A_358 = arith.index_cast %add3A_314 : i32 to index
          %swap3A_359 = arith.constant 80 : index
          %swap3A_360 = tpu.vector_load %arg10[%swap3A_358, %swap3A_359] {strides = array<i32>} : memref<128x128xf32, #tpu.memory_space<vmem>>, vector<16xf32>,
          tpu.vector_store %arg10[%swap3A_358, %swap3A_359], %mul3A_357 {strides = array<i32>} : memref<128x128xf32, #tpu.memory_space<vmem>>, vector<16xf32>,
          %get3A_361 = arith.index_cast %add3A_314 : i32 to index
          %get3A_362 = arith.constant 96 : index
          %get3A_363 = tpu.vector_load %arg10[%get3A_361, %get3A_362] {strides = array<i32>} : memref<128x128xf32, #tpu.memory_space<vmem>>, vector<16xf32>,
          %mul3A_364 = arith.mulf %get3A_363, %gather3A_318 : vector<16xf32>
          %swap3A_365 = arith.index_cast %add3A_314 : i32 to index
          %swap3A_366 = arith.constant 96 : index
          %swap3A_367 = tpu.vector_load %arg10[%swap3A_365, %swap3A_366] {strides = array<i32>} : memref<128x128xf32, #tpu.memory_space<vmem>>, vector<16xf32>,
          tpu.vector_store %arg10[%swap3A_365, %swap3A_366], %mul3A_364 {strides = array<i32>} : memref<128x128xf32, #tpu.memory_space<vmem>>, vector<16xf32>,
          %get3A_368 = arith.index_cast %add3A_314 : i32 to index
          %get3A_369 = arith.constant 112 : index
          %get3A_370 = tpu.vector_load %arg10[%get3A_368, %get3A_369] {strides = array<i32>} : memref<128x128xf32, #tpu.memory_space<vmem>>, vector<16xf32>,
          %mul3A_371 = arith.mulf %get3A_370, %gather3A_318 : vector<16xf32>
          %swap3A_372 = arith.index_cast %add3A_314 : i32 to index
          %swap3A_373 = arith.constant 112 : index
          %swap3A_374 = tpu.vector_load %arg10[%swap3A_372, %swap3A_373] {strides = array<i32>} : memref<128x128xf32, #tpu.memory_space<vmem>>, vector<16xf32>,
          tpu.vector_store %arg10[%swap3A_372, %swap3A_373], %mul3A_371 {strides = array<i32>} : memref<128x128xf32, #tpu.memory_space<vmem>>, vector<16xf32>,
        }
        %scan3A_73 = arith.constant 128 : i32
        %dma_start3A_74 = arith.constant 0 : i32
        %dma_start3A_75 = tpu.memref_slice %arg7[%mul3A_35, %dma_start3A_74] : memref<72x128xi32, #tpu.memory_space<vmem>> -> memref<1x128xi32, #tpu.memory_space<vmem>>
        %dma_start3A_76 = tpu.memref_squeeze %dma_start3A_75 : memref<1x128xi32, #tpu.memory_space<vmem>> -> memref<128xi32, #tpu.memory_space<vmem>>
        %dma_start3A_77 = arith.constant 0 : i32
        %dma_start3A_78 = arith.constant 0 : i32
        %dma_start3A_79 = tpu.memref_slice %arg12[%dma_start3A_77, %dma_start3A_78] : memref<10240x128xf32, #tpu.memory_space<vmem_shared>> -> memref<10240x128xf32, #tpu.memory_space<vmem_shared>>
        tpu.enqueue_indirect_dma source(%arg10 : memref<128x128xf32, #tpu.memory_space<vmem>>) target(%dma_start3A_79 : memref<10240x128xf32, #tpu.memory_space<vmem_shared>>) offsets(%dma_start3A_76 : memref<128xi32, #tpu.memory_space<vmem>>) semaphore(%arg15 : memref<!tpu.dma_semaphore, #tpu.memory_space<semaphore_mem>>) {add = true}
        %dma_wait3A_80 = arith.constant 128 : i32
        %dma_wait3A_81 = tpu.memref_slice %arg8[%dma_wait3A_80] : memref<256xi32, #tpu.memory_space<vmem>> -> memref<128xi32, #tpu.memory_space<vmem>>
        %dma_wait3A_82 = arith.constant 0 : i32
        %dma_wait3A_83 = arith.constant 0 : i32
        %dma_wait3A_84 = tpu.memref_slice %arg2[%dma_wait3A_82, %dma_wait3A_83] : memref<10000x128xf32, #tpu.memory_space<hbm>> -> memref<10000x128xf32, #tpu.memory_space<hbm>>
        tpu.wait_indirect_dma semaphore(%arg14 : memref<!tpu.dma_semaphore, #tpu.memory_space<semaphore_mem>>) src(%dma_wait3A_84 : memref<10000x128xf32, #tpu.memory_space<hbm>>) dst(%arg11 : memref<128x128xf32, #tpu.memory_space<vmem>>)
        %mul3A_85 = arith.constant 72 : i32
        %mul3A_86 = arith.muli %add3A, %mul3A_85 : i32
        %add3A_87 = arith.addi %mul3A_86, %mul3A_35 : i32
        %add3A_88 = arith.constant 2 : i32
        %add3A_89 = arith.addi %add3A_87, %add3A_88 : i32
        %mul3A_90 = arith.constant 128 : i32
        %mul3A_91 = arith.muli %add3A_89, %mul3A_90 : i32
        %add3A_92 = arith.constant 2 : i32
        %add3A_93 = arith.addi %mul3A_35, %add3A_92 : i32
        %lt3A_94 = arith.cmpi slt, %add3A_93, %select_n3A : i32
        %convert_element_type3A_95 = arith.extui %lt3A_94 : i1 to i32
        %cond3A_96 = arith.constant 0 : i32
        %cond3A_97 = arith.cmpi ne, %convert_element_type3A_95, %cond3A_96 : i32
        scf.if %cond3A_97 {
          %dma_start3A_115 = tpu.memref_slice %arg3[%mul3A_91] : memref<294912xi32, #tpu.memory_space<hbm>> -> memref<256xi32, #tpu.memory_space<hbm>>
          %dma_start3A_116 = tpu.memref_slice %arg3[%mul3A_91] : memref<294912xi32, #tpu.memory_space<hbm>> -> memref<256xi32, #tpu.memory_space<hbm>>
          tpu.enqueue_dma source(%dma_start3A_116 : memref<256xi32, #tpu.memory_space<hbm>>) target(%arg8 : memref<256xi32, #tpu.memory_space<vmem>>) target_semaphore(%arg17 : memref<!tpu.dma_semaphore, #tpu.memory_space<semaphore_mem>>)
        } else {
        }
        %scan3A_98 = arith.constant 0 : i32
        %scan3A_99 = arith.constant 128 : i32
        %scan3A_100 = arith.addi %scan3A_98, %scan3A_99 : i32
        %scan3A_101 = arith.constant 4 : i32
        scf.for %scan3A_115 = %scan3A_98 to %scan3A_100 step %scan3A_101  : i32 {
          %mul3A_116 = arith.constant 1 : i32
          %mul3A_117 = arith.muli %scan3A_115, %mul3A_116 : i32
          %add3A_118 = arith.constant 0 : i32
          %add3A_119 = arith.addi %add3A_118, %mul3A_117 : i32
          %add3A_120 = arith.constant 128 : i32
          %add3A_121 = arith.addi %add3A_120, %add3A_119 : i32
          %broadcast_in_dim3A_122 = vector.broadcast %add3A_121 : i32 to vector<16xi32>
          %gather3A = tpu.vector_load_idx %arg9[%broadcast_in_dim3A_122] : memref<256xf32, #tpu.memory_space<vmem>>[vector<16xi32>], vector<16xf32>,
          %get3A = arith.index_cast %add3A_119 : i32 to index
          %get3A_123 = arith.constant 0 : index
          %get3A_124 = tpu.vector_load %arg11[%get3A, %get3A_123] {strides = array<i32>} : memref<128x128xf32, #tpu.memory_space<vmem>>, vector<16xf32>,
          %mul3A_125 = arith.mulf %get3A_124, %gather3A : vector<16xf32>
          %swap3A = arith.index_cast %add3A_119 : i32 to index
          %swap3A_126 = arith.constant 0 : index
          %swap3A_127 = tpu.vector_load %arg11[%swap3A, %swap3A_126] {strides = array<i32>} : memref<128x128xf32, #tpu.memory_space<vmem>>, vector<16xf32>,
          tpu.vector_store %arg11[%swap3A, %swap3A_126], %mul3A_125 {strides = array<i32>} : memref<128x128xf32, #tpu.memory_space<vmem>>, vector<16xf32>,
          %get3A_128 = arith.index_cast %add3A_119 : i32 to index
          %get3A_129 = arith.constant 16 : index
          %get3A_130 = tpu.vector_load %arg11[%get3A_128, %get3A_129] {strides = array<i32>} : memref<128x128xf32, #tpu.memory_space<vmem>>, vector<16xf32>,
          %mul3A_131 = arith.mulf %get3A_130, %gather3A : vector<16xf32>
          %swap3A_132 = arith.index_cast %add3A_119 : i32 to index
          %swap3A_133 = arith.constant 16 : index
          %swap3A_134 = tpu.vector_load %arg11[%swap3A_132, %swap3A_133] {strides = array<i32>} : memref<128x128xf32, #tpu.memory_space<vmem>>, vector<16xf32>,
          tpu.vector_store %arg11[%swap3A_132, %swap3A_133], %mul3A_131 {strides = array<i32>} : memref<128x128xf32, #tpu.memory_space<vmem>>, vector<16xf32>,
          %get3A_135 = arith.index_cast %add3A_119 : i32 to index
          %get3A_136 = arith.constant 32 : index
          %get3A_137 = tpu.vector_load %arg11[%get3A_135, %get3A_136] {strides = array<i32>} : memref<128x128xf32, #tpu.memory_space<vmem>>, vector<16xf32>,
          %mul3A_138 = arith.mulf %get3A_137, %gather3A : vector<16xf32>
          %swap3A_139 = arith.index_cast %add3A_119 : i32 to index
          %swap3A_140 = arith.constant 32 : index
          %swap3A_141 = tpu.vector_load %arg11[%swap3A_139, %swap3A_140] {strides = array<i32>} : memref<128x128xf32, #tpu.memory_space<vmem>>, vector<16xf32>,
          tpu.vector_store %arg11[%swap3A_139, %swap3A_140], %mul3A_138 {strides = array<i32>} : memref<128x128xf32, #tpu.memory_space<vmem>>, vector<16xf32>,
          %get3A_142 = arith.index_cast %add3A_119 : i32 to index
          %get3A_143 = arith.constant 48 : index
          %get3A_144 = tpu.vector_load %arg11[%get3A_142, %get3A_143] {strides = array<i32>} : memref<128x128xf32, #tpu.memory_space<vmem>>, vector<16xf32>,
          %mul3A_145 = arith.mulf %get3A_144, %gather3A : vector<16xf32>
          %swap3A_146 = arith.index_cast %add3A_119 : i32 to index
          %swap3A_147 = arith.constant 48 : index
          %swap3A_148 = tpu.vector_load %arg11[%swap3A_146, %swap3A_147] {strides = array<i32>} : memref<128x128xf32, #tpu.memory_space<vmem>>, vector<16xf32>,
          tpu.vector_store %arg11[%swap3A_146, %swap3A_147], %mul3A_145 {strides = array<i32>} : memref<128x128xf32, #tpu.memory_space<vmem>>, vector<16xf32>,
          %get3A_149 = arith.index_cast %add3A_119 : i32 to index
          %get3A_150 = arith.constant 64 : index
          %get3A_151 = tpu.vector_load %arg11[%get3A_149, %get3A_150] {strides = array<i32>} : memref<128x128xf32, #tpu.memory_space<vmem>>, vector<16xf32>,
          %mul3A_152 = arith.mulf %get3A_151, %gather3A : vector<16xf32>
          %swap3A_153 = arith.index_cast %add3A_119 : i32 to index
          %swap3A_154 = arith.constant 64 : index
          %swap3A_155 = tpu.vector_load %arg11[%swap3A_153, %swap3A_154] {strides = array<i32>} : memref<128x128xf32, #tpu.memory_space<vmem>>, vector<16xf32>,
          tpu.vector_store %arg11[%swap3A_153, %swap3A_154], %mul3A_152 {strides = array<i32>} : memref<128x128xf32, #tpu.memory_space<vmem>>, vector<16xf32>,
          %get3A_156 = arith.index_cast %add3A_119 : i32 to index
          %get3A_157 = arith.constant 80 : index
          %get3A_158 = tpu.vector_load %arg11[%get3A_156, %get3A_157] {strides = array<i32>} : memref<128x128xf32, #tpu.memory_space<vmem>>, vector<16xf32>,
          %mul3A_159 = arith.mulf %get3A_158, %gather3A : vector<16xf32>
          %swap3A_160 = arith.index_cast %add3A_119 : i32 to index
          %swap3A_161 = arith.constant 80 : index
          %swap3A_162 = tpu.vector_load %arg11[%swap3A_160, %swap3A_161] {strides = array<i32>} : memref<128x128xf32, #tpu.memory_space<vmem>>, vector<16xf32>,
          tpu.vector_store %arg11[%swap3A_160, %swap3A_161], %mul3A_159 {strides = array<i32>} : memref<128x128xf32, #tpu.memory_space<vmem>>, vector<16xf32>,
          %get3A_163 = arith.index_cast %add3A_119 : i32 to index
          %get3A_164 = arith.constant 96 : index
          %get3A_165 = tpu.vector_load %arg11[%get3A_163, %get3A_164] {strides = array<i32>} : memref<128x128xf32, #tpu.memory_space<vmem>>, vector<16xf32>,
          %mul3A_166 = arith.mulf %get3A_165, %gather3A : vector<16xf32>
          %swap3A_167 = arith.index_cast %add3A_119 : i32 to index
          %swap3A_168 = arith.constant 96 : index
          %swap3A_169 = tpu.vector_load %arg11[%swap3A_167, %swap3A_168] {strides = array<i32>} : memref<128x128xf32, #tpu.memory_space<vmem>>, vector<16xf32>,
          tpu.vector_store %arg11[%swap3A_167, %swap3A_168], %mul3A_166 {strides = array<i32>} : memref<128x128xf32, #tpu.memory_space<vmem>>, vector<16xf32>,
          %get3A_170 = arith.index_cast %add3A_119 : i32 to index
          %get3A_171 = arith.constant 112 : index
          %get3A_172 = tpu.vector_load %arg11[%get3A_170, %get3A_171] {strides = array<i32>} : memref<128x128xf32, #tpu.memory_space<vmem>>, vector<16xf32>,
          %mul3A_173 = arith.mulf %get3A_172, %gather3A : vector<16xf32>
          %swap3A_174 = arith.index_cast %add3A_119 : i32 to index
          %swap3A_175 = arith.constant 112 : index
          %swap3A_176 = tpu.vector_load %arg11[%swap3A_174, %swap3A_175] {strides = array<i32>} : memref<128x128xf32, #tpu.memory_space<vmem>>, vector<16xf32>,
          tpu.vector_store %arg11[%swap3A_174, %swap3A_175], %mul3A_173 {strides = array<i32>} : memref<128x128xf32, #tpu.memory_space<vmem>>, vector<16xf32>,
          %scan3A_177 = arith.constant 1 : i32
          %scan3A_178 = arith.addi %scan3A_115, %scan3A_177 : i32
          %mul3A_179 = arith.constant 1 : i32
          %mul3A_180 = arith.muli %scan3A_178, %mul3A_179 : i32
          %add3A_181 = arith.constant 0 : i32
          %add3A_182 = arith.addi %add3A_181, %mul3A_180 : i32
          %add3A_183 = arith.constant 128 : i32
          %add3A_184 = arith.addi %add3A_183, %add3A_182 : i32
          %broadcast_in_dim3A_185 = vector.broadcast %add3A_184 : i32 to vector<16xi32>
          %gather3A_186 = tpu.vector_load_idx %arg9[%broadcast_in_dim3A_185] : memref<256xf32, #tpu.memory_space<vmem>>[vector<16xi32>], vector<16xf32>,
          %get3A_187 = arith.index_cast %add3A_182 : i32 to index
          %get3A_188 = arith.constant 0 : index
          %get3A_189 = tpu.vector_load %arg11[%get3A_187, %get3A_188] {strides = array<i32>} : memref<128x128xf32, #tpu.memory_space<vmem>>, vector<16xf32>,
          %mul3A_190 = arith.mulf %get3A_189, %gather3A_186 : vector<16xf32>
          %swap3A_191 = arith.index_cast %add3A_182 : i32 to index
          %swap3A_192 = arith.constant 0 : index
          %swap3A_193 = tpu.vector_load %arg11[%swap3A_191, %swap3A_192] {strides = array<i32>} : memref<128x128xf32, #tpu.memory_space<vmem>>, vector<16xf32>,
          tpu.vector_store %arg11[%swap3A_191, %swap3A_192], %mul3A_190 {strides = array<i32>} : memref<128x128xf32, #tpu.memory_space<vmem>>, vector<16xf32>,
          %get3A_194 = arith.index_cast %add3A_182 : i32 to index
          %get3A_195 = arith.constant 16 : index
          %get3A_196 = tpu.vector_load %arg11[%get3A_194, %get3A_195] {strides = array<i32>} : memref<128x128xf32, #tpu.memory_space<vmem>>, vector<16xf32>,
          %mul3A_197 = arith.mulf %get3A_196, %gather3A_186 : vector<16xf32>
          %swap3A_198 = arith.index_cast %add3A_182 : i32 to index
          %swap3A_199 = arith.constant 16 : index
          %swap3A_200 = tpu.vector_load %arg11[%swap3A_198, %swap3A_199] {strides = array<i32>} : memref<128x128xf32, #tpu.memory_space<vmem>>, vector<16xf32>,
          tpu.vector_store %arg11[%swap3A_198, %swap3A_199], %mul3A_197 {strides = array<i32>} : memref<128x128xf32, #tpu.memory_space<vmem>>, vector<16xf32>,
          %get3A_201 = arith.index_cast %add3A_182 : i32 to index
          %get3A_202 = arith.constant 32 : index
          %get3A_203 = tpu.vector_load %arg11[%get3A_201, %get3A_202] {strides = array<i32>} : memref<128x128xf32, #tpu.memory_space<vmem>>, vector<16xf32>,
          %mul3A_204 = arith.mulf %get3A_203, %gather3A_186 : vector<16xf32>
          %swap3A_205 = arith.index_cast %add3A_182 : i32 to index
          %swap3A_206 = arith.constant 32 : index
          %swap3A_207 = tpu.vector_load %arg11[%swap3A_205, %swap3A_206] {strides = array<i32>} : memref<128x128xf32, #tpu.memory_space<vmem>>, vector<16xf32>,
          tpu.vector_store %arg11[%swap3A_205, %swap3A_206], %mul3A_204 {strides = array<i32>} : memref<128x128xf32, #tpu.memory_space<vmem>>, vector<16xf32>,
          %get3A_208 = arith.index_cast %add3A_182 : i32 to index
          %get3A_209 = arith.constant 48 : index
          %get3A_210 = tpu.vector_load %arg11[%get3A_208, %get3A_209] {strides = array<i32>} : memref<128x128xf32, #tpu.memory_space<vmem>>, vector<16xf32>,
          %mul3A_211 = arith.mulf %get3A_210, %gather3A_186 : vector<16xf32>
          %swap3A_212 = arith.index_cast %add3A_182 : i32 to index
          %swap3A_213 = arith.constant 48 : index
          %swap3A_214 = tpu.vector_load %arg11[%swap3A_212, %swap3A_213] {strides = array<i32>} : memref<128x128xf32, #tpu.memory_space<vmem>>, vector<16xf32>,
          tpu.vector_store %arg11[%swap3A_212, %swap3A_213], %mul3A_211 {strides = array<i32>} : memref<128x128xf32, #tpu.memory_space<vmem>>, vector<16xf32>,
          %get3A_215 = arith.index_cast %add3A_182 : i32 to index
          %get3A_216 = arith.constant 64 : index
          %get3A_217 = tpu.vector_load %arg11[%get3A_215, %get3A_216] {strides = array<i32>} : memref<128x128xf32, #tpu.memory_space<vmem>>, vector<16xf32>,
          %mul3A_218 = arith.mulf %get3A_217, %gather3A_186 : vector<16xf32>
          %swap3A_219 = arith.index_cast %add3A_182 : i32 to index
          %swap3A_220 = arith.constant 64 : index
          %swap3A_221 = tpu.vector_load %arg11[%swap3A_219, %swap3A_220] {strides = array<i32>} : memref<128x128xf32, #tpu.memory_space<vmem>>, vector<16xf32>,
          tpu.vector_store %arg11[%swap3A_219, %swap3A_220], %mul3A_218 {strides = array<i32>} : memref<128x128xf32, #tpu.memory_space<vmem>>, vector<16xf32>,
          %get3A_222 = arith.index_cast %add3A_182 : i32 to index
          %get3A_223 = arith.constant 80 : index
          %get3A_224 = tpu.vector_load %arg11[%get3A_222, %get3A_223] {strides = array<i32>} : memref<128x128xf32, #tpu.memory_space<vmem>>, vector<16xf32>,
          %mul3A_225 = arith.mulf %get3A_224, %gather3A_186 : vector<16xf32>
          %swap3A_226 = arith.index_cast %add3A_182 : i32 to index
          %swap3A_227 = arith.constant 80 : index
          %swap3A_228 = tpu.vector_load %arg11[%swap3A_226, %swap3A_227] {strides = array<i32>} : memref<128x128xf32, #tpu.memory_space<vmem>>, vector<16xf32>,
          tpu.vector_store %arg11[%swap3A_226, %swap3A_227], %mul3A_225 {strides = array<i32>} : memref<128x128xf32, #tpu.memory_space<vmem>>, vector<16xf32>,
          %get3A_229 = arith.index_cast %add3A_182 : i32 to index
          %get3A_230 = arith.constant 96 : index
          %get3A_231 = tpu.vector_load %arg11[%get3A_229, %get3A_230] {strides = array<i32>} : memref<128x128xf32, #tpu.memory_space<vmem>>, vector<16xf32>,
          %mul3A_232 = arith.mulf %get3A_231, %gather3A_186 : vector<16xf32>
          %swap3A_233 = arith.index_cast %add3A_182 : i32 to index
          %swap3A_234 = arith.constant 96 : index
          %swap3A_235 = tpu.vector_load %arg11[%swap3A_233, %swap3A_234] {strides = array<i32>} : memref<128x128xf32, #tpu.memory_space<vmem>>, vector<16xf32>,
          tpu.vector_store %arg11[%swap3A_233, %swap3A_234], %mul3A_232 {strides = array<i32>} : memref<128x128xf32, #tpu.memory_space<vmem>>, vector<16xf32>,
          %get3A_236 = arith.index_cast %add3A_182 : i32 to index
          %get3A_237 = arith.constant 112 : index
          %get3A_238 = tpu.vector_load %arg11[%get3A_236, %get3A_237] {strides = array<i32>} : memref<128x128xf32, #tpu.memory_space<vmem>>, vector<16xf32>,
          %mul3A_239 = arith.mulf %get3A_238, %gather3A_186 : vector<16xf32>
          %swap3A_240 = arith.index_cast %add3A_182 : i32 to index
          %swap3A_241 = arith.constant 112 : index
          %swap3A_242 = tpu.vector_load %arg11[%swap3A_240, %swap3A_241] {strides = array<i32>} : memref<128x128xf32, #tpu.memory_space<vmem>>, vector<16xf32>,
          tpu.vector_store %arg11[%swap3A_240, %swap3A_241], %mul3A_239 {strides = array<i32>} : memref<128x128xf32, #tpu.memory_space<vmem>>, vector<16xf32>,
          %scan3A_243 = arith.constant 2 : i32
          %scan3A_244 = arith.addi %scan3A_115, %scan3A_243 : i32
          %mul3A_245 = arith.constant 1 : i32
          %mul3A_246 = arith.muli %scan3A_244, %mul3A_245 : i32
          %add3A_247 = arith.constant 0 : i32
          %add3A_248 = arith.addi %add3A_247, %mul3A_246 : i32
          %add3A_249 = arith.constant 128 : i32
          %add3A_250 = arith.addi %add3A_249, %add3A_248 : i32
          %broadcast_in_dim3A_251 = vector.broadcast %add3A_250 : i32 to vector<16xi32>
          %gather3A_252 = tpu.vector_load_idx %arg9[%broadcast_in_dim3A_251] : memref<256xf32, #tpu.memory_space<vmem>>[vector<16xi32>], vector<16xf32>,
          %get3A_253 = arith.index_cast %add3A_248 : i32 to index
          %get3A_254 = arith.constant 0 : index
          %get3A_255 = tpu.vector_load %arg11[%get3A_253, %get3A_254] {strides = array<i32>} : memref<128x128xf32, #tpu.memory_space<vmem>>, vector<16xf32>,
          %mul3A_256 = arith.mulf %get3A_255, %gather3A_252 : vector<16xf32>
          %swap3A_257 = arith.index_cast %add3A_248 : i32 to index
          %swap3A_258 = arith.constant 0 : index
          %swap3A_259 = tpu.vector_load %arg11[%swap3A_257, %swap3A_258] {strides = array<i32>} : memref<128x128xf32, #tpu.memory_space<vmem>>, vector<16xf32>,
          tpu.vector_store %arg11[%swap3A_257, %swap3A_258], %mul3A_256 {strides = array<i32>} : memref<128x128xf32, #tpu.memory_space<vmem>>, vector<16xf32>,
          %get3A_260 = arith.index_cast %add3A_248 : i32 to index
          %get3A_261 = arith.constant 16 : index
          %get3A_262 = tpu.vector_load %arg11[%get3A_260, %get3A_261] {strides = array<i32>} : memref<128x128xf32, #tpu.memory_space<vmem>>, vector<16xf32>,
          %mul3A_263 = arith.mulf %get3A_262, %gather3A_252 : vector<16xf32>
          %swap3A_264 = arith.index_cast %add3A_248 : i32 to index
          %swap3A_265 = arith.constant 16 : index
          %swap3A_266 = tpu.vector_load %arg11[%swap3A_264, %swap3A_265] {strides = array<i32>} : memref<128x128xf32, #tpu.memory_space<vmem>>, vector<16xf32>,
          tpu.vector_store %arg11[%swap3A_264, %swap3A_265], %mul3A_263 {strides = array<i32>} : memref<128x128xf32, #tpu.memory_space<vmem>>, vector<16xf32>,
          %get3A_267 = arith.index_cast %add3A_248 : i32 to index
          %get3A_268 = arith.constant 32 : index
          %get3A_269 = tpu.vector_load %arg11[%get3A_267, %get3A_268] {strides = array<i32>} : memref<128x128xf32, #tpu.memory_space<vmem>>, vector<16xf32>,
          %mul3A_270 = arith.mulf %get3A_269, %gather3A_252 : vector<16xf32>
          %swap3A_271 = arith.index_cast %add3A_248 : i32 to index
          %swap3A_272 = arith.constant 32 : index
          %swap3A_273 = tpu.vector_load %arg11[%swap3A_271, %swap3A_272] {strides = array<i32>} : memref<128x128xf32, #tpu.memory_space<vmem>>, vector<16xf32>,
          tpu.vector_store %arg11[%swap3A_271, %swap3A_272], %mul3A_270 {strides = array<i32>} : memref<128x128xf32, #tpu.memory_space<vmem>>, vector<16xf32>,
          %get3A_274 = arith.index_cast %add3A_248 : i32 to index
          %get3A_275 = arith.constant 48 : index
          %get3A_276 = tpu.vector_load %arg11[%get3A_274, %get3A_275] {strides = array<i32>} : memref<128x128xf32, #tpu.memory_space<vmem>>, vector<16xf32>,
          %mul3A_277 = arith.mulf %get3A_276, %gather3A_252 : vector<16xf32>
          %swap3A_278 = arith.index_cast %add3A_248 : i32 to index
          %swap3A_279 = arith.constant 48 : index
          %swap3A_280 = tpu.vector_load %arg11[%swap3A_278, %swap3A_279] {strides = array<i32>} : memref<128x128xf32, #tpu.memory_space<vmem>>, vector<16xf32>,
          tpu.vector_store %arg11[%swap3A_278, %swap3A_279], %mul3A_277 {strides = array<i32>} : memref<128x128xf32, #tpu.memory_space<vmem>>, vector<16xf32>,
          %get3A_281 = arith.index_cast %add3A_248 : i32 to index
          %get3A_282 = arith.constant 64 : index
          %get3A_283 = tpu.vector_load %arg11[%get3A_281, %get3A_282] {strides = array<i32>} : memref<128x128xf32, #tpu.memory_space<vmem>>, vector<16xf32>,
          %mul3A_284 = arith.mulf %get3A_283, %gather3A_252 : vector<16xf32>
          %swap3A_285 = arith.index_cast %add3A_248 : i32 to index
          %swap3A_286 = arith.constant 64 : index
          %swap3A_287 = tpu.vector_load %arg11[%swap3A_285, %swap3A_286] {strides = array<i32>} : memref<128x128xf32, #tpu.memory_space<vmem>>, vector<16xf32>,
          tpu.vector_store %arg11[%swap3A_285, %swap3A_286], %mul3A_284 {strides = array<i32>} : memref<128x128xf32, #tpu.memory_space<vmem>>, vector<16xf32>,
          %get3A_288 = arith.index_cast %add3A_248 : i32 to index
          %get3A_289 = arith.constant 80 : index
          %get3A_290 = tpu.vector_load %arg11[%get3A_288, %get3A_289] {strides = array<i32>} : memref<128x128xf32, #tpu.memory_space<vmem>>, vector<16xf32>,
          %mul3A_291 = arith.mulf %get3A_290, %gather3A_252 : vector<16xf32>
          %swap3A_292 = arith.index_cast %add3A_248 : i32 to index
          %swap3A_293 = arith.constant 80 : index
          %swap3A_294 = tpu.vector_load %arg11[%swap3A_292, %swap3A_293] {strides = array<i32>} : memref<128x128xf32, #tpu.memory_space<vmem>>, vector<16xf32>,
          tpu.vector_store %arg11[%swap3A_292, %swap3A_293], %mul3A_291 {strides = array<i32>} : memref<128x128xf32, #tpu.memory_space<vmem>>, vector<16xf32>,
          %get3A_295 = arith.index_cast %add3A_248 : i32 to index
          %get3A_296 = arith.constant 96 : index
          %get3A_297 = tpu.vector_load %arg11[%get3A_295, %get3A_296] {strides = array<i32>} : memref<128x128xf32, #tpu.memory_space<vmem>>, vector<16xf32>,
          %mul3A_298 = arith.mulf %get3A_297, %gather3A_252 : vector<16xf32>
          %swap3A_299 = arith.index_cast %add3A_248 : i32 to index
          %swap3A_300 = arith.constant 96 : index
          %swap3A_301 = tpu.vector_load %arg11[%swap3A_299, %swap3A_300] {strides = array<i32>} : memref<128x128xf32, #tpu.memory_space<vmem>>, vector<16xf32>,
          tpu.vector_store %arg11[%swap3A_299, %swap3A_300], %mul3A_298 {strides = array<i32>} : memref<128x128xf32, #tpu.memory_space<vmem>>, vector<16xf32>,
          %get3A_302 = arith.index_cast %add3A_248 : i32 to index
          %get3A_303 = arith.constant 112 : index
          %get3A_304 = tpu.vector_load %arg11[%get3A_302, %get3A_303] {strides = array<i32>} : memref<128x128xf32, #tpu.memory_space<vmem>>, vector<16xf32>,
          %mul3A_305 = arith.mulf %get3A_304, %gather3A_252 : vector<16xf32>
          %swap3A_306 = arith.index_cast %add3A_248 : i32 to index
          %swap3A_307 = arith.constant 112 : index
          %swap3A_308 = tpu.vector_load %arg11[%swap3A_306, %swap3A_307] {strides = array<i32>} : memref<128x128xf32, #tpu.memory_space<vmem>>, vector<16xf32>,
          tpu.vector_store %arg11[%swap3A_306, %swap3A_307], %mul3A_305 {strides = array<i32>} : memref<128x128xf32, #tpu.memory_space<vmem>>, vector<16xf32>,
          %scan3A_309 = arith.constant 3 : i32
          %scan3A_310 = arith.addi %scan3A_115, %scan3A_309 : i32
          %mul3A_311 = arith.constant 1 : i32
          %mul3A_312 = arith.muli %scan3A_310, %mul3A_311 : i32
          %add3A_313 = arith.constant 0 : i32
          %add3A_314 = arith.addi %add3A_313, %mul3A_312 : i32
          %add3A_315 = arith.constant 128 : i32
          %add3A_316 = arith.addi %add3A_315, %add3A_314 : i32
          %broadcast_in_dim3A_317 = vector.broadcast %add3A_316 : i32 to vector<16xi32>
          %gather3A_318 = tpu.vector_load_idx %arg9[%broadcast_in_dim3A_317] : memref<256xf32, #tpu.memory_space<vmem>>[vector<16xi32>], vector<16xf32>,
          %get3A_319 = arith.index_cast %add3A_314 : i32 to index
          %get3A_320 = arith.constant 0 : index
          %get3A_321 = tpu.vector_load %arg11[%get3A_319, %get3A_320] {strides = array<i32>} : memref<128x128xf32, #tpu.memory_space<vmem>>, vector<16xf32>,
          %mul3A_322 = arith.mulf %get3A_321, %gather3A_318 : vector<16xf32>
          %swap3A_323 = arith.index_cast %add3A_314 : i32 to index
          %swap3A_324 = arith.constant 0 : index
          %swap3A_325 = tpu.vector_load %arg11[%swap3A_323, %swap3A_324] {strides = array<i32>} : memref<128x128xf32, #tpu.memory_space<vmem>>, vector<16xf32>,
          tpu.vector_store %arg11[%swap3A_323, %swap3A_324], %mul3A_322 {strides = array<i32>} : memref<128x128xf32, #tpu.memory_space<vmem>>, vector<16xf32>,
          %get3A_326 = arith.index_cast %add3A_314 : i32 to index
          %get3A_327 = arith.constant 16 : index
          %get3A_328 = tpu.vector_load %arg11[%get3A_326, %get3A_327] {strides = array<i32>} : memref<128x128xf32, #tpu.memory_space<vmem>>, vector<16xf32>,
          %mul3A_329 = arith.mulf %get3A_328, %gather3A_318 : vector<16xf32>
          %swap3A_330 = arith.index_cast %add3A_314 : i32 to index
          %swap3A_331 = arith.constant 16 : index
          %swap3A_332 = tpu.vector_load %arg11[%swap3A_330, %swap3A_331] {strides = array<i32>} : memref<128x128xf32, #tpu.memory_space<vmem>>, vector<16xf32>,
          tpu.vector_store %arg11[%swap3A_330, %swap3A_331], %mul3A_329 {strides = array<i32>} : memref<128x128xf32, #tpu.memory_space<vmem>>, vector<16xf32>,
          %get3A_333 = arith.index_cast %add3A_314 : i32 to index
          %get3A_334 = arith.constant 32 : index
          %get3A_335 = tpu.vector_load %arg11[%get3A_333, %get3A_334] {strides = array<i32>} : memref<128x128xf32, #tpu.memory_space<vmem>>, vector<16xf32>,
          %mul3A_336 = arith.mulf %get3A_335, %gather3A_318 : vector<16xf32>
          %swap3A_337 = arith.index_cast %add3A_314 : i32 to index
          %swap3A_338 = arith.constant 32 : index
          %swap3A_339 = tpu.vector_load %arg11[%swap3A_337, %swap3A_338] {strides = array<i32>} : memref<128x128xf32, #tpu.memory_space<vmem>>, vector<16xf32>,
          tpu.vector_store %arg11[%swap3A_337, %swap3A_338], %mul3A_336 {strides = array<i32>} : memref<128x128xf32, #tpu.memory_space<vmem>>, vector<16xf32>,
          %get3A_340 = arith.index_cast %add3A_314 : i32 to index
          %get3A_341 = arith.constant 48 : index
          %get3A_342 = tpu.vector_load %arg11[%get3A_340, %get3A_341] {strides = array<i32>} : memref<128x128xf32, #tpu.memory_space<vmem>>, vector<16xf32>,
          %mul3A_343 = arith.mulf %get3A_342, %gather3A_318 : vector<16xf32>
          %swap3A_344 = arith.index_cast %add3A_314 : i32 to index
          %swap3A_345 = arith.constant 48 : index
          %swap3A_346 = tpu.vector_load %arg11[%swap3A_344, %swap3A_345] {strides = array<i32>} : memref<128x128xf32, #tpu.memory_space<vmem>>, vector<16xf32>,
          tpu.vector_store %arg11[%swap3A_344, %swap3A_345], %mul3A_343 {strides = array<i32>} : memref<128x128xf32, #tpu.memory_space<vmem>>, vector<16xf32>,
          %get3A_347 = arith.index_cast %add3A_314 : i32 to index
          %get3A_348 = arith.constant 64 : index
          %get3A_349 = tpu.vector_load %arg11[%get3A_347, %get3A_348] {strides = array<i32>} : memref<128x128xf32, #tpu.memory_space<vmem>>, vector<16xf32>,
          %mul3A_350 = arith.mulf %get3A_349, %gather3A_318 : vector<16xf32>
          %swap3A_351 = arith.index_cast %add3A_314 : i32 to index
          %swap3A_352 = arith.constant 64 : index
          %swap3A_353 = tpu.vector_load %arg11[%swap3A_351, %swap3A_352] {strides = array<i32>} : memref<128x128xf32, #tpu.memory_space<vmem>>, vector<16xf32>,
          tpu.vector_store %arg11[%swap3A_351, %swap3A_352], %mul3A_350 {strides = array<i32>} : memref<128x128xf32, #tpu.memory_space<vmem>>, vector<16xf32>,
          %get3A_354 = arith.index_cast %add3A_314 : i32 to index
          %get3A_355 = arith.constant 80 : index
          %get3A_356 = tpu.vector_load %arg11[%get3A_354, %get3A_355] {strides = array<i32>} : memref<128x128xf32, #tpu.memory_space<vmem>>, vector<16xf32>,
          %mul3A_357 = arith.mulf %get3A_356, %gather3A_318 : vector<16xf32>
          %swap3A_358 = arith.index_cast %add3A_314 : i32 to index
          %swap3A_359 = arith.constant 80 : index
          %swap3A_360 = tpu.vector_load %arg11[%swap3A_358, %swap3A_359] {strides = array<i32>} : memref<128x128xf32, #tpu.memory_space<vmem>>, vector<16xf32>,
          tpu.vector_store %arg11[%swap3A_358, %swap3A_359], %mul3A_357 {strides = array<i32>} : memref<128x128xf32, #tpu.memory_space<vmem>>, vector<16xf32>,
          %get3A_361 = arith.index_cast %add3A_314 : i32 to index
          %get3A_362 = arith.constant 96 : index
          %get3A_363 = tpu.vector_load %arg11[%get3A_361, %get3A_362] {strides = array<i32>} : memref<128x128xf32, #tpu.memory_space<vmem>>, vector<16xf32>,
          %mul3A_364 = arith.mulf %get3A_363, %gather3A_318 : vector<16xf32>
          %swap3A_365 = arith.index_cast %add3A_314 : i32 to index
          %swap3A_366 = arith.constant 96 : index
          %swap3A_367 = tpu.vector_load %arg11[%swap3A_365, %swap3A_366] {strides = array<i32>} : memref<128x128xf32, #tpu.memory_space<vmem>>, vector<16xf32>,
          tpu.vector_store %arg11[%swap3A_365, %swap3A_366], %mul3A_364 {strides = array<i32>} : memref<128x128xf32, #tpu.memory_space<vmem>>, vector<16xf32>,
          %get3A_368 = arith.index_cast %add3A_314 : i32 to index
          %get3A_369 = arith.constant 112 : index
          %get3A_370 = tpu.vector_load %arg11[%get3A_368, %get3A_369] {strides = array<i32>} : memref<128x128xf32, #tpu.memory_space<vmem>>, vector<16xf32>,
          %mul3A_371 = arith.mulf %get3A_370, %gather3A_318 : vector<16xf32>
          %swap3A_372 = arith.index_cast %add3A_314 : i32 to index
          %swap3A_373 = arith.constant 112 : index
          %swap3A_374 = tpu.vector_load %arg11[%swap3A_372, %swap3A_373] {strides = array<i32>} : memref<128x128xf32, #tpu.memory_space<vmem>>, vector<16xf32>,
          tpu.vector_store %arg11[%swap3A_372, %swap3A_373], %mul3A_371 {strides = array<i32>} : memref<128x128xf32, #tpu.memory_space<vmem>>, vector<16xf32>,
        }
        %scan3A_102 = arith.constant 128 : i32
        %dma_start3A_103 = arith.constant 0 : i32
        %dma_start3A_104 = tpu.memref_slice %arg7[%add3A_37, %dma_start3A_103] : memref<72x128xi32, #tpu.memory_space<vmem>> -> memref<1x128xi32, #tpu.memory_space<vmem>>
        %dma_start3A_105 = tpu.memref_squeeze %dma_start3A_104 : memref<1x128xi32, #tpu.memory_space<vmem>> -> memref<128xi32, #tpu.memory_space<vmem>>
        %dma_start3A_106 = arith.constant 0 : i32
        %dma_start3A_107 = arith.constant 0 : i32
        %dma_start3A_108 = tpu.memref_slice %arg12[%dma_start3A_106, %dma_start3A_107] : memref<10240x128xf32, #tpu.memory_space<vmem_shared>> -> memref<10240x128xf32, #tpu.memory_space<vmem_shared>>
        tpu.enqueue_indirect_dma source(%arg11 : memref<128x128xf32, #tpu.memory_space<vmem>>) target(%dma_start3A_108 : memref<10240x128xf32, #tpu.memory_space<vmem_shared>>) offsets(%dma_start3A_105 : memref<128xi32, #tpu.memory_space<vmem>>) semaphore(%arg16 : memref<!tpu.dma_semaphore, #tpu.memory_space<semaphore_mem>>) {add = true}
        %add3A_109 = arith.constant 2 : i32
        %add3A_110 = arith.addi %mul3A_35, %add3A_109 : i32
        %lt3A_111 = arith.cmpi slt, %add3A_110, %select_n3A : i32
        %convert_element_type3A_112 = arith.extui %lt3A_111 : i1 to i32
        %cond3A_113 = arith.constant 0 : i32
        %cond3A_114 = arith.cmpi ne, %convert_element_type3A_112, %cond3A_113 : i32
        scf.if %cond3A_114 {
          %dma_start3A_115 = tpu.memref_slice %arg5[%mul3A_91] : memref<294912xf32, #tpu.memory_space<hbm>> -> memref<256xf32, #tpu.memory_space<hbm>>
          %dma_start3A_116 = tpu.memref_slice %arg5[%mul3A_91] : memref<294912xf32, #tpu.memory_space<hbm>> -> memref<256xf32, #tpu.memory_space<hbm>>
          tpu.enqueue_dma source(%dma_start3A_116 : memref<256xf32, #tpu.memory_space<hbm>>) target(%arg9 : memref<256xf32, #tpu.memory_space<vmem>>) target_semaphore(%arg18 : memref<!tpu.dma_semaphore, #tpu.memory_space<semaphore_mem>>)
        } else {
        }
      } else {
      }
    }
    %scan3A_23 = arith.constant 36 : i32
    %gt3A = arith.constant 0 : i32
    %gt3A_24 = arith.cmpi sgt, %select_n3A, %gt3A : i32
    %convert_element_type3A = arith.extui %gt3A_24 : i1 to i32
    %cond3A = arith.constant 0 : i32
    %cond3A_25 = arith.cmpi ne, %convert_element_type3A, %cond3A : i32
    scf.if %cond3A_25 {
      %dma_wait3A = arith.constant 0 : i32
      %dma_wait3A_29 = arith.constant 0 : i32
      %dma_wait3A_30 = tpu.memref_slice %arg7[%dma_wait3A, %dma_wait3A_29] : memref<72x128xi32, #tpu.memory_space<vmem>> -> memref<1x128xi32, #tpu.memory_space<vmem>>
      %dma_wait3A_31 = tpu.memref_squeeze %dma_wait3A_30 : memref<1x128xi32, #tpu.memory_space<vmem>> -> memref<128xi32, #tpu.memory_space<vmem>>
      %dma_wait3A_32 = arith.constant 0 : i32
      %dma_wait3A_33 = arith.constant 0 : i32
      %dma_wait3A_34 = tpu.memref_slice %arg12[%dma_wait3A_32, %dma_wait3A_33] : memref<10240x128xf32, #tpu.memory_space<vmem_shared>> -> memref<10240x128xf32, #tpu.memory_space<vmem_shared>>
      tpu.wait_indirect_dma semaphore(%arg15 : memref<!tpu.dma_semaphore, #tpu.memory_space<semaphore_mem>>) src(%arg10 : memref<128x128xf32, #tpu.memory_space<vmem>>) dst(%dma_wait3A_34 : memref<10240x128xf32, #tpu.memory_space<vmem_shared>>)
      %dma_wait3A_35 = arith.constant 0 : i32
      %dma_wait3A_36 = arith.constant 0 : i32
      %dma_wait3A_37 = tpu.memref_slice %arg7[%dma_wait3A_35, %dma_wait3A_36] : memref<72x128xi32, #tpu.memory_space<vmem>> -> memref<1x128xi32, #tpu.memory_space<vmem>>
      %dma_wait3A_38 = tpu.memref_squeeze %dma_wait3A_37 : memref<1x128xi32, #tpu.memory_space<vmem>> -> memref<128xi32, #tpu.memory_space<vmem>>
      %dma_wait3A_39 = arith.constant 0 : i32
      %dma_wait3A_40 = arith.constant 0 : i32
      %dma_wait3A_41 = tpu.memref_slice %arg12[%dma_wait3A_39, %dma_wait3A_40] : memref<10240x128xf32, #tpu.memory_space<vmem_shared>> -> memref<10240x128xf32, #tpu.memory_space<vmem_shared>>
      tpu.wait_indirect_dma semaphore(%arg16 : memref<!tpu.dma_semaphore, #tpu.memory_space<semaphore_mem>>) src(%arg11 : memref<128x128xf32, #tpu.memory_space<vmem>>) dst(%dma_wait3A_41 : memref<10240x128xf32, #tpu.memory_space<vmem_shared>>)
    } else {
    }
    %barrier3A_26 = arith.constant 0 : index
    tpu.barrier barrier_id(%barrier3A_26)
    %mul3A_27 = arith.constant 640 : i32
    %mul3A_28 = arith.muli %arg1, %mul3A_27 : i32
    "tpu.region"() ({
      %run_scoped3A = tpu.sem_alloc : memref<!tpu.dma_semaphore, #tpu.memory_space<semaphore_mem>>
      %dma_start3A = arith.constant 0 : i32
      %dma_start3A_29 = tpu.memref_slice %arg6[%arg0, %mul3A_28, %dma_start3A] : memref<2x10240x128xf32, #tpu.memory_space<hbm>> -> memref<1x640x128xf32, #tpu.memory_space<hbm>>
      %dma_start3A_30 = tpu.memref_squeeze %dma_start3A_29 : memref<1x640x128xf32, #tpu.memory_space<hbm>> -> memref<640x128xf32, #tpu.memory_space<hbm>>
      %dma_start3A_31 = arith.constant 0 : i32
      %dma_start3A_32 = tpu.memref_slice %arg12[%mul3A_28, %dma_start3A_31] : memref<10240x128xf32, #tpu.memory_space<vmem_shared>> -> memref<640x128xf32, #tpu.memory_space<vmem_shared>>
      tpu.enqueue_dma source(%dma_start3A_32 : memref<640x128xf32, #tpu.memory_space<vmem_shared>>) target(%dma_start3A_30 : memref<640x128xf32, #tpu.memory_space<hbm>>) target_semaphore(%run_scoped3A : memref<!tpu.dma_semaphore, #tpu.memory_space<semaphore_mem>>)
      %dma_wait3A = arith.constant 0 : i32
      %dma_wait3A_33 = tpu.memref_slice %arg6[%arg0, %mul3A_28, %dma_wait3A] : memref<2x10240x128xf32, #tpu.memory_space<hbm>> -> memref<1x640x128xf32, #tpu.memory_space<hbm>>
      %dma_wait3A_34 = tpu.memref_squeeze %dma_wait3A_33 : memref<1x640x128xf32, #tpu.memory_space<hbm>> -> memref<640x128xf32, #tpu.memory_space<hbm>>
      %dma_wait3A_35 = arith.constant 0 : i32
      %dma_wait3A_36 = tpu.memref_slice %arg12[%mul3A_28, %dma_wait3A_35] : memref<10240x128xf32, #tpu.memory_space<vmem_shared>> -> memref<640x128xf32, #tpu.memory_space<vmem_shared>>
      tpu.wait_dma2 semaphore(%run_scoped3A : memref<!tpu.dma_semaphore, #tpu.memory_space<semaphore_mem>>) src(%dma_wait3A_36 : memref<640x128xf32, #tpu.memory_space<vmem_shared>>) dst(%dma_wait3A_34 : memref<640x128xf32, #tpu.memory_space<hbm>>)
      tpu.yield
    }) : () -> ()
    return
  }
}

#map = affine_map<(d0, d1) -> (0, 0)>
#map1 = affine_map<(d0, d1) -> (0)>
#map2 = affine_map<(d0, d1) -> (0, 0, 0)>
module attributes {stable_mosaic.version = 14 : i64} {
  func.func @spmv(%arg0: i32, %arg1: i32, %arg2: memref<10000x128xf32, #tpu.memory_space<hbm>>, %arg3: memref<294912xi32, #tpu.memory_space<hbm>>, %arg4: memref<2304x128xi32, #tpu.memory_space<hbm>>, %arg5: memref<294912xf32, #tpu.memory_space<hbm>>, %arg6: memref<2x10240x128xf32, #tpu.memory_space<hbm>>, %arg7: memref<72x128xi32, #tpu.memory_space<vmem>>, %arg8: memref<256xi32, #tpu.memory_space<vmem>>, %arg9: memref<256xf32, #tpu.memory_space<vmem>>, %arg10: memref<128x128xf32, #tpu.memory_space<vmem>>, %arg11: memref<128x128xf32, #tpu.memory_space<vmem>>, %arg12: memref<10240x128xf32, #tpu.memory_space<vmem_shared>>, %arg13: memref<!tpu.dma_semaphore, #tpu.memory_space<semaphore_mem>>, %arg14: memref<!tpu.dma_semaphore, #tpu.memory_space<semaphore_mem>>, %arg15: memref<!tpu.dma_semaphore, #tpu.memory_space<semaphore_mem>>, %arg16: memref<!tpu.dma_semaphore, #tpu.memory_space<semaphore_mem>>, %arg17: memref<!tpu.dma_semaphore, #tpu.memory_space<semaphore_mem>>, %arg18: memref<!tpu.dma_semaphore, #tpu.memory_space<semaphore_mem>>) attributes {dimension_semantics = [#tpu.dimension_semantics<core_parallel>, #tpu.dimension_semantics<subcore_parallel>], iteration_bounds = array<i64: 2, 16>, scalar_prefetch = 0 : i64, scratch_operands = 12 : i64, tpu.core_type = #tpu.core_type<sc_vector_subcore>, window_params = [{transform_indices = #map}, {transform_indices = #map1}, {transform_indices = #map}, {transform_indices = #map1}, {transform_indices = #map2}]} {
    %mul3A = arith.constant 16 : i32
    %mul3A_0 = arith.muli %arg0, %mul3A : i32
    %add3A = arith.addi %mul3A_0, %arg1 : i32
    %eq3A = arith.constant 0 : i32
    %eq3A_1 = arith.cmpi eq, %arg0, %eq3A : i32
    %jit3A = arith.constant 72 : i32
    %jit3A_2 = arith.constant 8 : i32
    %select_n3A = arith.select %eq3A_1, %jit3A, %jit3A_2 : i32
    %mul3A_3 = arith.constant 72 : i32
    %mul3A_4 = arith.muli %add3A, %mul3A_3 : i32
    "tpu.region"() ({
      %run_scoped3A = tpu.sem_alloc : memref<!tpu.dma_semaphore, #tpu.memory_space<semaphore_mem>>
      %dma_start3A = arith.constant 0 : i32
      %dma_start3A_29 = tpu.memref_slice %arg4[%mul3A_4, %dma_start3A] : memref<2304x128xi32, #tpu.memory_space<hbm>> -> memref<72x128xi32, #tpu.memory_space<hbm>>
      %dma_start3A_30 = arith.constant 0 : i32
      %dma_start3A_31 = tpu.memref_slice %arg4[%mul3A_4, %dma_start3A_30] : memref<2304x128xi32, #tpu.memory_space<hbm>> -> memref<72x128xi32, #tpu.memory_space<hbm>>
      tpu.enqueue_dma source(%dma_start3A_31 : memref<72x128xi32, #tpu.memory_space<hbm>>) target(%arg7 : memref<72x128xi32, #tpu.memory_space<vmem>>) target_semaphore(%run_scoped3A : memref<!tpu.dma_semaphore, #tpu.memory_space<semaphore_mem>>)
      %dma_wait3A = arith.constant 0 : i32
      %dma_wait3A_32 = tpu.memref_slice %arg4[%mul3A_4, %dma_wait3A] : memref<2304x128xi32, #tpu.memory_space<hbm>> -> memref<72x128xi32, #tpu.memory_space<hbm>>
      %dma_wait3A_33 = arith.constant 0 : i32
      %dma_wait3A_34 = tpu.memref_slice %arg4[%mul3A_4, %dma_wait3A_33] : memref<2304x128xi32, #tpu.memory_space<hbm>> -> memref<72x128xi32, #tpu.memory_space<hbm>>
      tpu.wait_dma2 semaphore(%run_scoped3A : memref<!tpu.dma_semaphore, #tpu.memory_space<semaphore_mem>>) src(%dma_wait3A_34 : memref<72x128xi32, #tpu.memory_space<hbm>>) dst(%arg7 : memref<72x128xi32, #tpu.memory_space<vmem>>)
      tpu.yield
    }) : () -> ()
    %broadcast_in_dim3A = arith.constant 0.000000e+00 : f32
    %broadcast_in_dim3A_5 = vector.broadcast %broadcast_in_dim3A : f32 to vector<16xf32>
    %scan3A = arith.constant 0 : i32
    %scan3A_6 = arith.constant 128 : i32
    %scan3A_7 = arith.addi %scan3A, %scan3A_6 : i32
    %scan3A_8 = arith.constant 1 : i32
    scf.for %scan3A_29 = %scan3A to %scan3A_7 step %scan3A_8  : i32 {
      %mul3A_30 = arith.constant 1 : i32
      %mul3A_31 = arith.muli %scan3A_29, %mul3A_30 : i32
      %add3A_32 = arith.constant 0 : i32
      %add3A_33 = arith.addi %add3A_32, %mul3A_31 : i32
      %swap3A = arith.index_cast %add3A_33 : i32 to index
      %swap3A_34 = arith.constant 0 : index
      %swap3A_35 = tpu.vector_load %arg10[%swap3A, %swap3A_34] {strides = array<i32>} : memref<128x128xf32, #tpu.memory_space<vmem>>, vector<16xf32>,
      tpu.vector_store %arg10[%swap3A, %swap3A_34], %broadcast_in_dim3A_5 {strides = array<i32>} : memref<128x128xf32, #tpu.memory_space<vmem>>, vector<16xf32>,
      %swap3A_36 = arith.index_cast %add3A_33 : i32 to index
      %swap3A_37 = arith.constant 16 : index
      %swap3A_38 = tpu.vector_load %arg10[%swap3A_36, %swap3A_37] {strides = array<i32>} : memref<128x128xf32, #tpu.memory_space<vmem>>, vector<16xf32>,
      tpu.vector_store %arg10[%swap3A_36, %swap3A_37], %broadcast_in_dim3A_5 {strides = array<i32>} : memref<128x128xf32, #tpu.memory_space<vmem>>, vector<16xf32>,
      %swap3A_39 = arith.index_cast %add3A_33 : i32 to index
      %swap3A_40 = arith.constant 32 : index
      %swap3A_41 = tpu.vector_load %arg10[%swap3A_39, %swap3A_40] {strides = array<i32>} : memref<128x128xf32, #tpu.memory_space<vmem>>, vector<16xf32>,
      tpu.vector_store %arg10[%swap3A_39, %swap3A_40], %broadcast_in_dim3A_5 {strides = array<i32>} : memref<128x128xf32, #tpu.memory_space<vmem>>, vector<16xf32>,
      %swap3A_42 = arith.index_cast %add3A_33 : i32 to index
      %swap3A_43 = arith.constant 48 : index
      %swap3A_44 = tpu.vector_load %arg10[%swap3A_42, %swap3A_43] {strides = array<i32>} : memref<128x128xf32, #tpu.memory_space<vmem>>, vector<16xf32>,
      tpu.vector_store %arg10[%swap3A_42, %swap3A_43], %broadcast_in_dim3A_5 {strides = array<i32>} : memref<128x128xf32, #tpu.memory_space<vmem>>, vector<16xf32>,
      %swap3A_45 = arith.index_cast %add3A_33 : i32 to index
      %swap3A_46 = arith.constant 64 : index
      %swap3A_47 = tpu.vector_load %arg10[%swap3A_45, %swap3A_46] {strides = array<i32>} : memref<128x128xf32, #tpu.memory_space<vmem>>, vector<16xf32>,
      tpu.vector_store %arg10[%swap3A_45, %swap3A_46], %broadcast_in_dim3A_5 {strides = array<i32>} : memref<128x128xf32, #tpu.memory_space<vmem>>, vector<16xf32>,
      %swap3A_48 = arith.index_cast %add3A_33 : i32 to index
      %swap3A_49 = arith.constant 80 : index
      %swap3A_50 = tpu.vector_load %arg10[%swap3A_48, %swap3A_49] {strides = array<i32>} : memref<128x128xf32, #tpu.memory_space<vmem>>, vector<16xf32>,
      tpu.vector_store %arg10[%swap3A_48, %swap3A_49], %broadcast_in_dim3A_5 {strides = array<i32>} : memref<128x128xf32, #tpu.memory_space<vmem>>, vector<16xf32>,
      %swap3A_51 = arith.index_cast %add3A_33 : i32 to index
      %swap3A_52 = arith.constant 96 : index
      %swap3A_53 = tpu.vector_load %arg10[%swap3A_51, %swap3A_52] {strides = array<i32>} : memref<128x128xf32, #tpu.memory_space<vmem>>, vector<16xf32>,
      tpu.vector_store %arg10[%swap3A_51, %swap3A_52], %broadcast_in_dim3A_5 {strides = array<i32>} : memref<128x128xf32, #tpu.memory_space<vmem>>, vector<16xf32>,
      %swap3A_54 = arith.index_cast %add3A_33 : i32 to index
      %swap3A_55 = arith.constant 112 : index
      %swap3A_56 = tpu.vector_load %arg10[%swap3A_54, %swap3A_55] {strides = array<i32>} : memref<128x128xf32, #tpu.memory_space<vmem>>, vector<16xf32>,
      tpu.vector_store %arg10[%swap3A_54, %swap3A_55], %broadcast_in_dim3A_5 {strides = array<i32>} : memref<128x128xf32, #tpu.memory_space<vmem>>, vector<16xf32>,
    }
    %scan3A_9 = arith.constant 128 : i32
    %scan3A_10 = arith.constant 0 : i32
    %scan3A_11 = arith.constant 5 : i32
    %scan3A_12 = arith.addi %scan3A_10, %scan3A_11 : i32
    %scan3A_13 = arith.constant 1 : i32
    scf.for %scan3A_29 = %scan3A_10 to %scan3A_12 step %scan3A_13  : i32 {
      %mul3A_30 = arith.constant 1 : i32
      %mul3A_31 = arith.muli %scan3A_29, %mul3A_30 : i32
      %add3A_32 = arith.constant 0 : i32
      %add3A_33 = arith.addi %add3A_32, %mul3A_31 : i32
      %mul3A_34 = arith.constant 640 : i32
      %mul3A_35 = arith.muli %arg1, %mul3A_34 : i32
      %mul3A_36 = arith.constant 128 : i32
      %mul3A_37 = arith.muli %add3A_33, %mul3A_36 : i32
      %add3A_38 = arith.addi %mul3A_35, %mul3A_37 : i32
      "tpu.region"() ({
        %run_scoped3A = tpu.sem_alloc : memref<!tpu.dma_semaphore, #tpu.memory_space<semaphore_mem>>
        %dma_start3A = arith.constant 0 : i32
        %dma_start3A_39 = tpu.memref_slice %arg12[%add3A_38, %dma_start3A] : memref<10240x128xf32, #tpu.memory_space<vmem_shared>> -> memref<128x128xf32, #tpu.memory_space<vmem_shared>>
        %dma_start3A_40 = arith.constant 0 : i32
        %dma_start3A_41 = tpu.memref_slice %arg12[%add3A_38, %dma_start3A_40] : memref<10240x128xf32, #tpu.memory_space<vmem_shared>> -> memref<128x128xf32, #tpu.memory_space<vmem_shared>>
        tpu.enqueue_dma source(%arg10 : memref<128x128xf32, #tpu.memory_space<vmem>>) target(%dma_start3A_41 : memref<128x128xf32, #tpu.memory_space<vmem_shared>>) target_semaphore(%run_scoped3A : memref<!tpu.dma_semaphore, #tpu.memory_space<semaphore_mem>>)
        %dma_wait3A = arith.constant 0 : i32
        %dma_wait3A_42 = tpu.memref_slice %arg12[%add3A_38, %dma_wait3A] : memref<10240x128xf32, #tpu.memory_space<vmem_shared>> -> memref<128x128xf32, #tpu.memory_space<vmem_shared>>
        %dma_wait3A_43 = arith.constant 0 : i32
        %dma_wait3A_44 = tpu.memref_slice %arg12[%add3A_38, %dma_wait3A_43] : memref<10240x128xf32, #tpu.memory_space<vmem_shared>> -> memref<128x128xf32, #tpu.memory_space<vmem_shared>>
        tpu.wait_dma2 semaphore(%run_scoped3A : memref<!tpu.dma_semaphore, #tpu.memory_space<semaphore_mem>>) src(%arg10 : memref<128x128xf32, #tpu.memory_space<vmem>>) dst(%dma_wait3A_44 : memref<128x128xf32, #tpu.memory_space<vmem_shared>>)
        tpu.yield
      }) : () -> ()
    }
    %scan3A_14 = arith.constant 5 : i32
    %barrier3A = arith.constant 0 : index
    tpu.barrier barrier_id(%barrier3A)
    %mul3A_15 = arith.constant 72 : i32
    %mul3A_16 = arith.muli %add3A, %mul3A_15 : i32
    %mul3A_17 = arith.constant 128 : i32
    %mul3A_18 = arith.muli %mul3A_16, %mul3A_17 : i32
    "tpu.region"() ({
      %run_scoped3A = tpu.sem_alloc : memref<!tpu.dma_semaphore, #tpu.memory_space<semaphore_mem>>
      %dma_start3A = tpu.memref_slice %arg3[%mul3A_18] : memref<294912xi32, #tpu.memory_space<hbm>> -> memref<256xi32, #tpu.memory_space<hbm>>
      %dma_start3A_29 = tpu.memref_slice %arg3[%mul3A_18] : memref<294912xi32, #tpu.memory_space<hbm>> -> memref<256xi32, #tpu.memory_space<hbm>>
      tpu.enqueue_dma source(%dma_start3A_29 : memref<256xi32, #tpu.memory_space<hbm>>) target(%arg8 : memref<256xi32, #tpu.memory_space<vmem>>) target_semaphore(%run_scoped3A : memref<!tpu.dma_semaphore, #tpu.memory_space<semaphore_mem>>)
      %dma_wait3A = tpu.memref_slice %arg3[%mul3A_18] : memref<294912xi32, #tpu.memory_space<hbm>> -> memref<256xi32, #tpu.memory_space<hbm>>
      %dma_wait3A_30 = tpu.memref_slice %arg3[%mul3A_18] : memref<294912xi32, #tpu.memory_space<hbm>> -> memref<256xi32, #tpu.memory_space<hbm>>
      tpu.wait_dma2 semaphore(%run_scoped3A : memref<!tpu.dma_semaphore, #tpu.memory_space<semaphore_mem>>) src(%dma_wait3A_30 : memref<256xi32, #tpu.memory_space<hbm>>) dst(%arg8 : memref<256xi32, #tpu.memory_space<vmem>>)
      tpu.yield
    }) : () -> ()
    "tpu.region"() ({
      %run_scoped3A = tpu.sem_alloc : memref<!tpu.dma_semaphore, #tpu.memory_space<semaphore_mem>>
      %dma_start3A = tpu.memref_slice %arg5[%mul3A_18] : memref<294912xf32, #tpu.memory_space<hbm>> -> memref<256xf32, #tpu.memory_space<hbm>>
      %dma_start3A_29 = tpu.memref_slice %arg5[%mul3A_18] : memref<294912xf32, #tpu.memory_space<hbm>> -> memref<256xf32, #tpu.memory_space<hbm>>
      tpu.enqueue_dma source(%dma_start3A_29 : memref<256xf32, #tpu.memory_space<hbm>>) target(%arg9 : memref<256xf32, #tpu.memory_space<vmem>>) target_semaphore(%run_scoped3A : memref<!tpu.dma_semaphore, #tpu.memory_space<semaphore_mem>>)
      %dma_wait3A = tpu.memref_slice %arg5[%mul3A_18] : memref<294912xf32, #tpu.memory_space<hbm>> -> memref<256xf32, #tpu.memory_space<hbm>>
      %dma_wait3A_30 = tpu.memref_slice %arg5[%mul3A_18] : memref<294912xf32, #tpu.memory_space<hbm>> -> memref<256xf32, #tpu.memory_space<hbm>>
      tpu.wait_dma2 semaphore(%run_scoped3A : memref<!tpu.dma_semaphore, #tpu.memory_space<semaphore_mem>>) src(%dma_wait3A_30 : memref<256xf32, #tpu.memory_space<hbm>>) dst(%arg9 : memref<256xf32, #tpu.memory_space<vmem>>)
      tpu.yield
    }) : () -> ()
    %scan3A_19 = arith.constant 0 : i32
    %scan3A_20 = arith.constant 36 : i32
    %scan3A_21 = arith.addi %scan3A_19, %scan3A_20 : i32
    %scan3A_22 = arith.constant 1 : i32
    scf.for %scan3A_29 = %scan3A_19 to %scan3A_21 step %scan3A_22  : i32 {
      %mul3A_30 = arith.constant 1 : i32
      %mul3A_31 = arith.muli %scan3A_29, %mul3A_30 : i32
      %add3A_32 = arith.constant 0 : i32
      %add3A_33 = arith.addi %add3A_32, %mul3A_31 : i32
      %mul3A_34 = arith.constant 2 : i32
      %mul3A_35 = arith.muli %mul3A_34, %add3A_33 : i32
      %add3A_36 = arith.constant 1 : i32
      %add3A_37 = arith.addi %mul3A_35, %add3A_36 : i32
      %lt3A = arith.cmpi slt, %mul3A_35, %select_n3A : i32
      %convert_element_type3A_38 = arith.extui %lt3A : i1 to i32
      %cond3A_39 = arith.constant 0 : i32
      %cond3A_40 = arith.cmpi ne, %convert_element_type3A_38, %cond3A_39 : i32
      scf.if %cond3A_40 {
        %gt3A_41 = arith.constant 0 : i32
        %gt3A_42 = arith.cmpi sgt, %add3A_33, %gt3A_41 : i32
        %convert_element_type3A_43 = arith.extui %gt3A_42 : i1 to i32
        %cond3A_44 = arith.constant 0 : i32
        %cond3A_45 = arith.cmpi ne, %convert_element_type3A_43, %cond3A_44 : i32
        scf.if %cond3A_45 {
          %dma_wait3A_115 = tpu.memref_slice %arg3[%mul3A_18] : memref<294912xi32, #tpu.memory_space<hbm>> -> memref<256xi32, #tpu.memory_space<hbm>>
          %dma_wait3A_116 = tpu.memref_slice %arg3[%mul3A_18] : memref<294912xi32, #tpu.memory_space<hbm>> -> memref<256xi32, #tpu.memory_space<hbm>>
          tpu.wait_dma2 semaphore(%arg17 : memref<!tpu.dma_semaphore, #tpu.memory_space<semaphore_mem>>) src(%dma_wait3A_116 : memref<256xi32, #tpu.memory_space<hbm>>) dst(%arg8 : memref<256xi32, #tpu.memory_space<vmem>>)
          %dma_wait3A_117 = arith.constant 0 : i32
          %dma_wait3A_118 = arith.constant 0 : i32
          %dma_wait3A_119 = tpu.memref_slice %arg7[%dma_wait3A_117, %dma_wait3A_118] : memref<72x128xi32, #tpu.memory_space<vmem>> -> memref<1x128xi32, #tpu.memory_space<vmem>>
          %dma_wait3A_120 = tpu.memref_squeeze %dma_wait3A_119 : memref<1x128xi32, #tpu.memory_space<vmem>> -> memref<128xi32, #tpu.memory_space<vmem>>
          %dma_wait3A_121 = arith.constant 0 : i32
          %dma_wait3A_122 = arith.constant 0 : i32
          %dma_wait3A_123 = tpu.memref_slice %arg12[%dma_wait3A_121, %dma_wait3A_122] : memref<10240x128xf32, #tpu.memory_space<vmem_shared>> -> memref<10240x128xf32, #tpu.memory_space<vmem_shared>>
          tpu.wait_indirect_dma semaphore(%arg15 : memref<!tpu.dma_semaphore, #tpu.memory_space<semaphore_mem>>) src(%arg10 : memref<128x128xf32, #tpu.memory_space<vmem>>) dst(%dma_wait3A_123 : memref<10240x128xf32, #tpu.memory_space<vmem_shared>>)
        } else {
        }
        %dma_start3A = arith.constant 0 : i32
        %dma_start3A_46 = tpu.memref_slice %arg8[%dma_start3A] : memref<256xi32, #tpu.memory_space<vmem>> -> memref<128xi32, #tpu.memory_space<vmem>>
        %dma_start3A_47 = arith.constant 0 : i32
        %dma_start3A_48 = arith.constant 0 : i32
        %dma_start3A_49 = tpu.memref_slice %arg2[%dma_start3A_47, %dma_start3A_48] : memref<10000x128xf32, #tpu.memory_space<hbm>> -> memref<10000x128xf32, #tpu.memory_space<hbm>>
        tpu.enqueue_indirect_dma source(%dma_start3A_49 : memref<10000x128xf32, #tpu.memory_space<hbm>>) target(%arg10 : memref<128x128xf32, #tpu.memory_space<vmem>>) offsets(%dma_start3A_46 : memref<128xi32, #tpu.memory_space<vmem>>) semaphore(%arg13 : memref<!tpu.dma_semaphore, #tpu.memory_space<semaphore_mem>>)
        %gt3A_50 = arith.constant 0 : i32
        %gt3A_51 = arith.cmpi sgt, %add3A_33, %gt3A_50 : i32
        %convert_element_type3A_52 = arith.extui %gt3A_51 : i1 to i32
        %cond3A_53 = arith.constant 0 : i32
        %cond3A_54 = arith.cmpi ne, %convert_element_type3A_52, %cond3A_53 : i32
        scf.if %cond3A_54 {
          %dma_wait3A_115 = arith.constant 0 : i32
          %dma_wait3A_116 = arith.constant 0 : i32
          %dma_wait3A_117 = tpu.memref_slice %arg7[%dma_wait3A_115, %dma_wait3A_116] : memref<72x128xi32, #tpu.memory_space<vmem>> -> memref<1x128xi32, #tpu.memory_space<vmem>>
          %dma_wait3A_118 = tpu.memref_squeeze %dma_wait3A_117 : memref<1x128xi32, #tpu.memory_space<vmem>> -> memref<128xi32, #tpu.memory_space<vmem>>
          %dma_wait3A_119 = arith.constant 0 : i32
          %dma_wait3A_120 = arith.constant 0 : i32
          %dma_wait3A_121 = tpu.memref_slice %arg12[%dma_wait3A_119, %dma_wait3A_120] : memref<10240x128xf32, #tpu.memory_space<vmem_shared>> -> memref<10240x128xf32, #tpu.memory_space<vmem_shared>>
          tpu.wait_indirect_dma semaphore(%arg16 : memref<!tpu.dma_semaphore, #tpu.memory_space<semaphore_mem>>) src(%arg11 : memref<128x128xf32, #tpu.memory_space<vmem>>) dst(%dma_wait3A_121 : memref<10240x128xf32, #tpu.memory_space<vmem_shared>>)
        } else {
        }
        %dma_start3A_55 = arith.constant 128 : i32
        %dma_start3A_56 = tpu.memref_slice %arg8[%dma_start3A_55] : memref<256xi32, #tpu.memory_space<vmem>> -> memref<128xi32, #tpu.memory_space<vmem>>
        %dma_start3A_57 = arith.constant 0 : i32
        %dma_start3A_58 = arith.constant 0 : i32
        %dma_start3A_59 = tpu.memref_slice %arg2[%dma_start3A_57, %dma_start3A_58] : memref<10000x128xf32, #tpu.memory_space<hbm>> -> memref<10000x128xf32, #tpu.memory_space<hbm>>
        tpu.enqueue_indirect_dma source(%dma_start3A_59 : memref<10000x128xf32, #tpu.memory_space<hbm>>) target(%arg11 : memref<128x128xf32, #tpu.memory_space<vmem>>) offsets(%dma_start3A_56 : memref<128xi32, #tpu.memory_space<vmem>>) semaphore(%arg14 : memref<!tpu.dma_semaphore, #tpu.memory_space<semaphore_mem>>)
        %dma_wait3A = arith.constant 0 : i32
        %dma_wait3A_60 = tpu.memref_slice %arg8[%dma_wait3A] : memref<256xi32, #tpu.memory_space<vmem>> -> memref<128xi32, #tpu.memory_space<vmem>>
        %dma_wait3A_61 = arith.constant 0 : i32
        %dma_wait3A_62 = arith.constant 0 : i32
        %dma_wait3A_63 = tpu.memref_slice %arg2[%dma_wait3A_61, %dma_wait3A_62] : memref<10000x128xf32, #tpu.memory_space<hbm>> -> memref<10000x128xf32, #tpu.memory_space<hbm>>
        tpu.wait_indirect_dma semaphore(%arg13 : memref<!tpu.dma_semaphore, #tpu.memory_space<semaphore_mem>>) src(%dma_wait3A_63 : memref<10000x128xf32, #tpu.memory_space<hbm>>) dst(%arg10 : memref<128x128xf32, #tpu.memory_space<vmem>>)
        %gt3A_64 = arith.constant 0 : i32
        %gt3A_65 = arith.cmpi sgt, %add3A_33, %gt3A_64 : i32
        %convert_element_type3A_66 = arith.extui %gt3A_65 : i1 to i32
        %cond3A_67 = arith.constant 0 : i32
        %cond3A_68 = arith.cmpi ne, %convert_element_type3A_66, %cond3A_67 : i32
        scf.if %cond3A_68 {
          %dma_wait3A_115 = tpu.memref_slice %arg5[%mul3A_18] : memref<294912xf32, #tpu.memory_space<hbm>> -> memref<256xf32, #tpu.memory_space<hbm>>
          %dma_wait3A_116 = tpu.memref_slice %arg5[%mul3A_18] : memref<294912xf32, #tpu.memory_space<hbm>> -> memref<256xf32, #tpu.memory_space<hbm>>
          tpu.wait_dma2 semaphore(%arg18 : memref<!tpu.dma_semaphore, #tpu.memory_space<semaphore_mem>>) src(%dma_wait3A_116 : memref<256xf32, #tpu.memory_space<hbm>>) dst(%arg9 : memref<256xf32, #tpu.memory_space<vmem>>)
        } else {
        }
        %scan3A_69 = arith.constant 0 : i32
        %scan3A_70 = arith.constant 128 : i32
        %scan3A_71 = arith.addi %scan3A_69, %scan3A_70 : i32
        %scan3A_72 = arith.constant 4 : i32
        scf.for %scan3A_115 = %scan3A_69 to %scan3A_71 step %scan3A_72  : i32 {
          %mul3A_116 = arith.constant 1 : i32
          %mul3A_117 = arith.muli %scan3A_115, %mul3A_116 : i32
          %add3A_118 = arith.constant 0 : i32
          %add3A_119 = arith.addi %add3A_118, %mul3A_117 : i32
          %add3A_120 = arith.constant 0 : i32
          %add3A_121 = arith.addi %add3A_120, %add3A_119 : i32
          %broadcast_in_dim3A_122 = vector.broadcast %add3A_121 : i32 to vector<16xi32>
          %gather3A = tpu.vector_load_idx %arg9[%broadcast_in_dim3A_122] : memref<256xf32, #tpu.memory_space<vmem>>[vector<16xi32>], vector<16xf32>,
          %get3A = arith.index_cast %add3A_119 : i32 to index
          %get3A_123 = arith.constant 0 : index
          %get3A_124 = tpu.vector_load %arg10[%get3A, %get3A_123] {strides = array<i32>} : memref<128x128xf32, #tpu.memory_space<vmem>>, vector<16xf32>,
          %mul3A_125 = arith.mulf %get3A_124, %gather3A : vector<16xf32>
          %swap3A = arith.index_cast %add3A_119 : i32 to index
          %swap3A_126 = arith.constant 0 : index
          %swap3A_127 = tpu.vector_load %arg10[%swap3A, %swap3A_126] {strides = array<i32>} : memref<128x128xf32, #tpu.memory_space<vmem>>, vector<16xf32>,
          tpu.vector_store %arg10[%swap3A, %swap3A_126], %mul3A_125 {strides = array<i32>} : memref<128x128xf32, #tpu.memory_space<vmem>>, vector<16xf32>,
          %get3A_128 = arith.index_cast %add3A_119 : i32 to index
          %get3A_129 = arith.constant 16 : index
          %get3A_130 = tpu.vector_load %arg10[%get3A_128, %get3A_129] {strides = array<i32>} : memref<128x128xf32, #tpu.memory_space<vmem>>, vector<16xf32>,
          %mul3A_131 = arith.mulf %get3A_130, %gather3A : vector<16xf32>
          %swap3A_132 = arith.index_cast %add3A_119 : i32 to index
          %swap3A_133 = arith.constant 16 : index
          %swap3A_134 = tpu.vector_load %arg10[%swap3A_132, %swap3A_133] {strides = array<i32>} : memref<128x128xf32, #tpu.memory_space<vmem>>, vector<16xf32>,
          tpu.vector_store %arg10[%swap3A_132, %swap3A_133], %mul3A_131 {strides = array<i32>} : memref<128x128xf32, #tpu.memory_space<vmem>>, vector<16xf32>,
          %get3A_135 = arith.index_cast %add3A_119 : i32 to index
          %get3A_136 = arith.constant 32 : index
          %get3A_137 = tpu.vector_load %arg10[%get3A_135, %get3A_136] {strides = array<i32>} : memref<128x128xf32, #tpu.memory_space<vmem>>, vector<16xf32>,
          %mul3A_138 = arith.mulf %get3A_137, %gather3A : vector<16xf32>
          %swap3A_139 = arith.index_cast %add3A_119 : i32 to index
          %swap3A_140 = arith.constant 32 : index
          %swap3A_141 = tpu.vector_load %arg10[%swap3A_139, %swap3A_140] {strides = array<i32>} : memref<128x128xf32, #tpu.memory_space<vmem>>, vector<16xf32>,
          tpu.vector_store %arg10[%swap3A_139, %swap3A_140], %mul3A_138 {strides = array<i32>} : memref<128x128xf32, #tpu.memory_space<vmem>>, vector<16xf32>,
          %get3A_142 = arith.index_cast %add3A_119 : i32 to index
          %get3A_143 = arith.constant 48 : index
          %get3A_144 = tpu.vector_load %arg10[%get3A_142, %get3A_143] {strides = array<i32>} : memref<128x128xf32, #tpu.memory_space<vmem>>, vector<16xf32>,
          %mul3A_145 = arith.mulf %get3A_144, %gather3A : vector<16xf32>
          %swap3A_146 = arith.index_cast %add3A_119 : i32 to index
          %swap3A_147 = arith.constant 48 : index
          %swap3A_148 = tpu.vector_load %arg10[%swap3A_146, %swap3A_147] {strides = array<i32>} : memref<128x128xf32, #tpu.memory_space<vmem>>, vector<16xf32>,
          tpu.vector_store %arg10[%swap3A_146, %swap3A_147], %mul3A_145 {strides = array<i32>} : memref<128x128xf32, #tpu.memory_space<vmem>>, vector<16xf32>,
          %get3A_149 = arith.index_cast %add3A_119 : i32 to index
          %get3A_150 = arith.constant 64 : index
          %get3A_151 = tpu.vector_load %arg10[%get3A_149, %get3A_150] {strides = array<i32>} : memref<128x128xf32, #tpu.memory_space<vmem>>, vector<16xf32>,
          %mul3A_152 = arith.mulf %get3A_151, %gather3A : vector<16xf32>
          %swap3A_153 = arith.index_cast %add3A_119 : i32 to index
          %swap3A_154 = arith.constant 64 : index
          %swap3A_155 = tpu.vector_load %arg10[%swap3A_153, %swap3A_154] {strides = array<i32>} : memref<128x128xf32, #tpu.memory_space<vmem>>, vector<16xf32>,
          tpu.vector_store %arg10[%swap3A_153, %swap3A_154], %mul3A_152 {strides = array<i32>} : memref<128x128xf32, #tpu.memory_space<vmem>>, vector<16xf32>,
          %get3A_156 = arith.index_cast %add3A_119 : i32 to index
          %get3A_157 = arith.constant 80 : index
          %get3A_158 = tpu.vector_load %arg10[%get3A_156, %get3A_157] {strides = array<i32>} : memref<128x128xf32, #tpu.memory_space<vmem>>, vector<16xf32>,
          %mul3A_159 = arith.mulf %get3A_158, %gather3A : vector<16xf32>
          %swap3A_160 = arith.index_cast %add3A_119 : i32 to index
          %swap3A_161 = arith.constant 80 : index
          %swap3A_162 = tpu.vector_load %arg10[%swap3A_160, %swap3A_161] {strides = array<i32>} : memref<128x128xf32, #tpu.memory_space<vmem>>, vector<16xf32>,
          tpu.vector_store %arg10[%swap3A_160, %swap3A_161], %mul3A_159 {strides = array<i32>} : memref<128x128xf32, #tpu.memory_space<vmem>>, vector<16xf32>,
          %get3A_163 = arith.index_cast %add3A_119 : i32 to index
          %get3A_164 = arith.constant 96 : index
          %get3A_165 = tpu.vector_load %arg10[%get3A_163, %get3A_164] {strides = array<i32>} : memref<128x128xf32, #tpu.memory_space<vmem>>, vector<16xf32>,
          %mul3A_166 = arith.mulf %get3A_165, %gather3A : vector<16xf32>
          %swap3A_167 = arith.index_cast %add3A_119 : i32 to index
          %swap3A_168 = arith.constant 96 : index
          %swap3A_169 = tpu.vector_load %arg10[%swap3A_167, %swap3A_168] {strides = array<i32>} : memref<128x128xf32, #tpu.memory_space<vmem>>, vector<16xf32>,
          tpu.vector_store %arg10[%swap3A_167, %swap3A_168], %mul3A_166 {strides = array<i32>} : memref<128x128xf32, #tpu.memory_space<vmem>>, vector<16xf32>,
          %get3A_170 = arith.index_cast %add3A_119 : i32 to index
          %get3A_171 = arith.constant 112 : index
          %get3A_172 = tpu.vector_load %arg10[%get3A_170, %get3A_171] {strides = array<i32>} : memref<128x128xf32, #tpu.memory_space<vmem>>, vector<16xf32>,
          %mul3A_173 = arith.mulf %get3A_172, %gather3A : vector<16xf32>
          %swap3A_174 = arith.index_cast %add3A_119 : i32 to index
          %swap3A_175 = arith.constant 112 : index
          %swap3A_176 = tpu.vector_load %arg10[%swap3A_174, %swap3A_175] {strides = array<i32>} : memref<128x128xf32, #tpu.memory_space<vmem>>, vector<16xf32>,
          tpu.vector_store %arg10[%swap3A_174, %swap3A_175], %mul3A_173 {strides = array<i32>} : memref<128x128xf32, #tpu.memory_space<vmem>>, vector<16xf32>,
          %scan3A_177 = arith.constant 1 : i32
          %scan3A_178 = arith.addi %scan3A_115, %scan3A_177 : i32
          %mul3A_179 = arith.constant 1 : i32
          %mul3A_180 = arith.muli %scan3A_178, %mul3A_179 : i32
          %add3A_181 = arith.constant 0 : i32
          %add3A_182 = arith.addi %add3A_181, %mul3A_180 : i32
          %add3A_183 = arith.constant 0 : i32
          %add3A_184 = arith.addi %add3A_183, %add3A_182 : i32
          %broadcast_in_dim3A_185 = vector.broadcast %add3A_184 : i32 to vector<16xi32>
          %gather3A_186 = tpu.vector_load_idx %arg9[%broadcast_in_dim3A_185] : memref<256xf32, #tpu.memory_space<vmem>>[vector<16xi32>], vector<16xf32>,
          %get3A_187 = arith.index_cast %add3A_182 : i32 to index
          %get3A_188 = arith.constant 0 : index
          %get3A_189 = tpu.vector_load %arg10[%get3A_187, %get3A_188] {strides = array<i32>} : memref<128x128xf32, #tpu.memory_space<vmem>>, vector<16xf32>,
          %mul3A_190 = arith.mulf %get3A_189, %gather3A_186 : vector<16xf32>
          %swap3A_191 = arith.index_cast %add3A_182 : i32 to index
          %swap3A_192 = arith.constant 0 : index
          %swap3A_193 = tpu.vector_load %arg10[%swap3A_191, %swap3A_192] {strides = array<i32>} : memref<128x128xf32, #tpu.memory_space<vmem>>, vector<16xf32>,
          tpu.vector_store %arg10[%swap3A_191, %swap3A_192], %mul3A_190 {strides = array<i32>} : memref<128x128xf32, #tpu.memory_space<vmem>>, vector<16xf32>,
          %get3A_194 = arith.index_cast %add3A_182 : i32 to index
          %get3A_195 = arith.constant 16 : index
          %get3A_196 = tpu.vector_load %arg10[%get3A_194, %get3A_195] {strides = array<i32>} : memref<128x128xf32, #tpu.memory_space<vmem>>, vector<16xf32>,
          %mul3A_197 = arith.mulf %get3A_196, %gather3A_186 : vector<16xf32>
          %swap3A_198 = arith.index_cast %add3A_182 : i32 to index
          %swap3A_199 = arith.constant 16 : index
          %swap3A_200 = tpu.vector_load %arg10[%swap3A_198, %swap3A_199] {strides = array<i32>} : memref<128x128xf32, #tpu.memory_space<vmem>>, vector<16xf32>,
          tpu.vector_store %arg10[%swap3A_198, %swap3A_199], %mul3A_197 {strides = array<i32>} : memref<128x128xf32, #tpu.memory_space<vmem>>, vector<16xf32>,
          %get3A_201 = arith.index_cast %add3A_182 : i32 to index
          %get3A_202 = arith.constant 32 : index
          %get3A_203 = tpu.vector_load %arg10[%get3A_201, %get3A_202] {strides = array<i32>} : memref<128x128xf32, #tpu.memory_space<vmem>>, vector<16xf32>,
          %mul3A_204 = arith.mulf %get3A_203, %gather3A_186 : vector<16xf32>
          %swap3A_205 = arith.index_cast %add3A_182 : i32 to index
          %swap3A_206 = arith.constant 32 : index
          %swap3A_207 = tpu.vector_load %arg10[%swap3A_205, %swap3A_206] {strides = array<i32>} : memref<128x128xf32, #tpu.memory_space<vmem>>, vector<16xf32>,
          tpu.vector_store %arg10[%swap3A_205, %swap3A_206], %mul3A_204 {strides = array<i32>} : memref<128x128xf32, #tpu.memory_space<vmem>>, vector<16xf32>,
          %get3A_208 = arith.index_cast %add3A_182 : i32 to index
          %get3A_209 = arith.constant 48 : index
          %get3A_210 = tpu.vector_load %arg10[%get3A_208, %get3A_209] {strides = array<i32>} : memref<128x128xf32, #tpu.memory_space<vmem>>, vector<16xf32>,
          %mul3A_211 = arith.mulf %get3A_210, %gather3A_186 : vector<16xf32>
          %swap3A_212 = arith.index_cast %add3A_182 : i32 to index
          %swap3A_213 = arith.constant 48 : index
          %swap3A_214 = tpu.vector_load %arg10[%swap3A_212, %swap3A_213] {strides = array<i32>} : memref<128x128xf32, #tpu.memory_space<vmem>>, vector<16xf32>,
          tpu.vector_store %arg10[%swap3A_212, %swap3A_213], %mul3A_211 {strides = array<i32>} : memref<128x128xf32, #tpu.memory_space<vmem>>, vector<16xf32>,
          %get3A_215 = arith.index_cast %add3A_182 : i32 to index
          %get3A_216 = arith.constant 64 : index
          %get3A_217 = tpu.vector_load %arg10[%get3A_215, %get3A_216] {strides = array<i32>} : memref<128x128xf32, #tpu.memory_space<vmem>>, vector<16xf32>,
          %mul3A_218 = arith.mulf %get3A_217, %gather3A_186 : vector<16xf32>
          %swap3A_219 = arith.index_cast %add3A_182 : i32 to index
          %swap3A_220 = arith.constant 64 : index
          %swap3A_221 = tpu.vector_load %arg10[%swap3A_219, %swap3A_220] {strides = array<i32>} : memref<128x128xf32, #tpu.memory_space<vmem>>, vector<16xf32>,
          tpu.vector_store %arg10[%swap3A_219, %swap3A_220], %mul3A_218 {strides = array<i32>} : memref<128x128xf32, #tpu.memory_space<vmem>>, vector<16xf32>,
          %get3A_222 = arith.index_cast %add3A_182 : i32 to index
          %get3A_223 = arith.constant 80 : index
          %get3A_224 = tpu.vector_load %arg10[%get3A_222, %get3A_223] {strides = array<i32>} : memref<128x128xf32, #tpu.memory_space<vmem>>, vector<16xf32>,
          %mul3A_225 = arith.mulf %get3A_224, %gather3A_186 : vector<16xf32>
          %swap3A_226 = arith.index_cast %add3A_182 : i32 to index
          %swap3A_227 = arith.constant 80 : index
          %swap3A_228 = tpu.vector_load %arg10[%swap3A_226, %swap3A_227] {strides = array<i32>} : memref<128x128xf32, #tpu.memory_space<vmem>>, vector<16xf32>,
          tpu.vector_store %arg10[%swap3A_226, %swap3A_227], %mul3A_225 {strides = array<i32>} : memref<128x128xf32, #tpu.memory_space<vmem>>, vector<16xf32>,
          %get3A_229 = arith.index_cast %add3A_182 : i32 to index
          %get3A_230 = arith.constant 96 : index
          %get3A_231 = tpu.vector_load %arg10[%get3A_229, %get3A_230] {strides = array<i32>} : memref<128x128xf32, #tpu.memory_space<vmem>>, vector<16xf32>,
          %mul3A_232 = arith.mulf %get3A_231, %gather3A_186 : vector<16xf32>
          %swap3A_233 = arith.index_cast %add3A_182 : i32 to index
          %swap3A_234 = arith.constant 96 : index
          %swap3A_235 = tpu.vector_load %arg10[%swap3A_233, %swap3A_234] {strides = array<i32>} : memref<128x128xf32, #tpu.memory_space<vmem>>, vector<16xf32>,
          tpu.vector_store %arg10[%swap3A_233, %swap3A_234], %mul3A_232 {strides = array<i32>} : memref<128x128xf32, #tpu.memory_space<vmem>>, vector<16xf32>,
          %get3A_236 = arith.index_cast %add3A_182 : i32 to index
          %get3A_237 = arith.constant 112 : index
          %get3A_238 = tpu.vector_load %arg10[%get3A_236, %get3A_237] {strides = array<i32>} : memref<128x128xf32, #tpu.memory_space<vmem>>, vector<16xf32>,
          %mul3A_239 = arith.mulf %get3A_238, %gather3A_186 : vector<16xf32>
          %swap3A_240 = arith.index_cast %add3A_182 : i32 to index
          %swap3A_241 = arith.constant 112 : index
          %swap3A_242 = tpu.vector_load %arg10[%swap3A_240, %swap3A_241] {strides = array<i32>} : memref<128x128xf32, #tpu.memory_space<vmem>>, vector<16xf32>,
          tpu.vector_store %arg10[%swap3A_240, %swap3A_241], %mul3A_239 {strides = array<i32>} : memref<128x128xf32, #tpu.memory_space<vmem>>, vector<16xf32>,
          %scan3A_243 = arith.constant 2 : i32
          %scan3A_244 = arith.addi %scan3A_115, %scan3A_243 : i32
          %mul3A_245 = arith.constant 1 : i32
          %mul3A_246 = arith.muli %scan3A_244, %mul3A_245 : i32
          %add3A_247 = arith.constant 0 : i32
          %add3A_248 = arith.addi %add3A_247, %mul3A_246 : i32
          %add3A_249 = arith.constant 0 : i32
          %add3A_250 = arith.addi %add3A_249, %add3A_248 : i32
          %broadcast_in_dim3A_251 = vector.broadcast %add3A_250 : i32 to vector<16xi32>
          %gather3A_252 = tpu.vector_load_idx %arg9[%broadcast_in_dim3A_251] : memref<256xf32, #tpu.memory_space<vmem>>[vector<16xi32>], vector<16xf32>,
          %get3A_253 = arith.index_cast %add3A_248 : i32 to index
          %get3A_254 = arith.constant 0 : index
          %get3A_255 = tpu.vector_load %arg10[%get3A_253, %get3A_254] {strides = array<i32>} : memref<128x128xf32, #tpu.memory_space<vmem>>, vector<16xf32>,
          %mul3A_256 = arith.mulf %get3A_255, %gather3A_252 : vector<16xf32>
          %swap3A_257 = arith.index_cast %add3A_248 : i32 to index
          %swap3A_258 = arith.constant 0 : index
          %swap3A_259 = tpu.vector_load %arg10[%swap3A_257, %swap3A_258] {strides = array<i32>} : memref<128x128xf32, #tpu.memory_space<vmem>>, vector<16xf32>,
          tpu.vector_store %arg10[%swap3A_257, %swap3A_258], %mul3A_256 {strides = array<i32>} : memref<128x128xf32, #tpu.memory_space<vmem>>, vector<16xf32>,
          %get3A_260 = arith.index_cast %add3A_248 : i32 to index
          %get3A_261 = arith.constant 16 : index
          %get3A_262 = tpu.vector_load %arg10[%get3A_260, %get3A_261] {strides = array<i32>} : memref<128x128xf32, #tpu.memory_space<vmem>>, vector<16xf32>,
          %mul3A_263 = arith.mulf %get3A_262, %gather3A_252 : vector<16xf32>
          %swap3A_264 = arith.index_cast %add3A_248 : i32 to index
          %swap3A_265 = arith.constant 16 : index
          %swap3A_266 = tpu.vector_load %arg10[%swap3A_264, %swap3A_265] {strides = array<i32>} : memref<128x128xf32, #tpu.memory_space<vmem>>, vector<16xf32>,
          tpu.vector_store %arg10[%swap3A_264, %swap3A_265], %mul3A_263 {strides = array<i32>} : memref<128x128xf32, #tpu.memory_space<vmem>>, vector<16xf32>,
          %get3A_267 = arith.index_cast %add3A_248 : i32 to index
          %get3A_268 = arith.constant 32 : index
          %get3A_269 = tpu.vector_load %arg10[%get3A_267, %get3A_268] {strides = array<i32>} : memref<128x128xf32, #tpu.memory_space<vmem>>, vector<16xf32>,
          %mul3A_270 = arith.mulf %get3A_269, %gather3A_252 : vector<16xf32>
          %swap3A_271 = arith.index_cast %add3A_248 : i32 to index
          %swap3A_272 = arith.constant 32 : index
          %swap3A_273 = tpu.vector_load %arg10[%swap3A_271, %swap3A_272] {strides = array<i32>} : memref<128x128xf32, #tpu.memory_space<vmem>>, vector<16xf32>,
          tpu.vector_store %arg10[%swap3A_271, %swap3A_272], %mul3A_270 {strides = array<i32>} : memref<128x128xf32, #tpu.memory_space<vmem>>, vector<16xf32>,
          %get3A_274 = arith.index_cast %add3A_248 : i32 to index
          %get3A_275 = arith.constant 48 : index
          %get3A_276 = tpu.vector_load %arg10[%get3A_274, %get3A_275] {strides = array<i32>} : memref<128x128xf32, #tpu.memory_space<vmem>>, vector<16xf32>,
          %mul3A_277 = arith.mulf %get3A_276, %gather3A_252 : vector<16xf32>
          %swap3A_278 = arith.index_cast %add3A_248 : i32 to index
          %swap3A_279 = arith.constant 48 : index
          %swap3A_280 = tpu.vector_load %arg10[%swap3A_278, %swap3A_279] {strides = array<i32>} : memref<128x128xf32, #tpu.memory_space<vmem>>, vector<16xf32>,
          tpu.vector_store %arg10[%swap3A_278, %swap3A_279], %mul3A_277 {strides = array<i32>} : memref<128x128xf32, #tpu.memory_space<vmem>>, vector<16xf32>,
          %get3A_281 = arith.index_cast %add3A_248 : i32 to index
          %get3A_282 = arith.constant 64 : index
          %get3A_283 = tpu.vector_load %arg10[%get3A_281, %get3A_282] {strides = array<i32>} : memref<128x128xf32, #tpu.memory_space<vmem>>, vector<16xf32>,
          %mul3A_284 = arith.mulf %get3A_283, %gather3A_252 : vector<16xf32>
          %swap3A_285 = arith.index_cast %add3A_248 : i32 to index
          %swap3A_286 = arith.constant 64 : index
          %swap3A_287 = tpu.vector_load %arg10[%swap3A_285, %swap3A_286] {strides = array<i32>} : memref<128x128xf32, #tpu.memory_space<vmem>>, vector<16xf32>,
          tpu.vector_store %arg10[%swap3A_285, %swap3A_286], %mul3A_284 {strides = array<i32>} : memref<128x128xf32, #tpu.memory_space<vmem>>, vector<16xf32>,
          %get3A_288 = arith.index_cast %add3A_248 : i32 to index
          %get3A_289 = arith.constant 80 : index
          %get3A_290 = tpu.vector_load %arg10[%get3A_288, %get3A_289] {strides = array<i32>} : memref<128x128xf32, #tpu.memory_space<vmem>>, vector<16xf32>,
          %mul3A_291 = arith.mulf %get3A_290, %gather3A_252 : vector<16xf32>
          %swap3A_292 = arith.index_cast %add3A_248 : i32 to index
          %swap3A_293 = arith.constant 80 : index
          %swap3A_294 = tpu.vector_load %arg10[%swap3A_292, %swap3A_293] {strides = array<i32>} : memref<128x128xf32, #tpu.memory_space<vmem>>, vector<16xf32>,
          tpu.vector_store %arg10[%swap3A_292, %swap3A_293], %mul3A_291 {strides = array<i32>} : memref<128x128xf32, #tpu.memory_space<vmem>>, vector<16xf32>,
          %get3A_295 = arith.index_cast %add3A_248 : i32 to index
          %get3A_296 = arith.constant 96 : index
          %get3A_297 = tpu.vector_load %arg10[%get3A_295, %get3A_296] {strides = array<i32>} : memref<128x128xf32, #tpu.memory_space<vmem>>, vector<16xf32>,
          %mul3A_298 = arith.mulf %get3A_297, %gather3A_252 : vector<16xf32>
          %swap3A_299 = arith.index_cast %add3A_248 : i32 to index
          %swap3A_300 = arith.constant 96 : index
          %swap3A_301 = tpu.vector_load %arg10[%swap3A_299, %swap3A_300] {strides = array<i32>} : memref<128x128xf32, #tpu.memory_space<vmem>>, vector<16xf32>,
          tpu.vector_store %arg10[%swap3A_299, %swap3A_300], %mul3A_298 {strides = array<i32>} : memref<128x128xf32, #tpu.memory_space<vmem>>, vector<16xf32>,
          %get3A_302 = arith.index_cast %add3A_248 : i32 to index
          %get3A_303 = arith.constant 112 : index
          %get3A_304 = tpu.vector_load %arg10[%get3A_302, %get3A_303] {strides = array<i32>} : memref<128x128xf32, #tpu.memory_space<vmem>>, vector<16xf32>,
          %mul3A_305 = arith.mulf %get3A_304, %gather3A_252 : vector<16xf32>
          %swap3A_306 = arith.index_cast %add3A_248 : i32 to index
          %swap3A_307 = arith.constant 112 : index
          %swap3A_308 = tpu.vector_load %arg10[%swap3A_306, %swap3A_307] {strides = array<i32>} : memref<128x128xf32, #tpu.memory_space<vmem>>, vector<16xf32>,
          tpu.vector_store %arg10[%swap3A_306, %swap3A_307], %mul3A_305 {strides = array<i32>} : memref<128x128xf32, #tpu.memory_space<vmem>>, vector<16xf32>,
          %scan3A_309 = arith.constant 3 : i32
          %scan3A_310 = arith.addi %scan3A_115, %scan3A_309 : i32
          %mul3A_311 = arith.constant 1 : i32
          %mul3A_312 = arith.muli %scan3A_310, %mul3A_311 : i32
          %add3A_313 = arith.constant 0 : i32
          %add3A_314 = arith.addi %add3A_313, %mul3A_312 : i32
          %add3A_315 = arith.constant 0 : i32
          %add3A_316 = arith.addi %add3A_315, %add3A_314 : i32
          %broadcast_in_dim3A_317 = vector.broadcast %add3A_316 : i32 to vector<16xi32>
          %gather3A_318 = tpu.vector_load_idx %arg9[%broadcast_in_dim3A_317] : memref<256xf32, #tpu.memory_space<vmem>>[vector<16xi32>], vector<16xf32>,
          %get3A_319 = arith.index_cast %add3A_314 : i32 to index
          %get3A_320 = arith.constant 0 : index
          %get3A_321 = tpu.vector_load %arg10[%get3A_319, %get3A_320] {strides = array<i32>} : memref<128x128xf32, #tpu.memory_space<vmem>>, vector<16xf32>,
          %mul3A_322 = arith.mulf %get3A_321, %gather3A_318 : vector<16xf32>
          %swap3A_323 = arith.index_cast %add3A_314 : i32 to index
          %swap3A_324 = arith.constant 0 : index
          %swap3A_325 = tpu.vector_load %arg10[%swap3A_323, %swap3A_324] {strides = array<i32>} : memref<128x128xf32, #tpu.memory_space<vmem>>, vector<16xf32>,
          tpu.vector_store %arg10[%swap3A_323, %swap3A_324], %mul3A_322 {strides = array<i32>} : memref<128x128xf32, #tpu.memory_space<vmem>>, vector<16xf32>,
          %get3A_326 = arith.index_cast %add3A_314 : i32 to index
          %get3A_327 = arith.constant 16 : index
          %get3A_328 = tpu.vector_load %arg10[%get3A_326, %get3A_327] {strides = array<i32>} : memref<128x128xf32, #tpu.memory_space<vmem>>, vector<16xf32>,
          %mul3A_329 = arith.mulf %get3A_328, %gather3A_318 : vector<16xf32>
          %swap3A_330 = arith.index_cast %add3A_314 : i32 to index
          %swap3A_331 = arith.constant 16 : index
          %swap3A_332 = tpu.vector_load %arg10[%swap3A_330, %swap3A_331] {strides = array<i32>} : memref<128x128xf32, #tpu.memory_space<vmem>>, vector<16xf32>,
          tpu.vector_store %arg10[%swap3A_330, %swap3A_331], %mul3A_329 {strides = array<i32>} : memref<128x128xf32, #tpu.memory_space<vmem>>, vector<16xf32>,
          %get3A_333 = arith.index_cast %add3A_314 : i32 to index
          %get3A_334 = arith.constant 32 : index
          %get3A_335 = tpu.vector_load %arg10[%get3A_333, %get3A_334] {strides = array<i32>} : memref<128x128xf32, #tpu.memory_space<vmem>>, vector<16xf32>,
          %mul3A_336 = arith.mulf %get3A_335, %gather3A_318 : vector<16xf32>
          %swap3A_337 = arith.index_cast %add3A_314 : i32 to index
          %swap3A_338 = arith.constant 32 : index
          %swap3A_339 = tpu.vector_load %arg10[%swap3A_337, %swap3A_338] {strides = array<i32>} : memref<128x128xf32, #tpu.memory_space<vmem>>, vector<16xf32>,
          tpu.vector_store %arg10[%swap3A_337, %swap3A_338], %mul3A_336 {strides = array<i32>} : memref<128x128xf32, #tpu.memory_space<vmem>>, vector<16xf32>,
          %get3A_340 = arith.index_cast %add3A_314 : i32 to index
          %get3A_341 = arith.constant 48 : index
          %get3A_342 = tpu.vector_load %arg10[%get3A_340, %get3A_341] {strides = array<i32>} : memref<128x128xf32, #tpu.memory_space<vmem>>, vector<16xf32>,
          %mul3A_343 = arith.mulf %get3A_342, %gather3A_318 : vector<16xf32>
          %swap3A_344 = arith.index_cast %add3A_314 : i32 to index
          %swap3A_345 = arith.constant 48 : index
          %swap3A_346 = tpu.vector_load %arg10[%swap3A_344, %swap3A_345] {strides = array<i32>} : memref<128x128xf32, #tpu.memory_space<vmem>>, vector<16xf32>,
          tpu.vector_store %arg10[%swap3A_344, %swap3A_345], %mul3A_343 {strides = array<i32>} : memref<128x128xf32, #tpu.memory_space<vmem>>, vector<16xf32>,
          %get3A_347 = arith.index_cast %add3A_314 : i32 to index
          %get3A_348 = arith.constant 64 : index
          %get3A_349 = tpu.vector_load %arg10[%get3A_347, %get3A_348] {strides = array<i32>} : memref<128x128xf32, #tpu.memory_space<vmem>>, vector<16xf32>,
          %mul3A_350 = arith.mulf %get3A_349, %gather3A_318 : vector<16xf32>
          %swap3A_351 = arith.index_cast %add3A_314 : i32 to index
          %swap3A_352 = arith.constant 64 : index
          %swap3A_353 = tpu.vector_load %arg10[%swap3A_351, %swap3A_352] {strides = array<i32>} : memref<128x128xf32, #tpu.memory_space<vmem>>, vector<16xf32>,
          tpu.vector_store %arg10[%swap3A_351, %swap3A_352], %mul3A_350 {strides = array<i32>} : memref<128x128xf32, #tpu.memory_space<vmem>>, vector<16xf32>,
          %get3A_354 = arith.index_cast %add3A_314 : i32 to index
          %get3A_355 = arith.constant 80 : index
          %get3A_356 = tpu.vector_load %arg10[%get3A_354, %get3A_355] {strides = array<i32>} : memref<128x128xf32, #tpu.memory_space<vmem>>, vector<16xf32>,
          %mul3A_357 = arith.mulf %get3A_356, %gather3A_318 : vector<16xf32>
          %swap3A_358 = arith.index_cast %add3A_314 : i32 to index
          %swap3A_359 = arith.constant 80 : index
          %swap3A_360 = tpu.vector_load %arg10[%swap3A_358, %swap3A_359] {strides = array<i32>} : memref<128x128xf32, #tpu.memory_space<vmem>>, vector<16xf32>,
          tpu.vector_store %arg10[%swap3A_358, %swap3A_359], %mul3A_357 {strides = array<i32>} : memref<128x128xf32, #tpu.memory_space<vmem>>, vector<16xf32>,
          %get3A_361 = arith.index_cast %add3A_314 : i32 to index
          %get3A_362 = arith.constant 96 : index
          %get3A_363 = tpu.vector_load %arg10[%get3A_361, %get3A_362] {strides = array<i32>} : memref<128x128xf32, #tpu.memory_space<vmem>>, vector<16xf32>,
          %mul3A_364 = arith.mulf %get3A_363, %gather3A_318 : vector<16xf32>
          %swap3A_365 = arith.index_cast %add3A_314 : i32 to index
          %swap3A_366 = arith.constant 96 : index
          %swap3A_367 = tpu.vector_load %arg10[%swap3A_365, %swap3A_366] {strides = array<i32>} : memref<128x128xf32, #tpu.memory_space<vmem>>, vector<16xf32>,
          tpu.vector_store %arg10[%swap3A_365, %swap3A_366], %mul3A_364 {strides = array<i32>} : memref<128x128xf32, #tpu.memory_space<vmem>>, vector<16xf32>,
          %get3A_368 = arith.index_cast %add3A_314 : i32 to index
          %get3A_369 = arith.constant 112 : index
          %get3A_370 = tpu.vector_load %arg10[%get3A_368, %get3A_369] {strides = array<i32>} : memref<128x128xf32, #tpu.memory_space<vmem>>, vector<16xf32>,
          %mul3A_371 = arith.mulf %get3A_370, %gather3A_318 : vector<16xf32>
          %swap3A_372 = arith.index_cast %add3A_314 : i32 to index
          %swap3A_373 = arith.constant 112 : index
          %swap3A_374 = tpu.vector_load %arg10[%swap3A_372, %swap3A_373] {strides = array<i32>} : memref<128x128xf32, #tpu.memory_space<vmem>>, vector<16xf32>,
          tpu.vector_store %arg10[%swap3A_372, %swap3A_373], %mul3A_371 {strides = array<i32>} : memref<128x128xf32, #tpu.memory_space<vmem>>, vector<16xf32>,
        }
        %scan3A_73 = arith.constant 128 : i32
        %dma_start3A_74 = arith.constant 0 : i32
        %dma_start3A_75 = tpu.memref_slice %arg7[%mul3A_35, %dma_start3A_74] : memref<72x128xi32, #tpu.memory_space<vmem>> -> memref<1x128xi32, #tpu.memory_space<vmem>>
        %dma_start3A_76 = tpu.memref_squeeze %dma_start3A_75 : memref<1x128xi32, #tpu.memory_space<vmem>> -> memref<128xi32, #tpu.memory_space<vmem>>
        %dma_start3A_77 = arith.constant 0 : i32
        %dma_start3A_78 = arith.constant 0 : i32
        %dma_start3A_79 = tpu.memref_slice %arg12[%dma_start3A_77, %dma_start3A_78] : memref<10240x128xf32, #tpu.memory_space<vmem_shared>> -> memref<10240x128xf32, #tpu.memory_space<vmem_shared>>
        tpu.enqueue_indirect_dma source(%arg10 : memref<128x128xf32, #tpu.memory_space<vmem>>) target(%dma_start3A_79 : memref<10240x128xf32, #tpu.memory_space<vmem_shared>>) offsets(%dma_start3A_76 : memref<128xi32, #tpu.memory_space<vmem>>) semaphore(%arg15 : memref<!tpu.dma_semaphore, #tpu.memory_space<semaphore_mem>>) {add = true}
        %dma_wait3A_80 = arith.constant 128 : i32
        %dma_wait3A_81 = tpu.memref_slice %arg8[%dma_wait3A_80] : memref<256xi32, #tpu.memory_space<vmem>> -> memref<128xi32, #tpu.memory_space<vmem>>
        %dma_wait3A_82 = arith.constant 0 : i32
        %dma_wait3A_83 = arith.constant 0 : i32
        %dma_wait3A_84 = tpu.memref_slice %arg2[%dma_wait3A_82, %dma_wait3A_83] : memref<10000x128xf32, #tpu.memory_space<hbm>> -> memref<10000x128xf32, #tpu.memory_space<hbm>>
        tpu.wait_indirect_dma semaphore(%arg14 : memref<!tpu.dma_semaphore, #tpu.memory_space<semaphore_mem>>) src(%dma_wait3A_84 : memref<10000x128xf32, #tpu.memory_space<hbm>>) dst(%arg11 : memref<128x128xf32, #tpu.memory_space<vmem>>)
        %mul3A_85 = arith.constant 72 : i32
        %mul3A_86 = arith.muli %add3A, %mul3A_85 : i32
        %add3A_87 = arith.addi %mul3A_86, %mul3A_35 : i32
        %add3A_88 = arith.constant 2 : i32
        %add3A_89 = arith.addi %add3A_87, %add3A_88 : i32
        %mul3A_90 = arith.constant 128 : i32
        %mul3A_91 = arith.muli %add3A_89, %mul3A_90 : i32
        %add3A_92 = arith.constant 2 : i32
        %add3A_93 = arith.addi %mul3A_35, %add3A_92 : i32
        %lt3A_94 = arith.cmpi slt, %add3A_93, %select_n3A : i32
        %convert_element_type3A_95 = arith.extui %lt3A_94 : i1 to i32
        %cond3A_96 = arith.constant 0 : i32
        %cond3A_97 = arith.cmpi ne, %convert_element_type3A_95, %cond3A_96 : i32
        scf.if %cond3A_97 {
          %dma_start3A_115 = tpu.memref_slice %arg3[%mul3A_91] : memref<294912xi32, #tpu.memory_space<hbm>> -> memref<256xi32, #tpu.memory_space<hbm>>
          %dma_start3A_116 = tpu.memref_slice %arg3[%mul3A_91] : memref<294912xi32, #tpu.memory_space<hbm>> -> memref<256xi32, #tpu.memory_space<hbm>>
          tpu.enqueue_dma source(%dma_start3A_116 : memref<256xi32, #tpu.memory_space<hbm>>) target(%arg8 : memref<256xi32, #tpu.memory_space<vmem>>) target_semaphore(%arg17 : memref<!tpu.dma_semaphore, #tpu.memory_space<semaphore_mem>>)
        } else {
        }
        %scan3A_98 = arith.constant 0 : i32
        %scan3A_99 = arith.constant 128 : i32
        %scan3A_100 = arith.addi %scan3A_98, %scan3A_99 : i32
        %scan3A_101 = arith.constant 4 : i32
        scf.for %scan3A_115 = %scan3A_98 to %scan3A_100 step %scan3A_101  : i32 {
          %mul3A_116 = arith.constant 1 : i32
          %mul3A_117 = arith.muli %scan3A_115, %mul3A_116 : i32
          %add3A_118 = arith.constant 0 : i32
          %add3A_119 = arith.addi %add3A_118, %mul3A_117 : i32
          %add3A_120 = arith.constant 128 : i32
          %add3A_121 = arith.addi %add3A_120, %add3A_119 : i32
          %broadcast_in_dim3A_122 = vector.broadcast %add3A_121 : i32 to vector<16xi32>
          %gather3A = tpu.vector_load_idx %arg9[%broadcast_in_dim3A_122] : memref<256xf32, #tpu.memory_space<vmem>>[vector<16xi32>], vector<16xf32>,
          %get3A = arith.index_cast %add3A_119 : i32 to index
          %get3A_123 = arith.constant 0 : index
          %get3A_124 = tpu.vector_load %arg11[%get3A, %get3A_123] {strides = array<i32>} : memref<128x128xf32, #tpu.memory_space<vmem>>, vector<16xf32>,
          %mul3A_125 = arith.mulf %get3A_124, %gather3A : vector<16xf32>
          %swap3A = arith.index_cast %add3A_119 : i32 to index
          %swap3A_126 = arith.constant 0 : index
          %swap3A_127 = tpu.vector_load %arg11[%swap3A, %swap3A_126] {strides = array<i32>} : memref<128x128xf32, #tpu.memory_space<vmem>>, vector<16xf32>,
          tpu.vector_store %arg11[%swap3A, %swap3A_126], %mul3A_125 {strides = array<i32>} : memref<128x128xf32, #tpu.memory_space<vmem>>, vector<16xf32>,
          %get3A_128 = arith.index_cast %add3A_119 : i32 to index
          %get3A_129 = arith.constant 16 : index
          %get3A_130 = tpu.vector_load %arg11[%get3A_128, %get3A_129] {strides = array<i32>} : memref<128x128xf32, #tpu.memory_space<vmem>>, vector<16xf32>,
          %mul3A_131 = arith.mulf %get3A_130, %gather3A : vector<16xf32>
          %swap3A_132 = arith.index_cast %add3A_119 : i32 to index
          %swap3A_133 = arith.constant 16 : index
          %swap3A_134 = tpu.vector_load %arg11[%swap3A_132, %swap3A_133] {strides = array<i32>} : memref<128x128xf32, #tpu.memory_space<vmem>>, vector<16xf32>,
          tpu.vector_store %arg11[%swap3A_132, %swap3A_133], %mul3A_131 {strides = array<i32>} : memref<128x128xf32, #tpu.memory_space<vmem>>, vector<16xf32>,
          %get3A_135 = arith.index_cast %add3A_119 : i32 to index
          %get3A_136 = arith.constant 32 : index
          %get3A_137 = tpu.vector_load %arg11[%get3A_135, %get3A_136] {strides = array<i32>} : memref<128x128xf32, #tpu.memory_space<vmem>>, vector<16xf32>,
          %mul3A_138 = arith.mulf %get3A_137, %gather3A : vector<16xf32>
          %swap3A_139 = arith.index_cast %add3A_119 : i32 to index
          %swap3A_140 = arith.constant 32 : index
          %swap3A_141 = tpu.vector_load %arg11[%swap3A_139, %swap3A_140] {strides = array<i32>} : memref<128x128xf32, #tpu.memory_space<vmem>>, vector<16xf32>,
          tpu.vector_store %arg11[%swap3A_139, %swap3A_140], %mul3A_138 {strides = array<i32>} : memref<128x128xf32, #tpu.memory_space<vmem>>, vector<16xf32>,
          %get3A_142 = arith.index_cast %add3A_119 : i32 to index
          %get3A_143 = arith.constant 48 : index
          %get3A_144 = tpu.vector_load %arg11[%get3A_142, %get3A_143] {strides = array<i32>} : memref<128x128xf32, #tpu.memory_space<vmem>>, vector<16xf32>,
          %mul3A_145 = arith.mulf %get3A_144, %gather3A : vector<16xf32>
          %swap3A_146 = arith.index_cast %add3A_119 : i32 to index
          %swap3A_147 = arith.constant 48 : index
          %swap3A_148 = tpu.vector_load %arg11[%swap3A_146, %swap3A_147] {strides = array<i32>} : memref<128x128xf32, #tpu.memory_space<vmem>>, vector<16xf32>,
          tpu.vector_store %arg11[%swap3A_146, %swap3A_147], %mul3A_145 {strides = array<i32>} : memref<128x128xf32, #tpu.memory_space<vmem>>, vector<16xf32>,
          %get3A_149 = arith.index_cast %add3A_119 : i32 to index
          %get3A_150 = arith.constant 64 : index
          %get3A_151 = tpu.vector_load %arg11[%get3A_149, %get3A_150] {strides = array<i32>} : memref<128x128xf32, #tpu.memory_space<vmem>>, vector<16xf32>,
          %mul3A_152 = arith.mulf %get3A_151, %gather3A : vector<16xf32>
          %swap3A_153 = arith.index_cast %add3A_119 : i32 to index
          %swap3A_154 = arith.constant 64 : index
          %swap3A_155 = tpu.vector_load %arg11[%swap3A_153, %swap3A_154] {strides = array<i32>} : memref<128x128xf32, #tpu.memory_space<vmem>>, vector<16xf32>,
          tpu.vector_store %arg11[%swap3A_153, %swap3A_154], %mul3A_152 {strides = array<i32>} : memref<128x128xf32, #tpu.memory_space<vmem>>, vector<16xf32>,
          %get3A_156 = arith.index_cast %add3A_119 : i32 to index
          %get3A_157 = arith.constant 80 : index
          %get3A_158 = tpu.vector_load %arg11[%get3A_156, %get3A_157] {strides = array<i32>} : memref<128x128xf32, #tpu.memory_space<vmem>>, vector<16xf32>,
          %mul3A_159 = arith.mulf %get3A_158, %gather3A : vector<16xf32>
          %swap3A_160 = arith.index_cast %add3A_119 : i32 to index
          %swap3A_161 = arith.constant 80 : index
          %swap3A_162 = tpu.vector_load %arg11[%swap3A_160, %swap3A_161] {strides = array<i32>} : memref<128x128xf32, #tpu.memory_space<vmem>>, vector<16xf32>,
          tpu.vector_store %arg11[%swap3A_160, %swap3A_161], %mul3A_159 {strides = array<i32>} : memref<128x128xf32, #tpu.memory_space<vmem>>, vector<16xf32>,
          %get3A_163 = arith.index_cast %add3A_119 : i32 to index
          %get3A_164 = arith.constant 96 : index
          %get3A_165 = tpu.vector_load %arg11[%get3A_163, %get3A_164] {strides = array<i32>} : memref<128x128xf32, #tpu.memory_space<vmem>>, vector<16xf32>,
          %mul3A_166 = arith.mulf %get3A_165, %gather3A : vector<16xf32>
          %swap3A_167 = arith.index_cast %add3A_119 : i32 to index
          %swap3A_168 = arith.constant 96 : index
          %swap3A_169 = tpu.vector_load %arg11[%swap3A_167, %swap3A_168] {strides = array<i32>} : memref<128x128xf32, #tpu.memory_space<vmem>>, vector<16xf32>,
          tpu.vector_store %arg11[%swap3A_167, %swap3A_168], %mul3A_166 {strides = array<i32>} : memref<128x128xf32, #tpu.memory_space<vmem>>, vector<16xf32>,
          %get3A_170 = arith.index_cast %add3A_119 : i32 to index
          %get3A_171 = arith.constant 112 : index
          %get3A_172 = tpu.vector_load %arg11[%get3A_170, %get3A_171] {strides = array<i32>} : memref<128x128xf32, #tpu.memory_space<vmem>>, vector<16xf32>,
          %mul3A_173 = arith.mulf %get3A_172, %gather3A : vector<16xf32>
          %swap3A_174 = arith.index_cast %add3A_119 : i32 to index
          %swap3A_175 = arith.constant 112 : index
          %swap3A_176 = tpu.vector_load %arg11[%swap3A_174, %swap3A_175] {strides = array<i32>} : memref<128x128xf32, #tpu.memory_space<vmem>>, vector<16xf32>,
          tpu.vector_store %arg11[%swap3A_174, %swap3A_175], %mul3A_173 {strides = array<i32>} : memref<128x128xf32, #tpu.memory_space<vmem>>, vector<16xf32>,
          %scan3A_177 = arith.constant 1 : i32
          %scan3A_178 = arith.addi %scan3A_115, %scan3A_177 : i32
          %mul3A_179 = arith.constant 1 : i32
          %mul3A_180 = arith.muli %scan3A_178, %mul3A_179 : i32
          %add3A_181 = arith.constant 0 : i32
          %add3A_182 = arith.addi %add3A_181, %mul3A_180 : i32
          %add3A_183 = arith.constant 128 : i32
          %add3A_184 = arith.addi %add3A_183, %add3A_182 : i32
          %broadcast_in_dim3A_185 = vector.broadcast %add3A_184 : i32 to vector<16xi32>
          %gather3A_186 = tpu.vector_load_idx %arg9[%broadcast_in_dim3A_185] : memref<256xf32, #tpu.memory_space<vmem>>[vector<16xi32>], vector<16xf32>,
          %get3A_187 = arith.index_cast %add3A_182 : i32 to index
          %get3A_188 = arith.constant 0 : index
          %get3A_189 = tpu.vector_load %arg11[%get3A_187, %get3A_188] {strides = array<i32>} : memref<128x128xf32, #tpu.memory_space<vmem>>, vector<16xf32>,
          %mul3A_190 = arith.mulf %get3A_189, %gather3A_186 : vector<16xf32>
          %swap3A_191 = arith.index_cast %add3A_182 : i32 to index
          %swap3A_192 = arith.constant 0 : index
          %swap3A_193 = tpu.vector_load %arg11[%swap3A_191, %swap3A_192] {strides = array<i32>} : memref<128x128xf32, #tpu.memory_space<vmem>>, vector<16xf32>,
          tpu.vector_store %arg11[%swap3A_191, %swap3A_192], %mul3A_190 {strides = array<i32>} : memref<128x128xf32, #tpu.memory_space<vmem>>, vector<16xf32>,
          %get3A_194 = arith.index_cast %add3A_182 : i32 to index
          %get3A_195 = arith.constant 16 : index
          %get3A_196 = tpu.vector_load %arg11[%get3A_194, %get3A_195] {strides = array<i32>} : memref<128x128xf32, #tpu.memory_space<vmem>>, vector<16xf32>,
          %mul3A_197 = arith.mulf %get3A_196, %gather3A_186 : vector<16xf32>
          %swap3A_198 = arith.index_cast %add3A_182 : i32 to index
          %swap3A_199 = arith.constant 16 : index
          %swap3A_200 = tpu.vector_load %arg11[%swap3A_198, %swap3A_199] {strides = array<i32>} : memref<128x128xf32, #tpu.memory_space<vmem>>, vector<16xf32>,
          tpu.vector_store %arg11[%swap3A_198, %swap3A_199], %mul3A_197 {strides = array<i32>} : memref<128x128xf32, #tpu.memory_space<vmem>>, vector<16xf32>,
          %get3A_201 = arith.index_cast %add3A_182 : i32 to index
          %get3A_202 = arith.constant 32 : index
          %get3A_203 = tpu.vector_load %arg11[%get3A_201, %get3A_202] {strides = array<i32>} : memref<128x128xf32, #tpu.memory_space<vmem>>, vector<16xf32>,
          %mul3A_204 = arith.mulf %get3A_203, %gather3A_186 : vector<16xf32>
          %swap3A_205 = arith.index_cast %add3A_182 : i32 to index
          %swap3A_206 = arith.constant 32 : index
          %swap3A_207 = tpu.vector_load %arg11[%swap3A_205, %swap3A_206] {strides = array<i32>} : memref<128x128xf32, #tpu.memory_space<vmem>>, vector<16xf32>,
          tpu.vector_store %arg11[%swap3A_205, %swap3A_206], %mul3A_204 {strides = array<i32>} : memref<128x128xf32, #tpu.memory_space<vmem>>, vector<16xf32>,
          %get3A_208 = arith.index_cast %add3A_182 : i32 to index
          %get3A_209 = arith.constant 48 : index
          %get3A_210 = tpu.vector_load %arg11[%get3A_208, %get3A_209] {strides = array<i32>} : memref<128x128xf32, #tpu.memory_space<vmem>>, vector<16xf32>,
          %mul3A_211 = arith.mulf %get3A_210, %gather3A_186 : vector<16xf32>
          %swap3A_212 = arith.index_cast %add3A_182 : i32 to index
          %swap3A_213 = arith.constant 48 : index
          %swap3A_214 = tpu.vector_load %arg11[%swap3A_212, %swap3A_213] {strides = array<i32>} : memref<128x128xf32, #tpu.memory_space<vmem>>, vector<16xf32>,
          tpu.vector_store %arg11[%swap3A_212, %swap3A_213], %mul3A_211 {strides = array<i32>} : memref<128x128xf32, #tpu.memory_space<vmem>>, vector<16xf32>,
          %get3A_215 = arith.index_cast %add3A_182 : i32 to index
          %get3A_216 = arith.constant 64 : index
          %get3A_217 = tpu.vector_load %arg11[%get3A_215, %get3A_216] {strides = array<i32>} : memref<128x128xf32, #tpu.memory_space<vmem>>, vector<16xf32>,
          %mul3A_218 = arith.mulf %get3A_217, %gather3A_186 : vector<16xf32>
          %swap3A_219 = arith.index_cast %add3A_182 : i32 to index
          %swap3A_220 = arith.constant 64 : index
          %swap3A_221 = tpu.vector_load %arg11[%swap3A_219, %swap3A_220] {strides = array<i32>} : memref<128x128xf32, #tpu.memory_space<vmem>>, vector<16xf32>,
          tpu.vector_store %arg11[%swap3A_219, %swap3A_220], %mul3A_218 {strides = array<i32>} : memref<128x128xf32, #tpu.memory_space<vmem>>, vector<16xf32>,
          %get3A_222 = arith.index_cast %add3A_182 : i32 to index
          %get3A_223 = arith.constant 80 : index
          %get3A_224 = tpu.vector_load %arg11[%get3A_222, %get3A_223] {strides = array<i32>} : memref<128x128xf32, #tpu.memory_space<vmem>>, vector<16xf32>,
          %mul3A_225 = arith.mulf %get3A_224, %gather3A_186 : vector<16xf32>
          %swap3A_226 = arith.index_cast %add3A_182 : i32 to index
          %swap3A_227 = arith.constant 80 : index
          %swap3A_228 = tpu.vector_load %arg11[%swap3A_226, %swap3A_227] {strides = array<i32>} : memref<128x128xf32, #tpu.memory_space<vmem>>, vector<16xf32>,
          tpu.vector_store %arg11[%swap3A_226, %swap3A_227], %mul3A_225 {strides = array<i32>} : memref<128x128xf32, #tpu.memory_space<vmem>>, vector<16xf32>,
          %get3A_229 = arith.index_cast %add3A_182 : i32 to index
          %get3A_230 = arith.constant 96 : index
          %get3A_231 = tpu.vector_load %arg11[%get3A_229, %get3A_230] {strides = array<i32>} : memref<128x128xf32, #tpu.memory_space<vmem>>, vector<16xf32>,
          %mul3A_232 = arith.mulf %get3A_231, %gather3A_186 : vector<16xf32>
          %swap3A_233 = arith.index_cast %add3A_182 : i32 to index
          %swap3A_234 = arith.constant 96 : index
          %swap3A_235 = tpu.vector_load %arg11[%swap3A_233, %swap3A_234] {strides = array<i32>} : memref<128x128xf32, #tpu.memory_space<vmem>>, vector<16xf32>,
          tpu.vector_store %arg11[%swap3A_233, %swap3A_234], %mul3A_232 {strides = array<i32>} : memref<128x128xf32, #tpu.memory_space<vmem>>, vector<16xf32>,
          %get3A_236 = arith.index_cast %add3A_182 : i32 to index
          %get3A_237 = arith.constant 112 : index
          %get3A_238 = tpu.vector_load %arg11[%get3A_236, %get3A_237] {strides = array<i32>} : memref<128x128xf32, #tpu.memory_space<vmem>>, vector<16xf32>,
          %mul3A_239 = arith.mulf %get3A_238, %gather3A_186 : vector<16xf32>
          %swap3A_240 = arith.index_cast %add3A_182 : i32 to index
          %swap3A_241 = arith.constant 112 : index
          %swap3A_242 = tpu.vector_load %arg11[%swap3A_240, %swap3A_241] {strides = array<i32>} : memref<128x128xf32, #tpu.memory_space<vmem>>, vector<16xf32>,
          tpu.vector_store %arg11[%swap3A_240, %swap3A_241], %mul3A_239 {strides = array<i32>} : memref<128x128xf32, #tpu.memory_space<vmem>>, vector<16xf32>,
          %scan3A_243 = arith.constant 2 : i32
          %scan3A_244 = arith.addi %scan3A_115, %scan3A_243 : i32
          %mul3A_245 = arith.constant 1 : i32
          %mul3A_246 = arith.muli %scan3A_244, %mul3A_245 : i32
          %add3A_247 = arith.constant 0 : i32
          %add3A_248 = arith.addi %add3A_247, %mul3A_246 : i32
          %add3A_249 = arith.constant 128 : i32
          %add3A_250 = arith.addi %add3A_249, %add3A_248 : i32
          %broadcast_in_dim3A_251 = vector.broadcast %add3A_250 : i32 to vector<16xi32>
          %gather3A_252 = tpu.vector_load_idx %arg9[%broadcast_in_dim3A_251] : memref<256xf32, #tpu.memory_space<vmem>>[vector<16xi32>], vector<16xf32>,
          %get3A_253 = arith.index_cast %add3A_248 : i32 to index
          %get3A_254 = arith.constant 0 : index
          %get3A_255 = tpu.vector_load %arg11[%get3A_253, %get3A_254] {strides = array<i32>} : memref<128x128xf32, #tpu.memory_space<vmem>>, vector<16xf32>,
          %mul3A_256 = arith.mulf %get3A_255, %gather3A_252 : vector<16xf32>
          %swap3A_257 = arith.index_cast %add3A_248 : i32 to index
          %swap3A_258 = arith.constant 0 : index
          %swap3A_259 = tpu.vector_load %arg11[%swap3A_257, %swap3A_258] {strides = array<i32>} : memref<128x128xf32, #tpu.memory_space<vmem>>, vector<16xf32>,
          tpu.vector_store %arg11[%swap3A_257, %swap3A_258], %mul3A_256 {strides = array<i32>} : memref<128x128xf32, #tpu.memory_space<vmem>>, vector<16xf32>,
          %get3A_260 = arith.index_cast %add3A_248 : i32 to index
          %get3A_261 = arith.constant 16 : index
          %get3A_262 = tpu.vector_load %arg11[%get3A_260, %get3A_261] {strides = array<i32>} : memref<128x128xf32, #tpu.memory_space<vmem>>, vector<16xf32>,
          %mul3A_263 = arith.mulf %get3A_262, %gather3A_252 : vector<16xf32>
          %swap3A_264 = arith.index_cast %add3A_248 : i32 to index
          %swap3A_265 = arith.constant 16 : index
          %swap3A_266 = tpu.vector_load %arg11[%swap3A_264, %swap3A_265] {strides = array<i32>} : memref<128x128xf32, #tpu.memory_space<vmem>>, vector<16xf32>,
          tpu.vector_store %arg11[%swap3A_264, %swap3A_265], %mul3A_263 {strides = array<i32>} : memref<128x128xf32, #tpu.memory_space<vmem>>, vector<16xf32>,
          %get3A_267 = arith.index_cast %add3A_248 : i32 to index
          %get3A_268 = arith.constant 32 : index
          %get3A_269 = tpu.vector_load %arg11[%get3A_267, %get3A_268] {strides = array<i32>} : memref<128x128xf32, #tpu.memory_space<vmem>>, vector<16xf32>,
          %mul3A_270 = arith.mulf %get3A_269, %gather3A_252 : vector<16xf32>
          %swap3A_271 = arith.index_cast %add3A_248 : i32 to index
          %swap3A_272 = arith.constant 32 : index
          %swap3A_273 = tpu.vector_load %arg11[%swap3A_271, %swap3A_272] {strides = array<i32>} : memref<128x128xf32, #tpu.memory_space<vmem>>, vector<16xf32>,
          tpu.vector_store %arg11[%swap3A_271, %swap3A_272], %mul3A_270 {strides = array<i32>} : memref<128x128xf32, #tpu.memory_space<vmem>>, vector<16xf32>,
          %get3A_274 = arith.index_cast %add3A_248 : i32 to index
          %get3A_275 = arith.constant 48 : index
          %get3A_276 = tpu.vector_load %arg11[%get3A_274, %get3A_275] {strides = array<i32>} : memref<128x128xf32, #tpu.memory_space<vmem>>, vector<16xf32>,
          %mul3A_277 = arith.mulf %get3A_276, %gather3A_252 : vector<16xf32>
          %swap3A_278 = arith.index_cast %add3A_248 : i32 to index
          %swap3A_279 = arith.constant 48 : index
          %swap3A_280 = tpu.vector_load %arg11[%swap3A_278, %swap3A_279] {strides = array<i32>} : memref<128x128xf32, #tpu.memory_space<vmem>>, vector<16xf32>,
          tpu.vector_store %arg11[%swap3A_278, %swap3A_279], %mul3A_277 {strides = array<i32>} : memref<128x128xf32, #tpu.memory_space<vmem>>, vector<16xf32>,
          %get3A_281 = arith.index_cast %add3A_248 : i32 to index
          %get3A_282 = arith.constant 64 : index
          %get3A_283 = tpu.vector_load %arg11[%get3A_281, %get3A_282] {strides = array<i32>} : memref<128x128xf32, #tpu.memory_space<vmem>>, vector<16xf32>,
          %mul3A_284 = arith.mulf %get3A_283, %gather3A_252 : vector<16xf32>
          %swap3A_285 = arith.index_cast %add3A_248 : i32 to index
          %swap3A_286 = arith.constant 64 : index
          %swap3A_287 = tpu.vector_load %arg11[%swap3A_285, %swap3A_286] {strides = array<i32>} : memref<128x128xf32, #tpu.memory_space<vmem>>, vector<16xf32>,
          tpu.vector_store %arg11[%swap3A_285, %swap3A_286], %mul3A_284 {strides = array<i32>} : memref<128x128xf32, #tpu.memory_space<vmem>>, vector<16xf32>,
          %get3A_288 = arith.index_cast %add3A_248 : i32 to index
          %get3A_289 = arith.constant 80 : index
          %get3A_290 = tpu.vector_load %arg11[%get3A_288, %get3A_289] {strides = array<i32>} : memref<128x128xf32, #tpu.memory_space<vmem>>, vector<16xf32>,
          %mul3A_291 = arith.mulf %get3A_290, %gather3A_252 : vector<16xf32>
          %swap3A_292 = arith.index_cast %add3A_248 : i32 to index
          %swap3A_293 = arith.constant 80 : index
          %swap3A_294 = tpu.vector_load %arg11[%swap3A_292, %swap3A_293] {strides = array<i32>} : memref<128x128xf32, #tpu.memory_space<vmem>>, vector<16xf32>,
          tpu.vector_store %arg11[%swap3A_292, %swap3A_293], %mul3A_291 {strides = array<i32>} : memref<128x128xf32, #tpu.memory_space<vmem>>, vector<16xf32>,
          %get3A_295 = arith.index_cast %add3A_248 : i32 to index
          %get3A_296 = arith.constant 96 : index
          %get3A_297 = tpu.vector_load %arg11[%get3A_295, %get3A_296] {strides = array<i32>} : memref<128x128xf32, #tpu.memory_space<vmem>>, vector<16xf32>,
          %mul3A_298 = arith.mulf %get3A_297, %gather3A_252 : vector<16xf32>
          %swap3A_299 = arith.index_cast %add3A_248 : i32 to index
          %swap3A_300 = arith.constant 96 : index
          %swap3A_301 = tpu.vector_load %arg11[%swap3A_299, %swap3A_300] {strides = array<i32>} : memref<128x128xf32, #tpu.memory_space<vmem>>, vector<16xf32>,
          tpu.vector_store %arg11[%swap3A_299, %swap3A_300], %mul3A_298 {strides = array<i32>} : memref<128x128xf32, #tpu.memory_space<vmem>>, vector<16xf32>,
          %get3A_302 = arith.index_cast %add3A_248 : i32 to index
          %get3A_303 = arith.constant 112 : index
          %get3A_304 = tpu.vector_load %arg11[%get3A_302, %get3A_303] {strides = array<i32>} : memref<128x128xf32, #tpu.memory_space<vmem>>, vector<16xf32>,
          %mul3A_305 = arith.mulf %get3A_304, %gather3A_252 : vector<16xf32>
          %swap3A_306 = arith.index_cast %add3A_248 : i32 to index
          %swap3A_307 = arith.constant 112 : index
          %swap3A_308 = tpu.vector_load %arg11[%swap3A_306, %swap3A_307] {strides = array<i32>} : memref<128x128xf32, #tpu.memory_space<vmem>>, vector<16xf32>,
          tpu.vector_store %arg11[%swap3A_306, %swap3A_307], %mul3A_305 {strides = array<i32>} : memref<128x128xf32, #tpu.memory_space<vmem>>, vector<16xf32>,
          %scan3A_309 = arith.constant 3 : i32
          %scan3A_310 = arith.addi %scan3A_115, %scan3A_309 : i32
          %mul3A_311 = arith.constant 1 : i32
          %mul3A_312 = arith.muli %scan3A_310, %mul3A_311 : i32
          %add3A_313 = arith.constant 0 : i32
          %add3A_314 = arith.addi %add3A_313, %mul3A_312 : i32
          %add3A_315 = arith.constant 128 : i32
          %add3A_316 = arith.addi %add3A_315, %add3A_314 : i32
          %broadcast_in_dim3A_317 = vector.broadcast %add3A_316 : i32 to vector<16xi32>
          %gather3A_318 = tpu.vector_load_idx %arg9[%broadcast_in_dim3A_317] : memref<256xf32, #tpu.memory_space<vmem>>[vector<16xi32>], vector<16xf32>,
          %get3A_319 = arith.index_cast %add3A_314 : i32 to index
          %get3A_320 = arith.constant 0 : index
          %get3A_321 = tpu.vector_load %arg11[%get3A_319, %get3A_320] {strides = array<i32>} : memref<128x128xf32, #tpu.memory_space<vmem>>, vector<16xf32>,
          %mul3A_322 = arith.mulf %get3A_321, %gather3A_318 : vector<16xf32>
          %swap3A_323 = arith.index_cast %add3A_314 : i32 to index
          %swap3A_324 = arith.constant 0 : index
          %swap3A_325 = tpu.vector_load %arg11[%swap3A_323, %swap3A_324] {strides = array<i32>} : memref<128x128xf32, #tpu.memory_space<vmem>>, vector<16xf32>,
          tpu.vector_store %arg11[%swap3A_323, %swap3A_324], %mul3A_322 {strides = array<i32>} : memref<128x128xf32, #tpu.memory_space<vmem>>, vector<16xf32>,
          %get3A_326 = arith.index_cast %add3A_314 : i32 to index
          %get3A_327 = arith.constant 16 : index
          %get3A_328 = tpu.vector_load %arg11[%get3A_326, %get3A_327] {strides = array<i32>} : memref<128x128xf32, #tpu.memory_space<vmem>>, vector<16xf32>,
          %mul3A_329 = arith.mulf %get3A_328, %gather3A_318 : vector<16xf32>
          %swap3A_330 = arith.index_cast %add3A_314 : i32 to index
          %swap3A_331 = arith.constant 16 : index
          %swap3A_332 = tpu.vector_load %arg11[%swap3A_330, %swap3A_331] {strides = array<i32>} : memref<128x128xf32, #tpu.memory_space<vmem>>, vector<16xf32>,
          tpu.vector_store %arg11[%swap3A_330, %swap3A_331], %mul3A_329 {strides = array<i32>} : memref<128x128xf32, #tpu.memory_space<vmem>>, vector<16xf32>,
          %get3A_333 = arith.index_cast %add3A_314 : i32 to index
          %get3A_334 = arith.constant 32 : index
          %get3A_335 = tpu.vector_load %arg11[%get3A_333, %get3A_334] {strides = array<i32>} : memref<128x128xf32, #tpu.memory_space<vmem>>, vector<16xf32>,
          %mul3A_336 = arith.mulf %get3A_335, %gather3A_318 : vector<16xf32>
          %swap3A_337 = arith.index_cast %add3A_314 : i32 to index
          %swap3A_338 = arith.constant 32 : index
          %swap3A_339 = tpu.vector_load %arg11[%swap3A_337, %swap3A_338] {strides = array<i32>} : memref<128x128xf32, #tpu.memory_space<vmem>>, vector<16xf32>,
          tpu.vector_store %arg11[%swap3A_337, %swap3A_338], %mul3A_336 {strides = array<i32>} : memref<128x128xf32, #tpu.memory_space<vmem>>, vector<16xf32>,
          %get3A_340 = arith.index_cast %add3A_314 : i32 to index
          %get3A_341 = arith.constant 48 : index
          %get3A_342 = tpu.vector_load %arg11[%get3A_340, %get3A_341] {strides = array<i32>} : memref<128x128xf32, #tpu.memory_space<vmem>>, vector<16xf32>,
          %mul3A_343 = arith.mulf %get3A_342, %gather3A_318 : vector<16xf32>
          %swap3A_344 = arith.index_cast %add3A_314 : i32 to index
          %swap3A_345 = arith.constant 48 : index
          %swap3A_346 = tpu.vector_load %arg11[%swap3A_344, %swap3A_345] {strides = array<i32>} : memref<128x128xf32, #tpu.memory_space<vmem>>, vector<16xf32>,
          tpu.vector_store %arg11[%swap3A_344, %swap3A_345], %mul3A_343 {strides = array<i32>} : memref<128x128xf32, #tpu.memory_space<vmem>>, vector<16xf32>,
          %get3A_347 = arith.index_cast %add3A_314 : i32 to index
          %get3A_348 = arith.constant 64 : index
          %get3A_349 = tpu.vector_load %arg11[%get3A_347, %get3A_348] {strides = array<i32>} : memref<128x128xf32, #tpu.memory_space<vmem>>, vector<16xf32>,
          %mul3A_350 = arith.mulf %get3A_349, %gather3A_318 : vector<16xf32>
          %swap3A_351 = arith.index_cast %add3A_314 : i32 to index
          %swap3A_352 = arith.constant 64 : index
          %swap3A_353 = tpu.vector_load %arg11[%swap3A_351, %swap3A_352] {strides = array<i32>} : memref<128x128xf32, #tpu.memory_space<vmem>>, vector<16xf32>,
          tpu.vector_store %arg11[%swap3A_351, %swap3A_352], %mul3A_350 {strides = array<i32>} : memref<128x128xf32, #tpu.memory_space<vmem>>, vector<16xf32>,
          %get3A_354 = arith.index_cast %add3A_314 : i32 to index
          %get3A_355 = arith.constant 80 : index
          %get3A_356 = tpu.vector_load %arg11[%get3A_354, %get3A_355] {strides = array<i32>} : memref<128x128xf32, #tpu.memory_space<vmem>>, vector<16xf32>,
          %mul3A_357 = arith.mulf %get3A_356, %gather3A_318 : vector<16xf32>
          %swap3A_358 = arith.index_cast %add3A_314 : i32 to index
          %swap3A_359 = arith.constant 80 : index
          %swap3A_360 = tpu.vector_load %arg11[%swap3A_358, %swap3A_359] {strides = array<i32>} : memref<128x128xf32, #tpu.memory_space<vmem>>, vector<16xf32>,
          tpu.vector_store %arg11[%swap3A_358, %swap3A_359], %mul3A_357 {strides = array<i32>} : memref<128x128xf32, #tpu.memory_space<vmem>>, vector<16xf32>,
          %get3A_361 = arith.index_cast %add3A_314 : i32 to index
          %get3A_362 = arith.constant 96 : index
          %get3A_363 = tpu.vector_load %arg11[%get3A_361, %get3A_362] {strides = array<i32>} : memref<128x128xf32, #tpu.memory_space<vmem>>, vector<16xf32>,
          %mul3A_364 = arith.mulf %get3A_363, %gather3A_318 : vector<16xf32>
          %swap3A_365 = arith.index_cast %add3A_314 : i32 to index
          %swap3A_366 = arith.constant 96 : index
          %swap3A_367 = tpu.vector_load %arg11[%swap3A_365, %swap3A_366] {strides = array<i32>} : memref<128x128xf32, #tpu.memory_space<vmem>>, vector<16xf32>,
          tpu.vector_store %arg11[%swap3A_365, %swap3A_366], %mul3A_364 {strides = array<i32>} : memref<128x128xf32, #tpu.memory_space<vmem>>, vector<16xf32>,
          %get3A_368 = arith.index_cast %add3A_314 : i32 to index
          %get3A_369 = arith.constant 112 : index
          %get3A_370 = tpu.vector_load %arg11[%get3A_368, %get3A_369] {strides = array<i32>} : memref<128x128xf32, #tpu.memory_space<vmem>>, vector<16xf32>,
          %mul3A_371 = arith.mulf %get3A_370, %gather3A_318 : vector<16xf32>
          %swap3A_372 = arith.index_cast %add3A_314 : i32 to index
          %swap3A_373 = arith.constant 112 : index
          %swap3A_374 = tpu.vector_load %arg11[%swap3A_372, %swap3A_373] {strides = array<i32>} : memref<128x128xf32, #tpu.memory_space<vmem>>, vector<16xf32>,
          tpu.vector_store %arg11[%swap3A_372, %swap3A_373], %mul3A_371 {strides = array<i32>} : memref<128x128xf32, #tpu.memory_space<vmem>>, vector<16xf32>,
        }
        %scan3A_102 = arith.constant 128 : i32
        %dma_start3A_103 = arith.constant 0 : i32
        %dma_start3A_104 = tpu.memref_slice %arg7[%add3A_37, %dma_start3A_103] : memref<72x128xi32, #tpu.memory_space<vmem>> -> memref<1x128xi32, #tpu.memory_space<vmem>>
        %dma_start3A_105 = tpu.memref_squeeze %dma_start3A_104 : memref<1x128xi32, #tpu.memory_space<vmem>> -> memref<128xi32, #tpu.memory_space<vmem>>
        %dma_start3A_106 = arith.constant 0 : i32
        %dma_start3A_107 = arith.constant 0 : i32
        %dma_start3A_108 = tpu.memref_slice %arg12[%dma_start3A_106, %dma_start3A_107] : memref<10240x128xf32, #tpu.memory_space<vmem_shared>> -> memref<10240x128xf32, #tpu.memory_space<vmem_shared>>
        tpu.enqueue_indirect_dma source(%arg11 : memref<128x128xf32, #tpu.memory_space<vmem>>) target(%dma_start3A_108 : memref<10240x128xf32, #tpu.memory_space<vmem_shared>>) offsets(%dma_start3A_105 : memref<128xi32, #tpu.memory_space<vmem>>) semaphore(%arg16 : memref<!tpu.dma_semaphore, #tpu.memory_space<semaphore_mem>>) {add = true}
        %add3A_109 = arith.constant 2 : i32
        %add3A_110 = arith.addi %mul3A_35, %add3A_109 : i32
        %lt3A_111 = arith.cmpi slt, %add3A_110, %select_n3A : i32
        %convert_element_type3A_112 = arith.extui %lt3A_111 : i1 to i32
        %cond3A_113 = arith.constant 0 : i32
        %cond3A_114 = arith.cmpi ne, %convert_element_type3A_112, %cond3A_113 : i32
        scf.if %cond3A_114 {
          %dma_start3A_115 = tpu.memref_slice %arg5[%mul3A_91] : memref<294912xf32, #tpu.memory_space<hbm>> -> memref<256xf32, #tpu.memory_space<hbm>>
          %dma_start3A_116 = tpu.memref_slice %arg5[%mul3A_91] : memref<294912xf32, #tpu.memory_space<hbm>> -> memref<256xf32, #tpu.memory_space<hbm>>
          tpu.enqueue_dma source(%dma_start3A_116 : memref<256xf32, #tpu.memory_space<hbm>>) target(%arg9 : memref<256xf32, #tpu.memory_space<vmem>>) target_semaphore(%arg18 : memref<!tpu.dma_semaphore, #tpu.memory_space<semaphore_mem>>)
        } else {
        }
      } else {
      }
    }
    %scan3A_23 = arith.constant 36 : i32
    %gt3A = arith.constant 0 : i32
    %gt3A_24 = arith.cmpi sgt, %select_n3A, %gt3A : i32
    %convert_element_type3A = arith.extui %gt3A_24 : i1 to i32
    %cond3A = arith.constant 0 : i32
    %cond3A_25 = arith.cmpi ne, %convert_element_type3A, %cond3A : i32
    scf.if %cond3A_25 {
      %dma_wait3A = arith.constant 0 : i32
      %dma_wait3A_29 = arith.constant 0 : i32
      %dma_wait3A_30 = tpu.memref_slice %arg7[%dma_wait3A, %dma_wait3A_29] : memref<72x128xi32, #tpu.memory_space<vmem>> -> memref<1x128xi32, #tpu.memory_space<vmem>>
      %dma_wait3A_31 = tpu.memref_squeeze %dma_wait3A_30 : memref<1x128xi32, #tpu.memory_space<vmem>> -> memref<128xi32, #tpu.memory_space<vmem>>
      %dma_wait3A_32 = arith.constant 0 : i32
      %dma_wait3A_33 = arith.constant 0 : i32
      %dma_wait3A_34 = tpu.memref_slice %arg12[%dma_wait3A_32, %dma_wait3A_33] : memref<10240x128xf32, #tpu.memory_space<vmem_shared>> -> memref<10240x128xf32, #tpu.memory_space<vmem_shared>>
      tpu.wait_indirect_dma semaphore(%arg15 : memref<!tpu.dma_semaphore, #tpu.memory_space<semaphore_mem>>) src(%arg10 : memref<128x128xf32, #tpu.memory_space<vmem>>) dst(%dma_wait3A_34 : memref<10240x128xf32, #tpu.memory_space<vmem_shared>>)
      %dma_wait3A_35 = arith.constant 0 : i32
      %dma_wait3A_36 = arith.constant 0 : i32
      %dma_wait3A_37 = tpu.memref_slice %arg7[%dma_wait3A_35, %dma_wait3A_36] : memref<72x128xi32, #tpu.memory_space<vmem>> -> memref<1x128xi32, #tpu.memory_space<vmem>>
      %dma_wait3A_38 = tpu.memref_squeeze %dma_wait3A_37 : memref<1x128xi32, #tpu.memory_space<vmem>> -> memref<128xi32, #tpu.memory_space<vmem>>
      %dma_wait3A_39 = arith.constant 0 : i32
      %dma_wait3A_40 = arith.constant 0 : i32
      %dma_wait3A_41 = tpu.memref_slice %arg12[%dma_wait3A_39, %dma_wait3A_40] : memref<10240x128xf32, #tpu.memory_space<vmem_shared>> -> memref<10240x128xf32, #tpu.memory_space<vmem_shared>>
      tpu.wait_indirect_dma semaphore(%arg16 : memref<!tpu.dma_semaphore, #tpu.memory_space<semaphore_mem>>) src(%arg11 : memref<128x128xf32, #tpu.memory_space<vmem>>) dst(%dma_wait3A_41 : memref<10240x128xf32, #tpu.memory_space<vmem_shared>>)
    } else {
    }
    %barrier3A_26 = arith.constant 0 : index
    tpu.barrier barrier_id(%barrier3A_26)
    %mul3A_27 = arith.constant 640 : i32
    %mul3A_28 = arith.muli %arg1, %mul3A_27 : i32
    "tpu.region"() ({
      %run_scoped3A = tpu.sem_alloc : memref<!tpu.dma_semaphore, #tpu.memory_space<semaphore_mem>>
      %dma_start3A = arith.constant 0 : i32
      %dma_start3A_29 = tpu.memref_slice %arg6[%arg0, %mul3A_28, %dma_start3A] : memref<2x10240x128xf32, #tpu.memory_space<hbm>> -> memref<1x640x128xf32, #tpu.memory_space<hbm>>
      %dma_start3A_30 = tpu.memref_squeeze %dma_start3A_29 : memref<1x640x128xf32, #tpu.memory_space<hbm>> -> memref<640x128xf32, #tpu.memory_space<hbm>>
      %dma_start3A_31 = arith.constant 0 : i32
      %dma_start3A_32 = tpu.memref_slice %arg12[%mul3A_28, %dma_start3A_31] : memref<10240x128xf32, #tpu.memory_space<vmem_shared>> -> memref<640x128xf32, #tpu.memory_space<vmem_shared>>
      tpu.enqueue_dma source(%dma_start3A_32 : memref<640x128xf32, #tpu.memory_space<vmem_shared>>) target(%dma_start3A_30 : memref<640x128xf32, #tpu.memory_space<hbm>>) target_semaphore(%run_scoped3A : memref<!tpu.dma_semaphore, #tpu.memory_space<semaphore_mem>>)
      %dma_wait3A = arith.constant 0 : i32
      %dma_wait3A_33 = tpu.memref_slice %arg6[%arg0, %mul3A_28, %dma_wait3A] : memref<2x10240x128xf32, #tpu.memory_space<hbm>> -> memref<1x640x128xf32, #tpu.memory_space<hbm>>
      %dma_wait3A_34 = tpu.memref_squeeze %dma_wait3A_33 : memref<1x640x128xf32, #tpu.memory_space<hbm>> -> memref<640x128xf32, #tpu.memory_space<hbm>>
      %dma_wait3A_35 = arith.constant 0 : i32
      %dma_wait3A_36 = tpu.memref_slice %arg12[%mul3A_28, %dma_wait3A_35] : memref<10240x128xf32, #tpu.memory_space<vmem_shared>> -> memref<640x128xf32, #tpu.memory_space<vmem_shared>>
      tpu.wait_dma2 semaphore(%run_scoped3A : memref<!tpu.dma_semaphore, #tpu.memory_space<semaphore_mem>>) src(%dma_wait3A_36 : memref<640x128xf32, #tpu.memory_space<vmem_shared>>) dst(%dma_wait3A_34 : memref<640x128xf32, #tpu.memory_space<hbm>>)
      tpu.yield
    }) : () -> ()
    return
  }
}

module attributes {stable_mosaic.version = 14 : i64} {
  func.func @body(%arg0: i32, %arg1: memref<1000x256xf32, #tpu.memory_space<vmem>>, %arg2: memref<512x128xf32, #tpu.memory_space<vmem>>, %arg3: memref<1x128xf32, #tpu.memory_space<vmem>>, %arg4: memref<1000x128xf32, #tpu.memory_space<vmem>>, %arg5: memref<1000x128xf32, #tpu.memory_space<vmem>>) attributes {dimension_semantics = [#tpu.dimension_semantics<arbitrary>], iteration_bounds = array<i64: 10>, scalar_prefetch = 0 : i64, scratch_operands = 0 : i64, tpu.core_type = #tpu.core_type<tc>, window_params = [{transform_indices = @transform_0, window_bounds = array<i64: 1000, 256>}, {pipeline_mode = #tpu.pipeline_mode<synchronous>, transform_indices = @transform_1, window_bounds = array<i64: 512, 128>}, {pipeline_mode = #tpu.pipeline_mode<synchronous>, transform_indices = @transform_2, window_bounds = array<i64: 1, 128>}, {transform_indices = @transform_3, window_bounds = array<i64: 1000, 128>}, {transform_indices = @transform_4, window_bounds = array<i64: 1000, 128>}]} {
    %get3A = arith.constant 0 : index
    %get3A_0 = arith.constant 0 : index
    %get3A_1 = vector.load %arg1[%get3A, %get3A_0] : memref<1000x256xf32, #tpu.memory_space<vmem>>, vector<1000x256xf32>
    %get3A_2 = arith.constant 0 : index
    %get3A_3 = arith.constant 0 : index
    %get3A_4 = vector.load %arg2[%get3A_2, %get3A_3] : memref<512x128xf32, #tpu.memory_space<vmem>>, vector<256x128xf32>
    %dot_general3A = arith.constant dense<0.000000e+00> : vector<1000x128xf32>
    %dot_general3A_5 = tpu.matmul %get3A_1, %get3A_4, %dot_general3A {dimension_numbers = #tpu.dot_dimension_numbers<[1], [0], [0], [1], [0, 0, 1, 1], [], []>, precision = #tpu.contract_precision<fp32>, transpose_lhs_hint = false} : vector<1000x256xf32>, vector<256x128xf32>, vector<1000x128xf32> -> vector<1000x128xf32>
    %get3A_6 = arith.constant 0 : index
    %get3A_7 = arith.constant 0 : index
    %get3A_8 = vector.load %arg3[%get3A_6, %get3A_7] : memref<1x128xf32, #tpu.memory_space<vmem>>, vector<1x128xf32>
    %add3A = vector.broadcast %get3A_8 : vector<1x128xf32> to vector<1000x128xf32>
    %add3A_9 = arith.addf %dot_general3A_5, %add3A : vector<1000x128xf32>
    %swap3A = arith.constant 0 : index
    %swap3A_10 = arith.constant 0 : index
    %swap3A_11 = vector.load %arg4[%swap3A, %swap3A_10] : memref<1000x128xf32, #tpu.memory_space<vmem>>, vector<1000x128xf32>
    tpu.vector_store %arg4[%swap3A, %swap3A_10], %add3A_9 {strides = array<i32>} : memref<1000x128xf32, #tpu.memory_space<vmem>>, vector<1000x128xf32>,
    %get3A_12 = arith.constant 256 : index
    %get3A_13 = arith.constant 0 : index
    %get3A_14 = vector.load %arg2[%get3A_12, %get3A_13] : memref<512x128xf32, #tpu.memory_space<vmem>>, vector<256x128xf32>
    %dot_general3A_15 = arith.constant dense<0.000000e+00> : vector<1000x128xf32>
    %dot_general3A_16 = tpu.matmul %get3A_1, %get3A_14, %dot_general3A_15 {dimension_numbers = #tpu.dot_dimension_numbers<[1], [0], [0], [1], [0, 0, 1, 1], [], []>, precision = #tpu.contract_precision<fp32>, transpose_lhs_hint = false} : vector<1000x256xf32>, vector<256x128xf32>, vector<1000x128xf32> -> vector<1000x128xf32>
    %swap3A_17 = arith.constant 0 : index
    %swap3A_18 = arith.constant 0 : index
    %swap3A_19 = vector.load %arg5[%swap3A_17, %swap3A_18] : memref<1000x128xf32, #tpu.memory_space<vmem>>, vector<1000x128xf32>
    tpu.vector_store %arg5[%swap3A_17, %swap3A_18], %dot_general3A_16 {strides = array<i32>} : memref<1000x128xf32, #tpu.memory_space<vmem>>, vector<1000x128xf32>,
    return
  }
  func.func @transform_0(%arg0: i32) -> (i32, i32) {
    %c0_i32 = arith.constant 0 : i32
    %c0_i32_0 = arith.constant 0 : i32
    return %arg0, %c0_i32 : i32, i32
  }
  func.func @transform_1(%arg0: i32) -> (i32, i32) {
    %c0_i32 = arith.constant 0 : i32
    %c0_i32_0 = arith.constant 0 : i32
    %c0_i32_1 = arith.constant 0 : i32
    return %c0_i32, %c0_i32_0 : i32, i32
  }
  func.func @transform_2(%arg0: i32) -> (i32, i32) {
    %c0_i32 = arith.constant 0 : i32
    %c0_i32_0 = arith.constant 0 : i32
    %c0_i32_1 = arith.constant 0 : i32
    return %c0_i32, %c0_i32_0 : i32, i32
  }
  func.func @transform_3(%arg0: i32) -> (i32, i32) {
    %c0_i32 = arith.constant 0 : i32
    %c0_i32_0 = arith.constant 0 : i32
    return %arg0, %c0_i32 : i32, i32
  }
  func.func @transform_4(%arg0: i32) -> (i32, i32) {
    %c0_i32 = arith.constant 0 : i32
    %c0_i32_0 = arith.constant 0 : i32
    return %arg0, %c0_i32 : i32, i32
  }
}

module attributes {stable_mosaic.version = 14 : i64} {
  func.func @body(%arg0: i32, %arg1: memref<1000x128xf32, #tpu.memory_space<vmem>>, %arg2: memref<2x1000x128xf32, #tpu.memory_space<vmem>>, %arg3: memref<1000x128xf32, #tpu.memory_space<vmem>>) attributes {dimension_semantics = [#tpu.dimension_semantics<arbitrary>], iteration_bounds = array<i64: 10>, scalar_prefetch = 0 : i64, scratch_operands = 0 : i64, tpu.core_type = #tpu.core_type<tc>, window_params = [{transform_indices = @transform_0, window_bounds = array<i64: 1000, 128>}, {transform_indices = @transform_1, window_bounds = array<i64: 2, 1000, 128>}, {transform_indices = @transform_2, window_bounds = array<i64: 1000, 128>}]} {
    %get3A = arith.constant 0 : index
    %get3A_0 = arith.constant 0 : index
    %get3A_1 = vector.load %arg1[%get3A, %get3A_0] : memref<1000x128xf32, #tpu.memory_space<vmem>>, vector<1000x128xf32>
    %get3A_2 = arith.constant 0 : index
    %get3A_3 = arith.constant 0 : index
    %get3A_4 = arith.constant 0 : index
    %get3A_5 = vector.load %arg2[%get3A_2, %get3A_3, %get3A_4] : memref<2x1000x128xf32, #tpu.memory_space<vmem>>, vector<1x1000x128xf32>
    %get3A_6 = vector.shape_cast %get3A_5 : vector<1x1000x128xf32> to vector<1000x128xf32>
    %add3A = arith.addf %get3A_1, %get3A_6 : vector<1000x128xf32>
    %get3A_7 = arith.constant 1 : index
    %get3A_8 = arith.constant 0 : index
    %get3A_9 = arith.constant 0 : index
    %get3A_10 = vector.load %arg2[%get3A_7, %get3A_8, %get3A_9] : memref<2x1000x128xf32, #tpu.memory_space<vmem>>, vector<1x1000x128xf32>
    %get3A_11 = vector.shape_cast %get3A_10 : vector<1x1000x128xf32> to vector<1000x128xf32>
    %add3A_12 = arith.addf %add3A, %get3A_11 : vector<1000x128xf32>
    %ge3A = arith.constant 0.000000e+00 : f32
    %ge3A_13 = vector.broadcast %ge3A : f32 to vector<1000x128xf32>
    %ge3A_14 = arith.cmpf oge, %add3A_12, %ge3A_13 : vector<1000x128xf32>
    %mul3A = arith.constant 0.00999999977 : f32
    %mul3A_15 = vector.broadcast %mul3A : f32 to vector<1000x128xf32>
    %mul3A_16 = arith.mulf %mul3A_15, %add3A_12 : vector<1000x128xf32>
    %select_n3A = arith.select %ge3A_14, %add3A_12, %mul3A_16 : vector<1000x128xi1>, vector<1000x128xf32>
    %swap3A = arith.constant 0 : index
    %swap3A_17 = arith.constant 0 : index
    %swap3A_18 = vector.load %arg3[%swap3A, %swap3A_17] : memref<1000x128xf32, #tpu.memory_space<vmem>>, vector<1000x128xf32>
    tpu.vector_store %arg3[%swap3A, %swap3A_17], %select_n3A {strides = array<i32>} : memref<1000x128xf32, #tpu.memory_space<vmem>>, vector<1000x128xf32>,
    return
  }
  func.func @transform_0(%arg0: i32) -> (i32, i32) {
    %c0_i32 = arith.constant 0 : i32
    %c0_i32_0 = arith.constant 0 : i32
    return %arg0, %c0_i32 : i32, i32
  }
  func.func @transform_1(%arg0: i32) -> (i32, i32, i32) {
    %c0_i32 = arith.constant 0 : i32
    %c0_i32_0 = arith.constant 0 : i32
    %c0_i32_1 = arith.constant 0 : i32
    return %c0_i32, %arg0, %c0_i32_0 : i32, i32, i32
  }
  func.func @transform_2(%arg0: i32) -> (i32, i32) {
    %c0_i32 = arith.constant 0 : i32
    %c0_i32_0 = arith.constant 0 : i32
    return %arg0, %c0_i32 : i32, i32
  }
}

module attributes {stable_mosaic.version = 14 : i64} {
  func.func @body(%arg0: i32, %arg1: memref<1000x128xf32, #tpu.memory_space<vmem>>, %arg2: memref<2x1000x128xf32, #tpu.memory_space<vmem>>, %arg3: memref<256x256xf32, #tpu.memory_space<vmem>>, %arg4: memref<1x256xf32, #tpu.memory_space<vmem>>, %arg5: memref<1000x256xf32, #tpu.memory_space<vmem>>) attributes {dimension_semantics = [#tpu.dimension_semantics<arbitrary>], iteration_bounds = array<i64: 10>, scalar_prefetch = 0 : i64, scratch_operands = 0 : i64, tpu.core_type = #tpu.core_type<tc>, window_params = [{transform_indices = @transform_0, window_bounds = array<i64: 1000, 128>}, {transform_indices = @transform_1, window_bounds = array<i64: 2, 1000, 128>}, {pipeline_mode = #tpu.pipeline_mode<synchronous>, transform_indices = @transform_2, window_bounds = array<i64: 256, 256>}, {pipeline_mode = #tpu.pipeline_mode<synchronous>, transform_indices = @transform_3, window_bounds = array<i64: 1, 256>}, {transform_indices = @transform_4, window_bounds = array<i64: 1000, 256>}]} {
    %get3A = arith.constant 0 : index
    %get3A_0 = arith.constant 0 : index
    %get3A_1 = arith.constant 0 : index
    %get3A_2 = vector.load %arg2[%get3A, %get3A_0, %get3A_1] : memref<2x1000x128xf32, #tpu.memory_space<vmem>>, vector<1x1000x128xf32>
    %get3A_3 = vector.shape_cast %get3A_2 : vector<1x1000x128xf32> to vector<1000x128xf32>
    %get3A_4 = arith.constant 1 : index
    %get3A_5 = arith.constant 0 : index
    %get3A_6 = arith.constant 0 : index
    %get3A_7 = vector.load %arg2[%get3A_4, %get3A_5, %get3A_6] : memref<2x1000x128xf32, #tpu.memory_space<vmem>>, vector<1x1000x128xf32>
    %get3A_8 = vector.shape_cast %get3A_7 : vector<1x1000x128xf32> to vector<1000x128xf32>
    %add3A = arith.addf %get3A_3, %get3A_8 : vector<1000x128xf32>
    %get3A_9 = arith.constant 0 : index
    %get3A_10 = arith.constant 0 : index
    %get3A_11 = vector.load %arg1[%get3A_9, %get3A_10] : memref<1000x128xf32, #tpu.memory_space<vmem>>, vector<1000x128xf32>
    %get3A_12 = arith.constant 0 : index
    %get3A_13 = arith.constant 0 : index
    %get3A_14 = vector.load %arg3[%get3A_12, %get3A_13] : memref<256x256xf32, #tpu.memory_space<vmem>>, vector<128x256xf32>
    %dot_general3A = arith.constant dense<0.000000e+00> : vector<1000x256xf32>
    %dot_general3A_15 = tpu.matmul %get3A_11, %get3A_14, %dot_general3A {dimension_numbers = #tpu.dot_dimension_numbers<[1], [0], [0], [1], [0, 0, 1, 1], [], []>, precision = #tpu.contract_precision<fp32>, transpose_lhs_hint = false} : vector<1000x128xf32>, vector<128x256xf32>, vector<1000x256xf32> -> vector<1000x256xf32>
    %get3A_16 = arith.constant 128 : index
    %get3A_17 = arith.constant 0 : index
    %get3A_18 = vector.load %arg3[%get3A_16, %get3A_17] : memref<256x256xf32, #tpu.memory_space<vmem>>, vector<128x256xf32>
    %dot_general3A_19 = arith.constant dense<0.000000e+00> : vector<1000x256xf32>
    %dot_general3A_20 = tpu.matmul %add3A, %get3A_18, %dot_general3A_19 {dimension_numbers = #tpu.dot_dimension_numbers<[1], [0], [0], [1], [0, 0, 1, 1], [], []>, precision = #tpu.contract_precision<fp32>, transpose_lhs_hint = false} : vector<1000x128xf32>, vector<128x256xf32>, vector<1000x256xf32> -> vector<1000x256xf32>
    %add3A_21 = arith.addf %dot_general3A_15, %dot_general3A_20 : vector<1000x256xf32>
    %get3A_22 = arith.constant 0 : index
    %get3A_23 = arith.constant 0 : index
    %get3A_24 = vector.load %arg4[%get3A_22, %get3A_23] : memref<1x256xf32, #tpu.memory_space<vmem>>, vector<1x256xf32>
    %add3A_25 = vector.broadcast %get3A_24 : vector<1x256xf32> to vector<1000x256xf32>
    %add3A_26 = arith.addf %add3A_21, %add3A_25 : vector<1000x256xf32>
    %ge3A = arith.constant 0.000000e+00 : f32
    %ge3A_27 = vector.broadcast %ge3A : f32 to vector<1000x256xf32>
    %ge3A_28 = arith.cmpf oge, %add3A_26, %ge3A_27 : vector<1000x256xf32>
    %mul3A = arith.constant 0.00999999977 : f32
    %mul3A_29 = vector.broadcast %mul3A : f32 to vector<1000x256xf32>
    %mul3A_30 = arith.mulf %mul3A_29, %add3A_26 : vector<1000x256xf32>
    %select_n3A = arith.select %ge3A_28, %add3A_26, %mul3A_30 : vector<1000x256xi1>, vector<1000x256xf32>
    %swap3A = arith.constant 0 : index
    %swap3A_31 = arith.constant 0 : index
    %swap3A_32 = vector.load %arg5[%swap3A, %swap3A_31] : memref<1000x256xf32, #tpu.memory_space<vmem>>, vector<1000x256xf32>
    tpu.vector_store %arg5[%swap3A, %swap3A_31], %select_n3A {strides = array<i32>} : memref<1000x256xf32, #tpu.memory_space<vmem>>, vector<1000x256xf32>,
    return
  }
  func.func @transform_0(%arg0: i32) -> (i32, i32) {
    %c0_i32 = arith.constant 0 : i32
    %c0_i32_0 = arith.constant 0 : i32
    return %arg0, %c0_i32 : i32, i32
  }
  func.func @transform_1(%arg0: i32) -> (i32, i32, i32) {
    %c0_i32 = arith.constant 0 : i32
    %c0_i32_0 = arith.constant 0 : i32
    %c0_i32_1 = arith.constant 0 : i32
    return %c0_i32, %arg0, %c0_i32_0 : i32, i32, i32
  }
  func.func @transform_2(%arg0: i32) -> (i32, i32) {
    %c0_i32 = arith.constant 0 : i32
    %c0_i32_0 = arith.constant 0 : i32
    %c0_i32_1 = arith.constant 0 : i32
    return %c0_i32, %c0_i32_0 : i32, i32
  }
  func.func @transform_3(%arg0: i32) -> (i32, i32) {
    %c0_i32 = arith.constant 0 : i32
    %c0_i32_0 = arith.constant 0 : i32
    %c0_i32_1 = arith.constant 0 : i32
    return %c0_i32, %c0_i32_0 : i32, i32
  }
  func.func @transform_4(%arg0: i32) -> (i32, i32) {
    %c0_i32 = arith.constant 0 : i32
    %c0_i32_0 = arith.constant 0 : i32
    return %arg0, %c0_i32 : i32, i32
  }
}

</mosaic_0001>

<sc_bundles>
// kernel: kernel.10.cloned.1.call-start
scs
__scs_entry_jumppad:
0x0: {  	(pc) =	sbr.rel $0x88, $3  }
0x1: {  	(tag) =	ssettag $0x0;
	lr =	simm.s32 $0x1  }
0x2: {  	[smem:$0x3F9A] =	sst lr;
	_ =	strace $0xD0000000  }
0x3: {  	_ = 	snop  }
0x4: {  	_ = 	snop  }
0x5: {  	_ = 	snop  }
0x6: {  	_ = 	snop  }
0x7: {  	_ = 	snop  }
__scs_overlays_trampoline_lowered:
0x8: {  	[smem:$0x3FA9] =	sst s0  }
0x9: {  	[smem:$0x3FAA] =	sst s1  }
0xa: {  	[smem:$0x3FAB] =	sst s2  }
0xb: {  	[smem:$0x3FAC] =	sst s3  }
0xc: {  	[smem:$0x3FAD] =	sst s4  }
0xd: {  	[smem:$0x3FAE] =	sst s5  }
0xe: {  	[smem:$0x3FAF] =	sst s6  }
0xf: {  	[smem:$0x3FB0] =	sst s7  }
0x10: {  	[smem:$0x3FB1] =	sst s8  }
0x11: {  	[smem:$0x3FB2] =	sst s9;
	s0 =	simm.s32 @!p0 $0x0  }
0x12: {  	s1 =	sld [smem:$0x3F98];
	s0 =	simm.s32 @p0 $0x1  }
0x13: {  	[smem:$0x3FB3] =	sst s0;
	s0 =	simm.s32 @!p1 $0x0  }
0x14: {  	s2 =	sld [smem:$0x3F97];
	s0 =	simm.s32 @p1 $0x1  }
0x15: {  	[smem:$0x3FB4] =	sst s0;
	s0 =	simm.s32 @!p2 $0x0  }
0x16: {  	s3 =	sld [smem:$0x3FDB];
	s0 =	simm.s32 @p2 $0x1  }
0x17: {  	s4 =	simm.s32 $0x1BF5;
	[smem:$0x3FB6] =	sst s0  }
0x18: {  	s0 =	sld [smem:$0x3F99];
	_ =	swait.ge [sflag:s4], $0x0  }
0x19: {  	s7 =	sld [smem:$0x3F9A]  }
0x1a: {  	s8 =	sadd.s32 $0xFFFFE003, lr  }
0x1b: {  	s9 =	sadd.s32 $0xFFFFFEF7, lr;
	s5 =	simm.s32 $0xFFFFFFFF;
	p2 =	slt.u32 s8, $0xFFFFF086  }
0x1c: {  	p1 =	slt.u32 s9, $0xF7A;
	s5 =	simm.s32 @!p2 $0x0  }
0x1d: {  	s5 =	simm.s32 @p1 $0x1;
	p0 =	seq.s32 s7, s2  }
0x1e: {  	s7 =	smul.u32 @!p0 $0xF7A, s2;
	p2 =	seq.s32 @!p0 s5, $0x0  }
0x1f: {  	s9 =	smul.u32 $0xF7A, s1;
	s8 =	simm.s32 @!p0 $0x1BF5;
	p2 =	por !p2, p0  }
0x20: {  	[sflag:s8] =	ssyncset.s32 @!p0 $0xFFFFF086;
	s6 =	sadd.s32 @!p0 s3, s7;
	s7 =	simm.s32 @!p0 $0x108  }
0x21: {  	s3 =	sadd.s32 s3, s9;
	s6 =	sadd.s32 @!p0 $0x88, s6;
	s7 =	simm.s32 @p2 $0x1082  }
0x22: {  	[simem:s7], [sflag:s8] =	dma.local @!p0 [hbm:s6], $0xF7A  }
0x23: {  	s9 =	sor.u32 $0xD0000000, s2;
	s6 =	simm.s32 $0x108;
	_ =	swait.ge @!p0 [sflag:s8], $0x0  }
0x24: {  	s3 =	sadd.s32 $0x88, s3;
	s6 =	simm.s32 @!p1 $0x1082;
	[sflag:s4] =	ssyncset.s32 $0xFFFFF086  }
0x25: {  	[simem:s6], [sflag:s4] =	dma.local [hbm:s3], $0xF7A  }
0x26: {  	[smem:$0x3F9A] =	sst s1;
	(tag) =	ssettag s2;
	_ =	strace s9  }
0x27: {  	s1 =	sld [smem:$0x3FAA]  }
0x28: {  	s2 =	sld [smem:$0x3FAB]  }
0x29: {  	s4 =	sld [smem:$0x3FAD]  }
0x2a: {  	p0 =	seq.s32 s5, $0x0;
	s5 =	sld [smem:$0x3FAE]  }
0x2b: {  	s6 =	sld [smem:$0x3FAF]  }
0x2c: {  	s7 =	sld [smem:$0x3FB0]  }
0x2d: {  	s3 =	simm.s32 $0x108;
	s8 =	sld [smem:$0x3FB1]  }
0x2e: {  	s3 =	simm.s32 @!p0 $0x1082;
	s9 =	sld [smem:$0x3FB2]  }
0x2f: {  	lr =	sadd.s32 s0, s3;
	s0 =	sld [smem:$0x3FA9]  }
0x30: {  	s3 =	sld [smem:$0x3FAC]  }
0x31: {  	[smem:$0x3FB5] =	sst s10  }
0x32: {  	s10 =	sld [smem:$0x3FB3];
	_ =	sdelay $0x3  }
0x33: {  	p0 =	seq.s32 s10, $0x1;
	s10 =	sld [smem:$0x3FB5];
	_ =	sdelay $0x3  }
0x34: {  	[smem:$0x3FB5] =	sst s10  }
0x35: {  	s10 =	sld [smem:$0x3FB4];
	_ =	sdelay $0x3  }
0x36: {  	p1 =	seq.s32 s10, $0x1;
	s10 =	sld [smem:$0x3FB5];
	_ =	sdelay $0x3  }
0x37: {  	[smem:$0x3FB5] =	sst s10  }
0x38: {  	s10 =	sld [smem:$0x3FB6]  }
0x39: {  	_ = 	snop;
	(pc) =	sbr.ind lr, $3  }
0x3a: {  	_ = 	snop  }
0x3b: {  	_ = 	snop  }
0x3c: {  	p2 =	seq.s32 s10, $0x1;
	s10 =	sld [smem:$0x3FB5]  }
0x3d: {  	_ =	shalt  }
0x3e: {  	_ =	shalt  }
0x3f: {  	_ =	shalt  }
0x40: {  	_ =	shalt  }
0x41: {  	_ =	shalt  }
0x42: {  	_ =	shalt  }
0x43: {  	_ =	shalt  }
0x44: {  	_ =	shalt  }
0x45: {  	_ =	shalt  }
0x46: {  	_ =	shalt  }
0x47: {  	_ =	shalt  }
0x48: {  	_ =	shalt  }
0x49: {  	_ =	shalt  }
0x4a: {  	_ =	shalt  }
0x4b: {  	_ =	shalt  }
0x4c: {  	_ =	shalt  }
0x4d: {  	_ =	shalt  }
0x4e: {  	_ =	shalt  }
0x4f: {  	_ =	shalt  }
0x50: {  	_ =	shalt  }
0x51: {  	_ =	shalt  }
0x52: {  	_ =	shalt  }
0x53: {  	_ =	shalt  }
0x54: {  	_ =	shalt  }
0x55: {  	_ =	shalt  }
0x56: {  	_ =	shalt  }
0x57: {  	_ =	shalt  }
0x58: {  	_ =	shalt  }
0x59: {  	_ =	shalt  }
0x5a: {  	_ =	shalt  }
0x5b: {  	_ =	shalt  }
0x5c: {  	_ =	shalt  }
0x5d: {  	_ =	shalt  }
0x5e: {  	_ =	shalt  }
0x5f: {  	_ =	shalt  }
0x60: {  	_ =	shalt  }
0x61: {  	_ =	shalt  }
0x62: {  	_ =	shalt  }
0x63: {  	_ =	shalt  }
0x64: {  	_ =	shalt  }
0x65: {  	_ =	shalt  }
0x66: {  	_ =	shalt  }
0x67: {  	_ =	shalt  }
0x68: {  	_ =	shalt  }
0x69: {  	_ =	shalt  }
0x6a: {  	_ =	shalt  }
0x6b: {  	_ =	shalt  }
0x6c: {  	_ =	shalt  }
0x6d: {  	_ =	shalt  }
0x6e: {  	_ =	shalt  }
0x6f: {  	_ =	shalt  }
0x70: {  	_ =	shalt  }
0x71: {  	_ =	shalt  }
0x72: {  	_ =	shalt  }
0x73: {  	_ =	shalt  }
0x74: {  	_ =	shalt  }
0x75: {  	_ =	shalt  }
0x76: {  	_ =	shalt  }
0x77: {  	_ =	shalt  }
0x78: {  	_ =	shalt  }
0x79: {  	_ =	shalt  }
0x7a: {  	_ =	shalt  }
0x7b: {  	_ =	shalt  }
0x7c: {  	_ =	shalt  }
0x7d: {  	_ =	shalt  }
0x7e: {  	_ =	shalt  }
0x7f: {  	_ =	shalt  }
0x80: {  	_ =	shalt  }
0x81: {  	_ =	shalt  }
0x82: {  	_ =	shalt  }
0x83: {  	_ =	shalt  }
0x84: {  	_ =	shalt  }
0x85: {  	_ =	shalt  }
0x86: {  	_ =	shalt  }
0x87: {  	_ =	shalt  }
.Lfunc_end0:
.L_simem_size_0:
called_computation.1_lowered:
.L_overlay_start_0:
0x88: {  	s2 =	sld [smem:$0x3FD9]  }
0x89: {  	s3 =	sld [smem:$0x3FFE];
	_ =	sdelay $0x1  }
0x8a: {  	s1 =	srdreg.scid  }
0x8b: {  	s0 =	sand.u32 $0x1, s1  }
0x8c: {  	s17 =	sshll.u32 s0, $0xA;
	s2 =	sadd.s32 s3, s2  }
0x8d: {  	s2 =	sadd.s32 s2, s17  }
0x8e: {  	[smem:$0x3FC1] =	sst s2  }
0x8f: {  	_ = 	snop  }
0x90: {  	s2 =	sld [smem:$0x3FD0];
	(tm) =	ssettm $0x1  }
0x91: {  	s18 =	sld [smem:$0x3FFB];
	_ =	sdelay $0x3  }
0x92: {  	_ =	strace s18  }
0x93: {  	s3 =	sld [smem:$0x3FFC];
	_ =	sdelay $0x3  }
0x94: {  	_ =	strace s3  }
0x95: {  	s3 =	sld [smem:$0x3FFD];
	_ =	sdelay $0x3  }
0x96: {  	_ =	strace s3  }
0x97: {  	_ =	strace $0x8FFFFFFF  }
0x98: {  	s19 =	sld [smem:$0x3FDB];
	_ =	sdelay $0x1  }
0x99: {  	s4 =	simm.s32 $_scs_section_size  }
0x9a: {  	s5 =	simm.s32 $_size__tile_overlayer_lowered;
	s6 =	simm.s32 $_tile_overlayer_lowered  }
0x9b: {  	s22 =	simm.s32 $0x1BFF;
	s21 =	sshll.u32 s6, $0x1;
	s3 =	sadd.s32 s4, s19  }
0x9c: {  	s7 =	simm.s32 $0x0;
	s20 =	sshll.u32 s5, $0x1;
	s5 =	sadd.s32 s21, s3  }
0x9d: {  	[timem:s7], [sflag:s22] =	dma.local [hbm:s5], s20  }
0x9e: {  	_ =	swait.ge [sflag:s22], s20  }
0x9f: {  	s4 =	ssub.s32 $0x0, s20;
	[sflag:s22] =	ssyncset.done $0x0  }
0xa0: {  	[sflag:s22] =	ssyncadd.s32 s4;
	_ =	sdelay $0x1  }
0xa1: {  	s23 =	simm.s32 $0x1B8B  }
0xa2: {  	_ =	swait.ge [sflag:s23], $0x1  }
0xa3: {  	[sflag:s23] =	ssyncset.done $0x0  }
0xa4: {  	s25 =	simm.s32 $0x1B8E;
	s24 =	sld [smem:$0x3FFE];
	[sflag:s23] =	ssyncadd.s32 $0xFFFFFFFF  }
0xa5: {  	s26 =	simm.s32 $execute0_lowered;
	[smem:$0x3FD2] =	sst s25  }
0xa6: {  	s5 =	sshll.u32 s26, $0x1;
	_ =	strace $0x80000049;
	[dreg:$0x1] =	wrdreg $0xFFFFFFFF  }
0xa7: {  	s28 =	simm.s32 $_size_execute0_lowered;
	s3 =	sadd.s32 s3, s5;
	[dreg:$0x0] =	wrdreg $0x0  }
0xa8: {  	s5 =	sshll.u32 s28, $0x1;
	[dreg:$0x2] =	wrdreg s3  }
0xa9: {  	[dreg:$0x3] =	wrdreg s5  }
0xaa: {  	[dreg:$0x4] =	wrdreg $0xC0  }
0xab: {  	_ =	task [dreg:s7], $0x5FFFF  }
0xac: {  	[dreg:$0x1] =	wrdreg $0xFFFFFFFF  }
0xad: {  	[dreg:$0x0] =	wrdreg $0x60  }
0xae: {  	[dreg:$0x2] =	wrdreg s2  }
0xaf: {  	[dreg:$0x3] =	wrdreg s24  }
0xb0: {  	[dreg:$0x4] =	wrdreg $0xA6000  }
0xb1: {  	[dreg:$0x5] =	wrdreg $0x9  }
0xb2: {  	_ =	task.clear_ibuf [dreg:s7], $0x6FFFF;
	_ =	strace $0x90000049  }
0xb3: {  	s29 =	simm.s32 $0x9;
	_ =	strace $0x8000004B  }
0xb4: {  	_ =	swait.ge [sflag:s29], $0x1  }
0xb5: {  	[sflag:s29] =	ssyncadd.s32 $0xFFFFFFFF  }
0xb6: {  	_ =	strace $0x9000004B  }
0xb7: {  	_ =	sfence  }
0xb8: {  	s30 =	sld [smem:$0x0];
	_ =	sdelay $0x2  }
0xb9: {  	s31 =	sshll.u32 s1, $0xD;
	s1 =	sshrl.u32 s1, $0x2  }
0xba: {  	s3 =	sand.u32 $0x4000, s31;
	s1 =	sadd.s32 s1, s30  }
0xbb: {  	s0 =	sor.u32 s3, s0;
	s1 =	sshll.u32 s1, $0x11  }
0xbc: {  	s0 =	sor.u32 s1, s0  }
0xbd: {  	s0 =	sadd.s32 $0x8F2B, s0  }
0xbe: {  	[sflag:s0] =	ssyncadd.remote.s32 $0x1  }
0xbf: {  	_ =	sfence.sel $0xFFFF  }
0xc0: {  	[dreg:$0x0] =	wrdreg $0xFFFFFFFF;
	(pc) =	sbr.abs _section_cstart, $3  }
0xc1: {  	[dreg:$0x1] =	wrdreg $0xFFFFFFFF  }
0xc2: {  	_ =	task.clear_ibuf [dreg:s7], $0x2FFFF;
	_ =	strace $0x9FFFFFFF  }
0xc3: {  	(tm) =	ssettm $0x7FFFFFFF  }
tec
execute0_lowered:
.L_overlay_start_1:
0x0: {  	(tag) =	ssettag $0x1  }
0x1: {  	s1 =	rddreg [dreg:$0x0]  }
0x2: {  	s0 =	rddreg [dreg:$0x1]  }
0x3: {  	s3 =	rddreg [dreg:$0x2];
	s2 =	srdreg.scid  }
0x4: {  	s11 =	stileid.u32;
	s5 =	simm.s32 $0x0;
	s20 =	simm.s32 $0x7  }
0x5: {  	s28 =	simm.s32 $0x1;
	s29 =	simm.s32 $0x2;
	s30 =	simm.s32 $0x3  }
0x6: {  	s31 =	simm.s32 $0x4;
	s2 =	sand.u32 $0x1, s2;
	s7 =	smul.u32 $0x14000, s11  }
0x7: {  	[smem:$0x7FF] =	sst s5;
	s5 =	sadd.s32 $0xB200, s0;
	s4 =	sshll.u32 s2, $0x4  }
0x8: {  	s6 =	smul.u32 $0x140000, s2;
	_ =	strace $0x8000004A;
	s8 =	ssub.s32 $0x2, s2  }
0x9: {  	p0 =	seq.s32 s2, $0x0;
	s4 =	sor.u32 s11, s4;
	s11 =	smul.u32 $0x50000, s11  }
0xa: {  	s12 =	sshrl.u32 s8, $0x1;
	s9 =	smul.u32 $0x480, s4;
	s7 =	sadd.s32 s7, s6  }
0xb: {  	s6 =	sadd.s32 $0x2200, s0;
	s21 =	ssub.s32 s8, s12;
	s8 =	smul.u32 $0x48, s4  }
0xc: {  	s7 =	sshrl.u32 s7, $0x3;
	s11 =	sshrl.u32 s11, $0x2;
	s25 =	smax.u32 s21, $0x1  }
0xd: {  	s21 =	simm.s32 $0x2600;
	s10 =	sadd.s32 s9, s0;
	s0 =	sadd.s32 s7, s0  }
0xe: {  	s7 =	simm.s32 $0x48;
	s23 =	sadd.s32 s5, s9;
	s24 =	sadd.s32 s6, s9  }
0xf: {  	[dreg:$0x8] =	wrdreg s25;
	s25 =	simm.s32 $0x2480;
	s7 =	simm.s32 @!p0 $0x8  }
0x10: {  	s22 =	sadd.s32 $0x14200, s10;
	s10 =	sadd.s32 s11, s3;
	[dreg:$0x5] =	wrdreg s23  }
.Ltmp0:
0x11: {  	[dreg:$0x6] =	wrdreg s24;
	s0 =	sadd.s32 $0x1D200, s0;
	(pc) =	sbr.rel .LBB2_1-.Ltmp0, $4  }
0x12: {  	s23 =	simm.s32 $0x2500;
	s24 =	simm.s32 $0x80;
	[dreg:$0x4] =	wrdreg s22  }
0x13: {  	s13 =	sadd.s32 $0xFFFFFFFE, s7;
	[dreg:$0x7] =	wrdreg s0;
	s26 =	sadd.s32 $0x4000, s10  }
0x14: {  	s17 =	sadd.s32 $0x8000, s10;
	s18 =	sadd.s32 $0xC000, s10;
	s19 =	sadd.s32 $0x10000, s10  }
0x15: {  	v0 =	vimm.f32 $0.0e+00;
	s0 =	simm.s32 $0x0;
	[dreg:$0x9] =	wrdreg s26;
	s26 =	simm.s32 $0x6600  }
.LBB2_11:
0x16: {  	_ =	swait.ge [sflag:s30], $0x4000  }
0x17: {  	[sflag:s30] =	ssyncset.done $0x0  }
0x18: {  	[sflag:s30] =	ssyncadd.s32 $0xFFFFC000  }
0x19: {  	_ =	swait.ge [sflag:s31], $0x4000  }
0x1a: {  	[sflag:s31] =	ssyncset.done $0x0  }
0x1b: {  	s2 =	stileid.u32;
	[sflag:s31] =	ssyncadd.s32 $0xFFFFC000  }
0x1c: {  	s2 =	sshll.u32 s2, $0x6;
	[bflag:$0x0] =	sbarrier.arrive $0xFFFF  }
0x1d: {  	s4 =	sshrl.u32 s10, $0x3;
	s2 =	sor.u32 $0x1C07, s2;
	s9 =	rddreg [dreg:$0x7]  }
0x1e: {  	[hbm:s9], [sflag:s2] =	dma.local [spmem:s4], $0x2800  }
0x1f: {  	_ =	swait.ge [sflag:s20], $0x2800  }
0x20: {  	s0 =	sadd.s32 $0x1, s0;
	s22 =	rddreg [dreg:$0x8]  }
0x21: {  	p0 =	sne.s32 s0, s22  }
.Ltmp1:
0x22: {  	_ = 	snop;
	(pc) =	sbr.rel @!p0 .LBB2_12-.Ltmp1, $3  }
0x23: {  	_ =	sdelay $0x1  }
0x24: {  	[sflag:s20] =	ssyncset.done $0x0  }
0x25: {  	[sflag:s20] =	ssyncadd.s32 $0xFFFFD800  }
.LBB2_1:
0x26: {  	s2 =	simm.s32 $0x0;
	s4 =	rddreg [dreg:$0x4]  }
0x27: {  	[tilespmem:s2], [sflag:$0x7] =	stream.linear.gather [hbm4b:s4+s2], $0x2400, $0x38;
	[tilespmem:$0x1E600] =	vst v63  }
0x28: {  	_ =	swait.ge [sflag:s20], $0x2400  }
0x29: {  	[sflag:s20] =	ssyncset.done $0x0  }
0x2a: {  	s2 =	simm.s32 $0x0;
	s4 =	simm.s32 $0x200;
	[sflag:s20] =	ssyncadd.s32 $0xFFFFDC00  }
.LBB2_2:
0x2b: {  	p0 =	sne.s32 s4, $0xFE00;
	[tilespmem:s2+$0x2670] =	vst v0  }
0x2c: {  	[tilespmem:s2+$0x2600] =	vst v0  }
0x2d: {  	[tilespmem:s2+$0x2610] =	vst v0  }
.Ltmp2:
0x2e: {  	[tilespmem:s2+$0x2620] =	vst v0;
	(pc) =	sbr.rel @p0 .LBB2_2-.Ltmp2, $4  }
0x2f: {  	[tilespmem:s2+$0x2630] =	vst v0  }
0x30: {  	[tilespmem:s2+$0x2640] =	vst v0  }
0x31: {  	[tilespmem:s2+$0x2650] =	vst v0  }
0x32: {  	[tilespmem:s2+$0x2660] =	vst v0;
	s2 =	sshra.s32 s4, $0x2;
	s4 =	sadd.s32 $0x200, s4  }
0x33: {  	[tilespmem:s2+$0x2670] =	vst v0  }
0x34: {  	[tilespmem:s2+$0x2600] =	vst v0  }
0x35: {  	[tilespmem:s2+$0x2610] =	vst v0  }
0x36: {  	[tilespmem:s2+$0x2620] =	vst v0  }
0x37: {  	[tilespmem:s2+$0x2630] =	vst v0  }
0x38: {  	[tilespmem:s2+$0x2640] =	vst v0  }
0x39: {  	[tilespmem:s2+$0x2650] =	vst v0  }
0x3a: {  	[tilespmem:s2+$0x2660] =	vst v0  }
0x3b: {  	[spmem:s10] =	stream.linear.scatter [tilespmem:s21], [sflag:$0x7], $0x4000, $0x38;
	[tilespmem:$0x1E600] =	vst v63  }
0x3c: {  	_ =	swait.ge [sflag:s20], $0x4000  }
0x3d: {  	[sflag:s20] =	ssyncset.done $0x0  }
0x3e: {  	s15 =	rddreg [dreg:$0x9];
	[sflag:s20] =	ssyncadd.s32 $0xFFFFC000  }
0x3f: {  	[spmem:s15] =	stream.linear.scatter [tilespmem:s21], [sflag:$0x7], $0x4000, $0x38;
	[tilespmem:$0x1E600] =	vst v63  }
0x40: {  	_ =	swait.ge [sflag:s20], $0x4000  }
0x41: {  	[sflag:s20] =	ssyncset.done $0x0  }
0x42: {  	[sflag:s20] =	ssyncadd.s32 $0xFFFFC000  }
0x43: {  	[spmem:s17] =	stream.linear.scatter [tilespmem:s21], [sflag:$0x7], $0x4000, $0x38;
	[tilespmem:$0x1E600] =	vst v63  }
0x44: {  	_ =	swait.ge [sflag:s20], $0x4000  }
0x45: {  	[sflag:s20] =	ssyncset.done $0x0  }
0x46: {  	[sflag:s20] =	ssyncadd.s32 $0xFFFFC000  }
0x47: {  	[spmem:s18] =	stream.linear.scatter [tilespmem:s21], [sflag:$0x7], $0x4000, $0x38;
	[tilespmem:$0x1E600] =	vst v63  }
0x48: {  	_ =	swait.ge [sflag:s20], $0x4000  }
0x49: {  	[sflag:s20] =	ssyncset.done $0x0  }
0x4a: {  	[sflag:s20] =	ssyncadd.s32 $0xFFFFC000  }
0x4b: {  	[spmem:s19] =	stream.linear.scatter [tilespmem:s21], [sflag:$0x7], $0x4000, $0x38;
	[tilespmem:$0x1E600] =	vst v63  }
0x4c: {  	_ =	swait.ge [sflag:s20], $0x4000  }
0x4d: {  	[sflag:s20] =	ssyncset.done $0x0  }
0x4e: {  	[sflag:s20] =	ssyncadd.s32 $0xFFFFC000  }
0x4f: {  	[bflag:$0x0] =	sbarrier.arrive $0xFFFF  }
0x50: {  	s4 =	simm.s32 $0x0;
	s9 =	simm.s32 $0x2400;
	s16 =	rddreg [dreg:$0x5]  }
0x51: {  	[tilespmem:s9], [sflag:$0x7] =	stream.linear.gather [hbm4b:s16+s4], $0x100, $0x38;
	[tilespmem:$0x1E600] =	vst v63  }
0x52: {  	_ =	swait.ge [sflag:s20], $0x100  }
0x53: {  	[sflag:s20] =	ssyncset.done $0x0  }
.Ltmp3:
0x54: {  	s22 =	rddreg [dreg:$0x6];
	[sflag:s20] =	ssyncadd.s32 $0xFFFFFF00;
	(pc) =	sbr.rel .LBB2_4-.Ltmp3, $4  }
0x55: {  	[tilespmem:s23], [sflag:$0x7] =	stream.linear.gather [hbm4b:s22+s4], $0x100, $0x38;
	[tilespmem:$0x1E600] =	vst v63  }
0x56: {  	_ =	swait.ge [sflag:s20], $0x100  }
0x57: {  	[sflag:s20] =	ssyncset.done $0x0  }
0x58: {  	[sflag:s20] =	ssyncadd.s32 $0xFFFFFF00  }
.LBB2_10:
0x59: {  	s4 =	sadd.s32 $0x1, s4  }
0x5a: {  	p0 =	sne.s32 s4, $0x24  }
.Ltmp4:
0x5b: {  	_ = 	snop;
	(pc) =	sbr.rel @!p0 .LBB2_11-.Ltmp4, $1  }
0x5c: {  	_ =	sdelay $0x3  }
.LBB2_4:
0x5d: {  	s22 =	sshll.u32 s4, $0x1  }
0x5e: {  	p0 =	sge.u32 s22, s7  }
.Ltmp5:
0x5f: {  	_ = 	snop;
	(pc) =	sbr.rel @p0 .LBB2_10-.Ltmp5, $1  }
0x60: {  	_ =	sdelay $0x3  }
0x61: {  	p0 =	seq.s32 s4, $0x0  }
0x62: {  	s2 =	simm.s32 @p0 $0x80;
	s9 =	simm.s32 @p0 $0x2400;
	s11 =	simm.s32 @p0 $0x2600  }
0x63: {  	[tilespmem:s11], [sflag:$0x1] =	stream.indirect.gather @p0 [hbm4b:s1+s2], $0x80, s9, s2, $0xb8;
	[tilespmem:$0x1E600] =	vst v63  }
0x64: {  	s2 =	simm.s32 @!p0 $0x5  }
0x65: {  	_ =	swait.ge @!p0 [sflag:s2], $0x100  }
0x66: {  	[sflag:s2] =	ssyncset.done @!p0 $0x0  }
0x67: {  	[sflag:s2] =	ssyncadd.s32 @!p0 $0xFFFFFF00;
	s2 =	simm.s32 @!p0 $0x3  }
0x68: {  	_ =	swait.ge @!p0 [sflag:s2], $0x4000  }
0x69: {  	s9 =	simm.s32 @!p0 $0x2400;
	[sflag:s2] =	ssyncset.done @!p0 $0x0  }
0x6a: {  	s11 =	simm.s32 @!p0 $0x2600;
	[sflag:s2] =	ssyncadd.s32 @!p0 $0xFFFFC000;
	s2 =	simm.s32 @!p0 $0x80  }
0x6b: {  	[tilespmem:s11], [sflag:$0x1] =	stream.indirect.gather @!p0 [hbm4b:s1+s2], $0x80, s9, s2, $0xb8;
	[tilespmem:$0x1E600] =	vst v63  }
0x6c: {  	s2 =	simm.s32 @!p0 $0x4  }
0x6d: {  	_ =	swait.ge @!p0 [sflag:s2], $0x4000  }
0x6e: {  	[sflag:s2] =	ssyncset.done @!p0 $0x0  }
0x6f: {  	s9 =	simm.s32 $0x0;
	[sflag:s2] =	ssyncadd.s32 @!p0 $0xFFFFC000  }
0x70: {  	v1 =	vmov s9;
	[tilespmem:s26], [sflag:$0x2] =	stream.indirect.gather [hbm4b:s1+s24], $0x80, s25, s24, $0xb8;
	[tilespmem:$0x1E600] =	vst v63  }
0x71: {  	v1 =	vand.u32 $0xFFFFFFFC, v1;
	_ =	swait.ge [sflag:s28], $0x4000  }
0x72: {  	v1 =	vbroadcast v1, $0x0;
	[sflag:s28] =	ssyncset.done $0x0  }
0x73: {  	s2 =	simm.s32 @!p0 $0x6;
	[sflag:s28] =	ssyncadd.s32 $0xFFFFC000  }
0x74: {  	_ =	swait.ge @!p0 [sflag:s2], $0x100  }
0x75: {  	[sflag:s2] =	ssyncset.done @!p0 $0x0  }
0x76: {  	[sflag:s2] =	ssyncadd.s32 @!p0 $0xFFFFFF00;
	s2 =	simm.s32 $0x2700  }
0x77: {  	v2 =	vld [tilespmem:s2+$0xFFFFFF70]  }
0x78: {  	v1 =	vld.idx.msk [tilespmem:v1+s23+$0x0], $0xffff  }
0x79: {  	v3 =	vld [tilespmem:s2+$0xFFFFFF00]  }
0x7a: {  	v4 =	vld [tilespmem:s2+$0xFFFFFF20]  }
0x7b: {  	v5 =	vld [tilespmem:s2+$0xFFFFFF50]  }
0x7c: {  	v6 =	vld [tilespmem:s2+$0xFFFFFF40]  }
0x7d: {  	v7 =	vld [tilespmem:s2+$0xFFFFFF60];
	v2 =	vmul.f32 v2, v1  }
0x7e: {  	s15 =	simm.s32 $0x1;
	v8 =	vld [tilespmem:s2+$0xFFFFFF30];
	v3 =	vmul.f32 v3, v1  }
0x7f: {  	v9 =	vld [tilespmem:s2+$0xFFFFFF10];
	v4 =	vmul.f32 v4, v1;
	[tilespmem:s2+$0xFFFFFF70] =	vst v2;
	v2 =	vmov s15  }
0x80: {  	v5 =	vmul.f32 v5, v1;
	[tilespmem:s2+$0xFFFFFF00] =	vst v3;
	v2 =	vand.u32 $0xFFFFFFFD, v2  }
0x81: {  	v3 =	vmul.f32 v6, v1;
	[tilespmem:s2+$0xFFFFFF20] =	vst v4;
	v2 =	vbroadcast v2, $0x0  }
0x82: {  	v4 =	vmul.f32 v7, v1;
	[tilespmem:s2+$0xFFFFFF50] =	vst v5  }
0x83: {  	v5 =	vmul.f32 v8, v1;
	[tilespmem:s2+$0xFFFFFF40] =	vst v3  }
0x84: {  	v1 =	vmul.f32 v9, v1;
	[tilespmem:s2+$0xFFFFFF60] =	vst v4  }
0x85: {  	[tilespmem:s2+$0xFFFFFF30] =	vst v5  }
0x86: {  	[tilespmem:s2+$0xFFFFFF10] =	vst v1;
	v1 =	vld [tilespmem:s2+$0xFFFFFF90]  }
0x87: {  	v3 =	vld.idx.msk [tilespmem:v2+s23+$0x0], $0xffff  }
0x88: {  	v2 =	vld [tilespmem:s2+$0xFFFFFFA0]  }
0x89: {  	v4 =	vld [tilespmem:s2+$0xFFFFFF80]  }
0x8a: {  	v5 =	vld [tilespmem:s2+$0xFFFFFFB0]  }
0x8b: {  	v6 =	vld [tilespmem:s2+$0xFFFFFFC0]  }
0x8c: {  	v7 =	vld [tilespmem:s2+$0xFFFFFFD0];
	v1 =	vmul.f32 v1, v3  }
0x8d: {  	s16 =	simm.s32 $0x2;
	v8 =	vld [tilespmem:s2+$0xFFFFFFF0];
	v2 =	vmul.f32 v2, v3  }
0x8e: {  	v63 =	vld [tilespmem:s2+$0xFFFFFFE0];
	v4 =	vmul.f32 v4, v3;
	[tilespmem:s2+$0xFFFFFF90] =	vst v1;
	v1 =	vmov s16  }
0x8f: {  	v5 =	vmul.f32 v5, v3;
	[tilespmem:s2+$0xFFFFFFA0] =	vst v2;
	v1 =	vand.u32 $0xFFFFFFFE, v1  }
0x90: {  	v2 =	vmul.f32 v6, v3;
	[tilespmem:s2+$0xFFFFFF80] =	vst v4;
	v6 =	vld [tilespmem:s2+$0x60];
	v10 =	vbroadcast v1, $0x0  }
0x91: {  	v4 =	vmul.f32 v7, v3;
	[tilespmem:s2+$0xFFFFFFB0] =	vst v5;
	v7 =	vld [tilespmem:s2+$0x0]  }
0x92: {  	v5 =	vmul.f32 v8, v3;
	v1 =	vld [tilespmem:s2+$0x20];
	[tilespmem:s2+$0xFFFFFFC0] =	vst v2  }
0x93: {  	v3 =	vmul.f32 v63, v3;
	v2 =	vld [tilespmem:s2+$0x30];
	[tilespmem:s2+$0xFFFFFFD0] =	vst v4  }
0x94: {  	[tilespmem:s2+$0xFFFFFFF0] =	vst v5;
	v4 =	vld [tilespmem:s2+$0x40]  }
0x95: {  	[tilespmem:s2+$0xFFFFFFE0] =	vst v3;
	v5 =	vld [tilespmem:s2+$0x10]  }
0x96: {  	s12 =	simm.s32 $0x2700;
	s11 =	simm.s32 $0x4;
	v3 =	vld.idx.msk [tilespmem:v10+s23+$0x0], $0xffff  }
.LBB2_6:
0x97: {  	p0 =	slt.u32 s11, $0x7C  }
0x98: {  	v8 =	vld [tilespmem:s2+$0x50];
	s12 =	sadd.s32 $0x200, s12;
	s14 =	smov.u32 s11;
	s11 =	sadd.s32 $0x4, s11  }
0x99: {  	v9 =	vld [tilespmem:s2+$0x70];
	_ =	sdelay $0x1  }
0x9a: {  	v6 =	vmul.f32 v6, v3;
	v7 =	vmul.f32 v7, v3  }
0x9b: {  	v4 =	vmul.f32 v4, v3;
	v5 =	vmul.f32 v5, v3  }
0x9c: {  	v1 =	vmul.f32 v1, v3;
	v2 =	vmul.f32 v2, v3;
	[tilespmem:s2+$0x60] =	vst v6  }
0x9d: {  	[tilespmem:s2+$0x40] =	vst v4;
	v4 =	vmul.f32 v8, v3;
	v3 =	vmul.f32 v9, v3  }
0x9e: {  	s15 =	sadd.s32 $0x3, s9;
	s9 =	smov.u32 s14;
	[tilespmem:s2+$0x20] =	vst v1;
	v6 =	vld [tilespmem:s2+$0x80]  }
0x9f: {  	v1 =	vld [tilespmem:s12+$0x20];
	[tilespmem:s2+$0x0] =	vst v7;
	v7 =	vmov s15  }
0xa0: {  	[tilespmem:s2+$0x50] =	vst v4;
	v4 =	vld [tilespmem:s2+$0xE0]  }
0xa1: {  	[tilespmem:s2+$0x30] =	vst v2;
	v8 =	vld [tilespmem:s2+$0xC0]  }
0xa2: {  	v2 =	vld [tilespmem:s12+$0x30];
	[tilespmem:s2+$0x10] =	vst v5  }
0xa3: {  	[tilespmem:s2+$0x70] =	vst v3;
	v3 =	vld [tilespmem:s2+$0xA0]  }
0xa4: {  	v5 =	vld.idx.msk [tilespmem:v7+s23+$0x0], $0xffff  }
0xa5: {  	v7 =	vld [tilespmem:s2+$0x90]  }
0xa6: {  	v9 =	vld [tilespmem:s2+$0xB0]  }
0xa7: {  	v10 =	vld [tilespmem:s2+$0xD0]  }
0xa8: {  	v11 =	vld [tilespmem:s2+$0xF0];
	_ =	sdelay $0x1  }
0xa9: {  	v6 =	vmul.f32 v6, v5;
	v7 =	vmul.f32 v7, v5  }
0xaa: {  	v3 =	vmul.f32 v3, v5;
	v9 =	vmul.f32 v9, v5  }
0xab: {  	v12 =	vmov s9;
	[tilespmem:s2+$0x80] =	vst v6;
	v6 =	vmul.f32 v8, v5;
	v8 =	vmul.f32 v10, v5  }
0xac: {  	v10 =	vand.u32 $0xFFFFFFFC, v12;
	[tilespmem:s2+$0xA0] =	vst v3;
	v3 =	vmul.f32 v4, v5;
	v4 =	vmul.f32 v11, v5  }
0xad: {  	v5 =	vbroadcast v10, $0x0;
	[tilespmem:s2+$0xC0] =	vst v6  }
0xae: {  	[tilespmem:s2+$0xF0] =	vst v4  }
0xaf: {  	v4 =	vld [tilespmem:s12+$0xFFFFFF40];
	[tilespmem:s2+$0xE0] =	vst v3  }
0xb0: {  	v3 =	vld [tilespmem:s12+$0xFFFFFF50];
	[tilespmem:s2+$0x90] =	vst v7  }
0xb1: {  	v6 =	vld [tilespmem:s12+$0xFFFFFF60];
	[tilespmem:s2+$0xB0] =	vst v9  }
0xb2: {  	v7 =	vld [tilespmem:s12+$0xFFFFFF70];
	[tilespmem:s2+$0xD0] =	vst v8;
	s2 =	smov.u32 s12  }
0xb3: {  	v5 =	vld.idx.msk [tilespmem:v5+s23+$0x0], $0xffff  }
0xb4: {  	v8 =	vld [tilespmem:s12+$0xFFFFFF00]  }
0xb5: {  	v9 =	vld [tilespmem:s12+$0xFFFFFF20]  }
0xb6: {  	v10 =	vld [tilespmem:s12+$0xFFFFFF10]  }
0xb7: {  	v11 =	vld [tilespmem:s12+$0xFFFFFF30];
	_ =	sdelay $0x1  }
0xb8: {  	v7 =	vmul.f32 v7, v5;
	v8 =	vmul.f32 v8, v5  }
0xb9: {  	s14 =	sadd.s32 $0x1, s9;
	v6 =	vmul.f32 v6, v5;
	v9 =	vmul.f32 v9, v5  }
0xba: {  	v3 =	vmul.f32 v3, v5;
	v10 =	vmul.f32 v10, v5;
	[tilespmem:s12+$0xFFFFFF70] =	vst v7;
	v7 =	vmov s14  }
0xbb: {  	v4 =	vmul.f32 v4, v5;
	[tilespmem:s12+$0xFFFFFF00] =	vst v8;
	v8 =	vmul.f32 v11, v5;
	v5 =	vand.u32 $0xFFFFFFFD, v7  }
0xbc: {  	[tilespmem:s12+$0xFFFFFF20] =	vst v9;
	v5 =	vbroadcast v5, $0x0  }
0xbd: {  	[tilespmem:s12+$0xFFFFFF50] =	vst v3  }
0xbe: {  	[tilespmem:s12+$0xFFFFFF40] =	vst v4;
	v3 =	vld [tilespmem:s12+$0xFFFFFFF0]  }
0xbf: {  	[tilespmem:s12+$0xFFFFFF60] =	vst v6;
	v4 =	vld [tilespmem:s12+$0xFFFFFFC0]  }
0xc0: {  	[tilespmem:s12+$0xFFFFFF30] =	vst v8;
	v6 =	vld [tilespmem:s12+$0xFFFFFFD0]  }
0xc1: {  	[tilespmem:s12+$0xFFFFFF10] =	vst v10;
	v7 =	vld [tilespmem:s12+$0xFFFFFF90]  }
0xc2: {  	v5 =	vld.idx.msk [tilespmem:v5+s23+$0x0], $0xffff  }
0xc3: {  	v8 =	vld [tilespmem:s12+$0xFFFFFF80]  }
0xc4: {  	v9 =	vld [tilespmem:s12+$0xFFFFFFA0]  }
0xc5: {  	v10 =	vld [tilespmem:s12+$0xFFFFFFB0]  }
0xc6: {  	v11 =	vld [tilespmem:s12+$0xFFFFFFE0];
	_ =	sdelay $0x1  }
0xc7: {  	v7 =	vmul.f32 v7, v5;
	v8 =	vmul.f32 v8, v5  }
0xc8: {  	s14 =	sadd.s32 $0x2, s9;
	v6 =	vmul.f32 v6, v5;
	v9 =	vmul.f32 v9, v5  }
0xc9: {  	v4 =	vmul.f32 v4, v5;
	[tilespmem:s12+$0xFFFFFF90] =	vst v7;
	v7 =	vmul.f32 v10, v5;
	v10 =	vmov s14  }
0xca: {  	v3 =	vmul.f32 v3, v5;
	[tilespmem:s12+$0xFFFFFFA0] =	vst v9;
	v9 =	vmul.f32 v11, v5;
	v5 =	vand.u32 $0xFFFFFFFE, v10  }
0xcb: {  	[tilespmem:s12+$0xFFFFFF80] =	vst v8;
	v5 =	vbroadcast v5, $0x0  }
0xcc: {  	[tilespmem:s12+$0xFFFFFFB0] =	vst v7  }
0xcd: {  	[tilespmem:s12+$0xFFFFFFC0] =	vst v4  }
0xce: {  	[tilespmem:s12+$0xFFFFFFD0] =	vst v6  }
.Ltmp6:
0xcf: {  	[tilespmem:s12+$0xFFFFFFF0] =	vst v3;
	v4 =	vld [tilespmem:s12+$0x40];
	(pc) =	sbr.rel @p0 .LBB2_6-.Ltmp6, $4  }
0xd0: {  	[tilespmem:s12+$0xFFFFFFE0] =	vst v9;
	v6 =	vld [tilespmem:s12+$0x60]  }
0xd1: {  	v3 =	vld.idx.msk [tilespmem:v5+s23+$0x0], $0xffff  }
0xd2: {  	v7 =	vld [tilespmem:s12+$0x0]  }
0xd3: {  	v5 =	vld [tilespmem:s12+$0x10]  }
0xd4: {  	_ =	sdelay $0x1  }
0xd5: {  	v6 =	vmul.f32 v6, v3  }
0xd6: {  	v8 =	vld [tilespmem:s2+$0x50];
	v4 =	vmul.f32 v4, v3  }
0xd7: {  	v9 =	vld [tilespmem:s2+$0x70];
	v1 =	vmul.f32 v1, v3;
	[tilespmem:s2+$0x60] =	vst v6  }
0xd8: {  	v6 =	vmul.f32 v7, v3;
	[tilespmem:s2+$0x40] =	vst v4  }
0xd9: {  	s9 =	sadd.s32 $0x3, s9;
	[tilespmem:s2+$0x20] =	vst v1;
	v1 =	vmul.f32 v2, v3  }
0xda: {  	v5 =	vmul.f32 v5, v3;
	[tilespmem:s2+$0x0] =	vst v6;
	v6 =	vmov s9  }
0xdb: {  	v4 =	vmul.f32 v8, v3;
	[tilespmem:s2+$0x30] =	vst v1  }
0xdc: {  	v3 =	vmul.f32 v9, v3;
	[tilespmem:s2+$0x10] =	vst v5  }
0xdd: {  	[tilespmem:s2+$0x50] =	vst v4  }
0xde: {  	v2 =	vld [tilespmem:s2+$0x80];
	[tilespmem:s2+$0x70] =	vst v3  }
0xdf: {  	v1 =	vld.idx.msk [tilespmem:v6+s23+$0x0], $0xffff  }
0xe0: {  	v3 =	vld [tilespmem:s2+$0xA0]  }
0xe1: {  	v4 =	vld [tilespmem:s2+$0xC0]  }
0xe2: {  	v5 =	vld [tilespmem:s2+$0xF0]  }
0xe3: {  	v6 =	vld [tilespmem:s2+$0xE0]  }
0xe4: {  	v7 =	vld [tilespmem:s2+$0x90];
	v2 =	vmul.f32 v2, v1  }
0xe5: {  	v8 =	vld [tilespmem:s2+$0xB0];
	v3 =	vmul.f32 v3, v1  }
0xe6: {  	v61 =	vld [tilespmem:s2+$0xD0];
	[tilespmem:s2+$0x80] =	vst v2;
	v2 =	vmul.f32 v4, v1  }
0xe7: {  	[tilespmem:s2+$0xA0] =	vst v3;
	v3 =	vmul.f32 v5, v1  }
0xe8: {  	v4 =	vmul.f32 v6, v1;
	[tilespmem:s2+$0xC0] =	vst v2  }
0xe9: {  	v2 =	vmul.f32 v7, v1;
	[tilespmem:s2+$0xF0] =	vst v3  }
0xea: {  	v3 =	vmul.f32 v8, v1;
	[tilespmem:s2+$0xE0] =	vst v4  }
0xeb: {  	v1 =	vmul.f32 v61, v1;
	[tilespmem:s2+$0x90] =	vst v2  }
0xec: {  	s11 =	sshll.u32 s4, $0x8;
	[tilespmem:s2+$0xB0] =	vst v3  }
0xed: {  	s12 =	simm.s32 $0x80;
	[tilespmem:s2+$0xD0] =	vst v1;
	s2 =	sand.u32 $0x3FFFFF00, s11;
	s11 =	sadd.s32 s8, s22  }
0xee: {  	v1 =	vmov s12;
	[spmem:s3] =	stream.indirect.scatter.add.f32 [tilespmem:s21], [sflag:$0x3], $0x80, s2, s24, $0xb8;
	[tilespmem:$0x1E600] =	vst v63  }
0xef: {  	s14 =	sshll.u32 s11, $0x7;
	v1 =	vand.u32 $0xFFFFFFFC, v1  }
0xf0: {  	p0 =	sge.u32 s22, s13;
	_ =	swait.ge [sflag:s29], $0x4000;
	s9 =	sadd.s32 $0x100, s14;
	v1 =	vbroadcast v1, $0x0  }
0xf1: {  	s12 =	simm.s32 @!p0 $0x2400;
	[sflag:s29] =	ssyncset.done $0x0;
	s22 =	sshrl.u32 @!p0 s9, $0x3  }
0xf2: {  	s11 =	simm.s32 @!p0 $0x0;
	[sflag:s29] =	ssyncadd.s32 $0xFFFFC000;
	s9 =	sadd.s32 @!p0 s5, s22  }
0xf3: {  	[tilespmem:s12], [sflag:$0x5] =	stream.linear.gather @!p0 [hbm4b:s9+s11], $0x100, $0x38;
	[tilespmem:$0x1E600] =	vst v63  }
0xf4: {  	s9 =	simm.s32 $0x6700  }
0xf5: {  	v2 =	vld [tilespmem:s9+$0xFFFFFF70]  }
0xf6: {  	v1 =	vld.idx.msk [tilespmem:v1+s23+$0x0], $0xffff  }
0xf7: {  	v3 =	vld [tilespmem:s9+$0xFFFFFF00]  }
0xf8: {  	v4 =	vld [tilespmem:s9+$0xFFFFFF20]  }
0xf9: {  	v5 =	vld [tilespmem:s9+$0xFFFFFF50]  }
0xfa: {  	v6 =	vld [tilespmem:s9+$0xFFFFFF40]  }
0xfb: {  	v7 =	vld [tilespmem:s9+$0xFFFFFF60];
	v2 =	vmul.f32 v2, v1  }
0xfc: {  	s15 =	simm.s32 $0x81;
	v8 =	vld [tilespmem:s9+$0xFFFFFF30];
	v3 =	vmul.f32 v3, v1  }
0xfd: {  	v62 =	vld [tilespmem:s9+$0xFFFFFF10];
	v4 =	vmul.f32 v4, v1;
	[tilespmem:s9+$0xFFFFFF70] =	vst v2;
	v2 =	vmov s15  }
0xfe: {  	v5 =	vmul.f32 v5, v1;
	[tilespmem:s9+$0xFFFFFF00] =	vst v3;
	v2 =	vand.u32 $0xFFFFFFFD, v2  }
0xff: {  	v3 =	vmul.f32 v6, v1;
	[tilespmem:s9+$0xFFFFFF20] =	vst v4;
	v2 =	vbroadcast v2, $0x0  }
0x100: {  	v4 =	vmul.f32 v7, v1;
	[tilespmem:s9+$0xFFFFFF50] =	vst v5  }
0x101: {  	v5 =	vmul.f32 v8, v1;
	[tilespmem:s9+$0xFFFFFF40] =	vst v3  }
0x102: {  	v1 =	vmul.f32 v62, v1;
	[tilespmem:s9+$0xFFFFFF60] =	vst v4  }
0x103: {  	[tilespmem:s9+$0xFFFFFF30] =	vst v5  }
0x104: {  	[tilespmem:s9+$0xFFFFFF10] =	vst v1;
	v1 =	vld [tilespmem:s9+$0xFFFFFF90]  }
0x105: {  	v3 =	vld.idx.msk [tilespmem:v2+s23+$0x0], $0xffff  }
0x106: {  	v2 =	vld [tilespmem:s9+$0xFFFFFFA0]  }
0x107: {  	v4 =	vld [tilespmem:s9+$0xFFFFFF80]  }
0x108: {  	v5 =	vld [tilespmem:s9+$0xFFFFFFB0]  }
0x109: {  	v6 =	vld [tilespmem:s9+$0xFFFFFFC0]  }
0x10a: {  	v7 =	vld [tilespmem:s9+$0xFFFFFFD0];
	v1 =	vmul.f32 v1, v3  }
0x10b: {  	s16 =	simm.s32 $0x82;
	v8 =	vld [tilespmem:s9+$0xFFFFFFF0];
	v2 =	vmul.f32 v2, v3  }
0x10c: {  	v63 =	vld [tilespmem:s9+$0xFFFFFFE0];
	v4 =	vmul.f32 v4, v3;
	[tilespmem:s9+$0xFFFFFF90] =	vst v1;
	v1 =	vmov s16  }
0x10d: {  	v5 =	vmul.f32 v5, v3;
	[tilespmem:s9+$0xFFFFFFA0] =	vst v2;
	v1 =	vand.u32 $0xFFFFFFFE, v1  }
0x10e: {  	v2 =	vmul.f32 v6, v3;
	[tilespmem:s9+$0xFFFFFF80] =	vst v4;
	v10 =	vbroadcast v1, $0x0  }
0x10f: {  	v4 =	vmul.f32 v7, v3;
	[tilespmem:s9+$0xFFFFFFB0] =	vst v5;
	v6 =	vld [tilespmem:s9+$0x60]  }
0x110: {  	v5 =	vmul.f32 v8, v3;
	v7 =	vld [tilespmem:s9+$0x0];
	[tilespmem:s9+$0xFFFFFFC0] =	vst v2  }
0x111: {  	v3 =	vmul.f32 v63, v3;
	v1 =	vld [tilespmem:s9+$0x20];
	[tilespmem:s9+$0xFFFFFFD0] =	vst v4  }
0x112: {  	v2 =	vld [tilespmem:s9+$0x30];
	[tilespmem:s9+$0xFFFFFFF0] =	vst v5  }
0x113: {  	v4 =	vld [tilespmem:s9+$0x40];
	[tilespmem:s9+$0xFFFFFFE0] =	vst v3  }
0x114: {  	v3 =	vld.idx.msk [tilespmem:v10+s23+$0x0], $0xffff  }
0x115: {  	s14 =	simm.s32 $0x6700;
	s11 =	simm.s32 $0xFFFFFFFC;
	s12 =	simm.s32 $0x0;
	v5 =	vld [tilespmem:s9+$0x10]  }
.LBB2_8:
0x116: {  	v8 =	vld [tilespmem:s9+$0x50];
	s14 =	sadd.s32 $0x200, s14;
	s15 =	smov.u32 s12;
	s12 =	sadd.s32 $0x4, s12  }
0x117: {  	p1 =	slt.u32 s12, $0x7C;
	v9 =	vld [tilespmem:s9+$0x70];
	_ =	sdelay $0x1  }
0x118: {  	v6 =	vmul.f32 v6, v3;
	v7 =	vmul.f32 v7, v3  }
0x119: {  	v4 =	vmul.f32 v4, v3;
	v5 =	vmul.f32 v5, v3  }
0x11a: {  	v1 =	vmul.f32 v1, v3;
	v2 =	vmul.f32 v2, v3;
	[tilespmem:s9+$0x60] =	vst v6  }
0x11b: {  	[tilespmem:s9+$0x40] =	vst v4;
	v4 =	vmul.f32 v8, v3;
	v3 =	vmul.f32 v9, v3  }
0x11c: {  	s16 =	sadd.s32 $0x87, s11;
	s11 =	smov.u32 s15;
	[tilespmem:s9+$0x20] =	vst v1;
	v6 =	vld [tilespmem:s9+$0x80]  }
0x11d: {  	v1 =	vld [tilespmem:s14+$0x20];
	[tilespmem:s9+$0x0] =	vst v7;
	v7 =	vmov s16  }
0x11e: {  	[tilespmem:s9+$0x50] =	vst v4;
	v4 =	vld [tilespmem:s9+$0xE0]  }
0x11f: {  	[tilespmem:s9+$0x30] =	vst v2;
	v8 =	vld [tilespmem:s9+$0xC0]  }
0x120: {  	v2 =	vld [tilespmem:s14+$0x30];
	[tilespmem:s9+$0x10] =	vst v5  }
0x121: {  	[tilespmem:s9+$0x70] =	vst v3;
	v3 =	vld [tilespmem:s9+$0xA0]  }
0x122: {  	v5 =	vld.idx.msk [tilespmem:v7+s23+$0x0], $0xffff  }
0x123: {  	v7 =	vld [tilespmem:s9+$0x90]  }
0x124: {  	v9 =	vld [tilespmem:s9+$0xB0]  }
0x125: {  	v10 =	vld [tilespmem:s9+$0xD0]  }
0x126: {  	v11 =	vld [tilespmem:s9+$0xF0];
	_ =	sdelay $0x1  }
0x127: {  	v6 =	vmul.f32 v6, v5;
	v7 =	vmul.f32 v7, v5  }
0x128: {  	s15 =	sadd.s32 $0x84, s11;
	v3 =	vmul.f32 v3, v5;
	v9 =	vmul.f32 v9, v5  }
0x129: {  	v12 =	vmov s15;
	[tilespmem:s9+$0x80] =	vst v6;
	v6 =	vmul.f32 v8, v5;
	v8 =	vmul.f32 v10, v5  }
0x12a: {  	v10 =	vand.u32 $0xFFFFFFFC, v12;
	[tilespmem:s9+$0xA0] =	vst v3;
	v3 =	vmul.f32 v4, v5;
	v4 =	vmul.f32 v11, v5  }
0x12b: {  	v5 =	vbroadcast v10, $0x0;
	[tilespmem:s9+$0xC0] =	vst v6  }
0x12c: {  	[tilespmem:s9+$0xF0] =	vst v4  }
0x12d: {  	v4 =	vld [tilespmem:s14+$0xFFFFFF40];
	[tilespmem:s9+$0xE0] =	vst v3  }
0x12e: {  	v3 =	vld [tilespmem:s14+$0xFFFFFF50];
	[tilespmem:s9+$0x90] =	vst v7  }
0x12f: {  	v6 =	vld [tilespmem:s14+$0xFFFFFF60];
	[tilespmem:s9+$0xB0] =	vst v9  }
0x130: {  	v7 =	vld [tilespmem:s14+$0xFFFFFF70];
	[tilespmem:s9+$0xD0] =	vst v8;
	s9 =	smov.u32 s14  }
0x131: {  	v5 =	vld.idx.msk [tilespmem:v5+s23+$0x0], $0xffff  }
0x132: {  	v8 =	vld [tilespmem:s14+$0xFFFFFF00]  }
0x133: {  	v9 =	vld [tilespmem:s14+$0xFFFFFF20]  }
0x134: {  	v10 =	vld [tilespmem:s14+$0xFFFFFF10]  }
0x135: {  	v11 =	vld [tilespmem:s14+$0xFFFFFF30];
	_ =	sdelay $0x1  }
0x136: {  	v7 =	vmul.f32 v7, v5;
	v8 =	vmul.f32 v8, v5  }
0x137: {  	s15 =	sadd.s32 $0x85, s11;
	v6 =	vmul.f32 v6, v5;
	v9 =	vmul.f32 v9, v5  }
0x138: {  	v3 =	vmul.f32 v3, v5;
	v10 =	vmul.f32 v10, v5;
	[tilespmem:s14+$0xFFFFFF70] =	vst v7;
	v7 =	vmov s15  }
0x139: {  	v4 =	vmul.f32 v4, v5;
	[tilespmem:s14+$0xFFFFFF00] =	vst v8;
	v8 =	vmul.f32 v11, v5;
	v5 =	vand.u32 $0xFFFFFFFD, v7  }
0x13a: {  	[tilespmem:s14+$0xFFFFFF20] =	vst v9;
	v5 =	vbroadcast v5, $0x0  }
0x13b: {  	[tilespmem:s14+$0xFFFFFF50] =	vst v3  }
0x13c: {  	[tilespmem:s14+$0xFFFFFF40] =	vst v4;
	v3 =	vld [tilespmem:s14+$0xFFFFFFF0]  }
0x13d: {  	[tilespmem:s14+$0xFFFFFF60] =	vst v6;
	v4 =	vld [tilespmem:s14+$0xFFFFFFC0]  }
0x13e: {  	[tilespmem:s14+$0xFFFFFF30] =	vst v8;
	v6 =	vld [tilespmem:s14+$0xFFFFFFD0]  }
0x13f: {  	[tilespmem:s14+$0xFFFFFF10] =	vst v10;
	v7 =	vld [tilespmem:s14+$0xFFFFFF90]  }
0x140: {  	v5 =	vld.idx.msk [tilespmem:v5+s23+$0x0], $0xffff  }
0x141: {  	v8 =	vld [tilespmem:s14+$0xFFFFFF80]  }
0x142: {  	v9 =	vld [tilespmem:s14+$0xFFFFFFA0]  }
0x143: {  	v10 =	vld [tilespmem:s14+$0xFFFFFFB0]  }
0x144: {  	v11 =	vld [tilespmem:s14+$0xFFFFFFE0];
	_ =	sdelay $0x1  }
0x145: {  	v7 =	vmul.f32 v7, v5;
	v8 =	vmul.f32 v8, v5  }
0x146: {  	s15 =	sadd.s32 $0x86, s11;
	v6 =	vmul.f32 v6, v5;
	v9 =	vmul.f32 v9, v5  }
0x147: {  	v4 =	vmul.f32 v4, v5;
	[tilespmem:s14+$0xFFFFFF90] =	vst v7;
	v7 =	vmul.f32 v10, v5;
	v10 =	vmov s15  }
0x148: {  	v3 =	vmul.f32 v3, v5;
	[tilespmem:s14+$0xFFFFFFA0] =	vst v9;
	v9 =	vmul.f32 v11, v5;
	v5 =	vand.u32 $0xFFFFFFFE, v10  }
0x149: {  	[tilespmem:s14+$0xFFFFFF80] =	vst v8;
	v5 =	vbroadcast v5, $0x0  }
0x14a: {  	[tilespmem:s14+$0xFFFFFFB0] =	vst v7  }
0x14b: {  	[tilespmem:s14+$0xFFFFFFC0] =	vst v4  }
0x14c: {  	[tilespmem:s14+$0xFFFFFFD0] =	vst v6  }
.Ltmp7:
0x14d: {  	[tilespmem:s14+$0xFFFFFFF0] =	vst v3;
	v4 =	vld [tilespmem:s14+$0x40];
	(pc) =	sbr.rel @p1 .LBB2_8-.Ltmp7, $4  }
0x14e: {  	[tilespmem:s14+$0xFFFFFFE0] =	vst v9;
	v6 =	vld [tilespmem:s14+$0x60]  }
0x14f: {  	v3 =	vld.idx.msk [tilespmem:v5+s23+$0x0], $0xffff  }
0x150: {  	v7 =	vld [tilespmem:s14+$0x0]  }
0x151: {  	v5 =	vld [tilespmem:s14+$0x10]  }
0x152: {  	_ =	sdelay $0x1  }
0x153: {  	v6 =	vmul.f32 v6, v3  }
0x154: {  	v8 =	vld [tilespmem:s9+$0x50];
	v4 =	vmul.f32 v4, v3  }
0x155: {  	v9 =	vld [tilespmem:s9+$0x70];
	v1 =	vmul.f32 v1, v3;
	[tilespmem:s9+$0x60] =	vst v6  }
0x156: {  	v54 =	vmul.f32 v7, v3;
	[tilespmem:s9+$0x40] =	vst v4  }
0x157: {  	s11 =	sadd.s32 $0x87, s11;
	[tilespmem:s9+$0x20] =	vst v1;
	v1 =	vmul.f32 v2, v3  }
0x158: {  	v56 =	vmov s11;
	v5 =	vmul.f32 v5, v3;
	[tilespmem:s9+$0x0] =	vst v54  }
0x159: {  	v55 =	vmul.f32 v8, v3;
	[tilespmem:s9+$0x30] =	vst v1  }
0x15a: {  	v3 =	vmul.f32 v9, v3;
	[tilespmem:s9+$0x10] =	vst v5  }
0x15b: {  	[tilespmem:s9+$0x50] =	vst v55  }
0x15c: {  	v2 =	vld [tilespmem:s9+$0x80];
	[tilespmem:s9+$0x70] =	vst v3  }
0x15d: {  	v1 =	vld.idx.msk [tilespmem:v56+s23+$0x0], $0xffff  }
0x15e: {  	v3 =	vld [tilespmem:s9+$0xA0]  }
0x15f: {  	v59 =	vld [tilespmem:s9+$0xE0]  }
0x160: {  	v57 =	vld [tilespmem:s9+$0xC0]  }
0x161: {  	v58 =	vld [tilespmem:s9+$0xF0]  }
0x162: {  	v60 =	vld [tilespmem:s9+$0x90];
	v2 =	vmul.f32 v2, v1  }
0x163: {  	v61 =	vld [tilespmem:s9+$0xB0];
	v3 =	vmul.f32 v3, v1  }
0x164: {  	v62 =	vld [tilespmem:s9+$0xD0];
	v63 =	vmul.f32 v59, v1;
	[tilespmem:s9+$0x80] =	vst v2  }
0x165: {  	v2 =	vmul.f32 v57, v1;
	[tilespmem:s9+$0xA0] =	vst v3  }
0x166: {  	v3 =	vmul.f32 v58, v1;
	[tilespmem:s9+$0xE0] =	vst v63  }
0x167: {  	[tilespmem:s9+$0xC0] =	vst v2;
	v2 =	vmul.f32 v60, v1  }
0x168: {  	[tilespmem:s9+$0xF0] =	vst v3;
	v3 =	vmul.f32 v61, v1  }
0x169: {  	v1 =	vmul.f32 v62, v1;
	[tilespmem:s9+$0x90] =	vst v2  }
.Ltmp8:
0x16a: {  	[tilespmem:s9+$0xB0] =	vst v3;
	(pc) =	sbr.rel .LBB2_10-.Ltmp8, $4  }
0x16b: {  	s2 =	sadd.s32 $0x80, s2;
	[tilespmem:s9+$0xD0] =	vst v1  }
0x16c: {  	[spmem:s3] =	stream.indirect.scatter.add.f32 [tilespmem:s26], [sflag:$0x4], $0x80, s2, s24, $0xb8;
	[tilespmem:$0x1E600] =	vst v63  }
0x16d: {  	s11 =	simm.s32 @!p0 $0x2500;
	s9 =	simm.s32 @!p0 $0x0;
	s2 =	sadd.s32 @!p0 s6, s22  }
0x16e: {  	[tilespmem:s11], [sflag:$0x6] =	stream.linear.gather @!p0 [hbm4b:s2+s9], $0x100, $0x38;
	[tilespmem:$0x1E600] =	vst v63  }
.LBB2_12:
0x16f: {  	_ =	sfence.sel $0x180000  }
0x170: {  	[bflag:$0x0] =	sbarrier.arrive $0xFFFF  }
0x171: {  	_ =	strace $0x9000004A  }
0x172: {  	s0 =	stileid.u32;
	[bflag:$0x2] =	sbarrier.arrive $0xFFFF  }
0x173: {  	p0 =	sne.s32 s0, $0x0;
	s0 =	rddreg [dreg:$0x3]  }
0x174: {  	s0 =	sadd.s32 @!p0 $0x100000, s0  }
0x175: {  	[sflag:s0] =	ssyncadd.tile.s32 @!p0 $0x1;
	_ =	shalt  }
.Lfunc_end2:
_tile_overlayer_lowered:
.L_overlay_start_2:
0x176: {  	(tag) =	ssettag $0x2  }
0x177: {  	s0 =	rddreg [dreg:$0x0];
	s2 =	stileid.u32  }
0x178: {  	s1 =	rddreg [dreg:$0x1];
	p0 =	sne.s32 s2, $0x0  }
0x179: {  	s3 =	rddreg [dreg:$0x2];
	[bflag:$0x3] =	sbarrier.arrive $0xFFFF;
	s2 =	simm.s32 @!p0 $0x1C07  }
0x17a: {  	[timem:s3], [sflag:s2] =	dma.local @!p0 [hbm:s0], s1  }
0x17b: {  	s0 =	simm.s32 @!p0 $0x7  }
0x17c: {  	_ =	swait.ge @!p0 [sflag:s0], s1  }
0x17d: {  	s1 =	ssub.s32 @!p0 $0x0, s1;
	[sflag:s0] =	ssyncset.done @!p0 $0x0  }
0x17e: {  	[sflag:s0] =	ssyncadd.s32 @!p0 s1  }
0x17f: {  	[bflag:$0x3] =	sbarrier.arrive $0xFFFF  }
0x180: {  	_ =	shalt  }

// kernel: kernel.7.cloned.1.call-start
scs
__scs_entry_jumppad:
0x0: {  	(pc) =	sbr.rel $0x88, $3  }
0x1: {  	(tag) =	ssettag $0x0;
	lr =	simm.s32 $0x1  }
0x2: {  	[smem:$0x3F9A] =	sst lr;
	_ =	strace $0xD0000000  }
0x3: {  	_ = 	snop  }
0x4: {  	_ = 	snop  }
0x5: {  	_ = 	snop  }
0x6: {  	_ = 	snop  }
0x7: {  	_ = 	snop  }
__scs_overlays_trampoline_lowered:
0x8: {  	[smem:$0x3FA9] =	sst s0  }
0x9: {  	[smem:$0x3FAA] =	sst s1  }
0xa: {  	[smem:$0x3FAB] =	sst s2  }
0xb: {  	[smem:$0x3FAC] =	sst s3  }
0xc: {  	[smem:$0x3FAD] =	sst s4  }
0xd: {  	[smem:$0x3FAE] =	sst s5  }
0xe: {  	[smem:$0x3FAF] =	sst s6  }
0xf: {  	[smem:$0x3FB0] =	sst s7  }
0x10: {  	[smem:$0x3FB1] =	sst s8  }
0x11: {  	[smem:$0x3FB2] =	sst s9;
	s0 =	simm.s32 @!p0 $0x0  }
0x12: {  	s1 =	sld [smem:$0x3F98];
	s0 =	simm.s32 @p0 $0x1  }
0x13: {  	[smem:$0x3FB3] =	sst s0;
	s0 =	simm.s32 @!p1 $0x0  }
0x14: {  	s2 =	sld [smem:$0x3F97];
	s0 =	simm.s32 @p1 $0x1  }
0x15: {  	[smem:$0x3FB4] =	sst s0;
	s0 =	simm.s32 @!p2 $0x0  }
0x16: {  	s3 =	sld [smem:$0x3FDB];
	s0 =	simm.s32 @p2 $0x1  }
0x17: {  	s4 =	simm.s32 $0x1BF5;
	[smem:$0x3FB6] =	sst s0  }
0x18: {  	s0 =	sld [smem:$0x3F99];
	_ =	swait.ge [sflag:s4], $0x0  }
0x19: {  	s7 =	sld [smem:$0x3F9A]  }
0x1a: {  	s8 =	sadd.s32 $0xFFFFE003, lr  }
0x1b: {  	s9 =	sadd.s32 $0xFFFFFEF7, lr;
	s5 =	simm.s32 $0xFFFFFFFF;
	p2 =	slt.u32 s8, $0xFFFFF086  }
0x1c: {  	p1 =	slt.u32 s9, $0xF7A;
	s5 =	simm.s32 @!p2 $0x0  }
0x1d: {  	s5 =	simm.s32 @p1 $0x1;
	p0 =	seq.s32 s7, s2  }
0x1e: {  	s7 =	smul.u32 @!p0 $0xF7A, s2;
	p2 =	seq.s32 @!p0 s5, $0x0  }
0x1f: {  	s9 =	smul.u32 $0xF7A, s1;
	s8 =	simm.s32 @!p0 $0x1BF5;
	p2 =	por !p2, p0  }
0x20: {  	[sflag:s8] =	ssyncset.s32 @!p0 $0xFFFFF086;
	s6 =	sadd.s32 @!p0 s3, s7;
	s7 =	simm.s32 @!p0 $0x108  }
0x21: {  	s3 =	sadd.s32 s3, s9;
	s6 =	sadd.s32 @!p0 $0x88, s6;
	s7 =	simm.s32 @p2 $0x1082  }
0x22: {  	[simem:s7], [sflag:s8] =	dma.local @!p0 [hbm:s6], $0xF7A  }
0x23: {  	s9 =	sor.u32 $0xD0000000, s2;
	s6 =	simm.s32 $0x108;
	_ =	swait.ge @!p0 [sflag:s8], $0x0  }
0x24: {  	s3 =	sadd.s32 $0x88, s3;
	s6 =	simm.s32 @!p1 $0x1082;
	[sflag:s4] =	ssyncset.s32 $0xFFFFF086  }
0x25: {  	[simem:s6], [sflag:s4] =	dma.local [hbm:s3], $0xF7A  }
0x26: {  	[smem:$0x3F9A] =	sst s1;
	(tag) =	ssettag s2;
	_ =	strace s9  }
0x27: {  	s1 =	sld [smem:$0x3FAA]  }
0x28: {  	s2 =	sld [smem:$0x3FAB]  }
0x29: {  	s4 =	sld [smem:$0x3FAD]  }
0x2a: {  	p0 =	seq.s32 s5, $0x0;
	s5 =	sld [smem:$0x3FAE]  }
0x2b: {  	s6 =	sld [smem:$0x3FAF]  }
0x2c: {  	s7 =	sld [smem:$0x3FB0]  }
0x2d: {  	s3 =	simm.s32 $0x108;
	s8 =	sld [smem:$0x3FB1]  }
0x2e: {  	s3 =	simm.s32 @!p0 $0x1082;
	s9 =	sld [smem:$0x3FB2]  }
0x2f: {  	lr =	sadd.s32 s0, s3;
	s0 =	sld [smem:$0x3FA9]  }
0x30: {  	s3 =	sld [smem:$0x3FAC]  }
0x31: {  	[smem:$0x3FB5] =	sst s10  }
0x32: {  	s10 =	sld [smem:$0x3FB3];
	_ =	sdelay $0x3  }
0x33: {  	p0 =	seq.s32 s10, $0x1;
	s10 =	sld [smem:$0x3FB5];
	_ =	sdelay $0x3  }
0x34: {  	[smem:$0x3FB5] =	sst s10  }
0x35: {  	s10 =	sld [smem:$0x3FB4];
	_ =	sdelay $0x3  }
0x36: {  	p1 =	seq.s32 s10, $0x1;
	s10 =	sld [smem:$0x3FB5];
	_ =	sdelay $0x3  }
0x37: {  	[smem:$0x3FB5] =	sst s10  }
0x38: {  	s10 =	sld [smem:$0x3FB6]  }
0x39: {  	_ = 	snop;
	(pc) =	sbr.ind lr, $3  }
0x3a: {  	_ = 	snop  }
0x3b: {  	_ = 	snop  }
0x3c: {  	p2 =	seq.s32 s10, $0x1;
	s10 =	sld [smem:$0x3FB5]  }
0x3d: {  	_ =	shalt  }
0x3e: {  	_ =	shalt  }
0x3f: {  	_ =	shalt  }
0x40: {  	_ =	shalt  }
0x41: {  	_ =	shalt  }
0x42: {  	_ =	shalt  }
0x43: {  	_ =	shalt  }
0x44: {  	_ =	shalt  }
0x45: {  	_ =	shalt  }
0x46: {  	_ =	shalt  }
0x47: {  	_ =	shalt  }
0x48: {  	_ =	shalt  }
0x49: {  	_ =	shalt  }
0x4a: {  	_ =	shalt  }
0x4b: {  	_ =	shalt  }
0x4c: {  	_ =	shalt  }
0x4d: {  	_ =	shalt  }
0x4e: {  	_ =	shalt  }
0x4f: {  	_ =	shalt  }
0x50: {  	_ =	shalt  }
0x51: {  	_ =	shalt  }
0x52: {  	_ =	shalt  }
0x53: {  	_ =	shalt  }
0x54: {  	_ =	shalt  }
0x55: {  	_ =	shalt  }
0x56: {  	_ =	shalt  }
0x57: {  	_ =	shalt  }
0x58: {  	_ =	shalt  }
0x59: {  	_ =	shalt  }
0x5a: {  	_ =	shalt  }
0x5b: {  	_ =	shalt  }
0x5c: {  	_ =	shalt  }
0x5d: {  	_ =	shalt  }
0x5e: {  	_ =	shalt  }
0x5f: {  	_ =	shalt  }
0x60: {  	_ =	shalt  }
0x61: {  	_ =	shalt  }
0x62: {  	_ =	shalt  }
0x63: {  	_ =	shalt  }
0x64: {  	_ =	shalt  }
0x65: {  	_ =	shalt  }
0x66: {  	_ =	shalt  }
0x67: {  	_ =	shalt  }
0x68: {  	_ =	shalt  }
0x69: {  	_ =	shalt  }
0x6a: {  	_ =	shalt  }
0x6b: {  	_ =	shalt  }
0x6c: {  	_ =	shalt  }
0x6d: {  	_ =	shalt  }
0x6e: {  	_ =	shalt  }
0x6f: {  	_ =	shalt  }
0x70: {  	_ =	shalt  }
0x71: {  	_ =	shalt  }
0x72: {  	_ =	shalt  }
0x73: {  	_ =	shalt  }
0x74: {  	_ =	shalt  }
0x75: {  	_ =	shalt  }
0x76: {  	_ =	shalt  }
0x77: {  	_ =	shalt  }
0x78: {  	_ =	shalt  }
0x79: {  	_ =	shalt  }
0x7a: {  	_ =	shalt  }
0x7b: {  	_ =	shalt  }
0x7c: {  	_ =	shalt  }
0x7d: {  	_ =	shalt  }
0x7e: {  	_ =	shalt  }
0x7f: {  	_ =	shalt  }
0x80: {  	_ =	shalt  }
0x81: {  	_ =	shalt  }
0x82: {  	_ =	shalt  }
0x83: {  	_ =	shalt  }
0x84: {  	_ =	shalt  }
0x85: {  	_ =	shalt  }
0x86: {  	_ =	shalt  }
0x87: {  	_ =	shalt  }
.Lfunc_end0:
.L_simem_size_0:
called_computation_lowered:
.L_overlay_start_0:
0x88: {  	s2 =	sld [smem:$0x3FD9]  }
0x89: {  	s3 =	sld [smem:$0x3FFE];
	_ =	sdelay $0x1  }
0x8a: {  	s1 =	srdreg.scid  }
0x8b: {  	s0 =	sand.u32 $0x1, s1  }
0x8c: {  	s17 =	sshll.u32 s0, $0xA;
	s2 =	sadd.s32 s3, s2  }
0x8d: {  	s2 =	sadd.s32 s2, s17  }
0x8e: {  	[smem:$0x3FC1] =	sst s2  }
0x8f: {  	_ = 	snop  }
0x90: {  	s2 =	sld [smem:$0x3FD0];
	(tm) =	ssettm $0x1  }
0x91: {  	s18 =	sld [smem:$0x3FFB];
	_ =	sdelay $0x3  }
0x92: {  	_ =	strace s18  }
0x93: {  	s3 =	sld [smem:$0x3FFC];
	_ =	sdelay $0x3  }
0x94: {  	_ =	strace s3  }
0x95: {  	s3 =	sld [smem:$0x3FFD];
	_ =	sdelay $0x3  }
0x96: {  	_ =	strace s3  }
0x97: {  	_ =	strace $0x8FFFFFFF  }
0x98: {  	s19 =	sld [smem:$0x3FDB];
	_ =	sdelay $0x1  }
0x99: {  	s4 =	simm.s32 $_scs_section_size  }
0x9a: {  	s5 =	simm.s32 $_size__tile_overlayer_lowered;
	s6 =	simm.s32 $_tile_overlayer_lowered  }
0x9b: {  	s22 =	simm.s32 $0x1BFF;
	s21 =	sshll.u32 s6, $0x1;
	s3 =	sadd.s32 s4, s19  }
0x9c: {  	s7 =	simm.s32 $0x0;
	s20 =	sshll.u32 s5, $0x1;
	s5 =	sadd.s32 s21, s3  }
0x9d: {  	[timem:s7], [sflag:s22] =	dma.local [hbm:s5], s20  }
0x9e: {  	_ =	swait.ge [sflag:s22], s20  }
0x9f: {  	s4 =	ssub.s32 $0x0, s20;
	[sflag:s22] =	ssyncset.done $0x0  }
0xa0: {  	[sflag:s22] =	ssyncadd.s32 s4;
	_ =	sdelay $0x1  }
0xa1: {  	s23 =	simm.s32 $0x1B8B  }
0xa2: {  	_ =	swait.ge [sflag:s23], $0x1  }
0xa3: {  	[sflag:s23] =	ssyncset.done $0x0  }
0xa4: {  	s25 =	simm.s32 $0x1B8E;
	s24 =	sld [smem:$0x3FFE];
	[sflag:s23] =	ssyncadd.s32 $0xFFFFFFFF  }
0xa5: {  	s26 =	simm.s32 $execute0_lowered;
	[smem:$0x3FD2] =	sst s25  }
0xa6: {  	s5 =	sshll.u32 s26, $0x1;
	_ =	strace $0x80000046;
	[dreg:$0x1] =	wrdreg $0xFFFFFFFF  }
0xa7: {  	s28 =	simm.s32 $_size_execute0_lowered;
	s3 =	sadd.s32 s3, s5;
	[dreg:$0x0] =	wrdreg $0x0  }
0xa8: {  	s5 =	sshll.u32 s28, $0x1;
	[dreg:$0x2] =	wrdreg s3  }
0xa9: {  	[dreg:$0x3] =	wrdreg s5  }
0xaa: {  	[dreg:$0x4] =	wrdreg $0xC0  }
0xab: {  	_ =	task [dreg:s7], $0x5FFFF  }
0xac: {  	[dreg:$0x1] =	wrdreg $0xFFFFFFFF  }
0xad: {  	[dreg:$0x0] =	wrdreg $0x60  }
0xae: {  	[dreg:$0x2] =	wrdreg s2  }
0xaf: {  	[dreg:$0x3] =	wrdreg s24  }
0xb0: {  	[dreg:$0x4] =	wrdreg $0xA6000  }
0xb1: {  	[dreg:$0x5] =	wrdreg $0x9  }
0xb2: {  	_ =	task.clear_ibuf [dreg:s7], $0x6FFFF;
	_ =	strace $0x90000046  }
0xb3: {  	s29 =	simm.s32 $0x9;
	_ =	strace $0x80000048  }
0xb4: {  	_ =	swait.ge [sflag:s29], $0x1  }
0xb5: {  	[sflag:s29] =	ssyncadd.s32 $0xFFFFFFFF  }
0xb6: {  	_ =	strace $0x90000048  }
0xb7: {  	_ =	sfence  }
0xb8: {  	s30 =	sld [smem:$0x0];
	_ =	sdelay $0x2  }
0xb9: {  	s31 =	sshll.u32 s1, $0xD;
	s1 =	sshrl.u32 s1, $0x2  }
0xba: {  	s3 =	sand.u32 $0x4000, s31;
	s1 =	sadd.s32 s1, s30  }
0xbb: {  	s0 =	sor.u32 s3, s0;
	s1 =	sshll.u32 s1, $0x11  }
0xbc: {  	s0 =	sor.u32 s1, s0  }
0xbd: {  	s0 =	sadd.s32 $0x8F2B, s0  }
0xbe: {  	[sflag:s0] =	ssyncadd.remote.s32 $0x1  }
0xbf: {  	_ =	sfence.sel $0xFFFF  }
0xc0: {  	[dreg:$0x0] =	wrdreg $0xFFFFFFFF;
	(pc) =	sbr.abs _section_cstart, $3  }
0xc1: {  	[dreg:$0x1] =	wrdreg $0xFFFFFFFF  }
0xc2: {  	_ =	task.clear_ibuf [dreg:s7], $0x2FFFF;
	_ =	strace $0x9FFFFFFF  }
0xc3: {  	(tm) =	ssettm $0x7FFFFFFF  }
tec
execute0_lowered:
.L_overlay_start_1:
0x0: {  	(tag) =	ssettag $0x1  }
0x1: {  	s1 =	rddreg [dreg:$0x0]  }
0x2: {  	s0 =	rddreg [dreg:$0x1]  }
0x3: {  	s3 =	rddreg [dreg:$0x2];
	s2 =	srdreg.scid  }
0x4: {  	s11 =	stileid.u32;
	s5 =	simm.s32 $0x0;
	s20 =	simm.s32 $0x7  }
0x5: {  	s28 =	simm.s32 $0x1;
	s29 =	simm.s32 $0x2;
	s30 =	simm.s32 $0x3  }
0x6: {  	s31 =	simm.s32 $0x4;
	s2 =	sand.u32 $0x1, s2;
	s7 =	smul.u32 $0x14000, s11  }
0x7: {  	[smem:$0x7FF] =	sst s5;
	s5 =	sadd.s32 $0xB200, s0;
	s4 =	sshll.u32 s2, $0x4  }
0x8: {  	s6 =	smul.u32 $0x140000, s2;
	_ =	strace $0x80000047;
	s8 =	ssub.s32 $0x2, s2  }
0x9: {  	p0 =	seq.s32 s2, $0x0;
	s4 =	sor.u32 s11, s4;
	s11 =	smul.u32 $0x50000, s11  }
0xa: {  	s12 =	sshrl.u32 s8, $0x1;
	s9 =	smul.u32 $0x480, s4;
	s7 =	sadd.s32 s7, s6  }
0xb: {  	s6 =	sadd.s32 $0x2200, s0;
	s21 =	ssub.s32 s8, s12;
	s8 =	smul.u32 $0x48, s4  }
0xc: {  	s7 =	sshrl.u32 s7, $0x3;
	s11 =	sshrl.u32 s11, $0x2;
	s25 =	smax.u32 s21, $0x1  }
0xd: {  	s21 =	simm.s32 $0x2600;
	s10 =	sadd.s32 s9, s0;
	s0 =	sadd.s32 s7, s0  }
0xe: {  	s7 =	simm.s32 $0x48;
	s23 =	sadd.s32 s5, s9;
	s24 =	sadd.s32 s6, s9  }
0xf: {  	[dreg:$0x8] =	wrdreg s25;
	s25 =	simm.s32 $0x2480;
	s7 =	simm.s32 @!p0 $0x8  }
0x10: {  	s22 =	sadd.s32 $0x14200, s10;
	s10 =	sadd.s32 s11, s3;
	[dreg:$0x5] =	wrdreg s23  }
.Ltmp0:
0x11: {  	[dreg:$0x6] =	wrdreg s24;
	s0 =	sadd.s32 $0x1D200, s0;
	(pc) =	sbr.rel .LBB2_1-.Ltmp0, $4  }
0x12: {  	s23 =	simm.s32 $0x2500;
	s24 =	simm.s32 $0x80;
	[dreg:$0x4] =	wrdreg s22  }
0x13: {  	s13 =	sadd.s32 $0xFFFFFFFE, s7;
	[dreg:$0x7] =	wrdreg s0;
	s26 =	sadd.s32 $0x4000, s10  }
0x14: {  	s17 =	sadd.s32 $0x8000, s10;
	s18 =	sadd.s32 $0xC000, s10;
	s19 =	sadd.s32 $0x10000, s10  }
0x15: {  	v0 =	vimm.f32 $0.0e+00;
	s0 =	simm.s32 $0x0;
	[dreg:$0x9] =	wrdreg s26;
	s26 =	simm.s32 $0x6600  }
.LBB2_11:
0x16: {  	_ =	swait.ge [sflag:s30], $0x4000  }
0x17: {  	[sflag:s30] =	ssyncset.done $0x0  }
0x18: {  	[sflag:s30] =	ssyncadd.s32 $0xFFFFC000  }
0x19: {  	_ =	swait.ge [sflag:s31], $0x4000  }
0x1a: {  	[sflag:s31] =	ssyncset.done $0x0  }
0x1b: {  	s2 =	stileid.u32;
	[sflag:s31] =	ssyncadd.s32 $0xFFFFC000  }
0x1c: {  	s2 =	sshll.u32 s2, $0x6;
	[bflag:$0x0] =	sbarrier.arrive $0xFFFF  }
0x1d: {  	s4 =	sshrl.u32 s10, $0x3;
	s2 =	sor.u32 $0x1C07, s2;
	s9 =	rddreg [dreg:$0x7]  }
0x1e: {  	[hbm:s9], [sflag:s2] =	dma.local [spmem:s4], $0x2800  }
0x1f: {  	_ =	swait.ge [sflag:s20], $0x2800  }
0x20: {  	s0 =	sadd.s32 $0x1, s0;
	s22 =	rddreg [dreg:$0x8]  }
0x21: {  	p0 =	sne.s32 s0, s22  }
.Ltmp1:
0x22: {  	_ = 	snop;
	(pc) =	sbr.rel @!p0 .LBB2_12-.Ltmp1, $3  }
0x23: {  	_ =	sdelay $0x1  }
0x24: {  	[sflag:s20] =	ssyncset.done $0x0  }
0x25: {  	[sflag:s20] =	ssyncadd.s32 $0xFFFFD800  }
.LBB2_1:
0x26: {  	s2 =	simm.s32 $0x0;
	s4 =	rddreg [dreg:$0x4]  }
0x27: {  	[tilespmem:s2], [sflag:$0x7] =	stream.linear.gather [hbm4b:s4+s2], $0x2400, $0x38;
	[tilespmem:$0x1E600] =	vst v63  }
0x28: {  	_ =	swait.ge [sflag:s20], $0x2400  }
0x29: {  	[sflag:s20] =	ssyncset.done $0x0  }
0x2a: {  	s2 =	simm.s32 $0x0;
	s4 =	simm.s32 $0x200;
	[sflag:s20] =	ssyncadd.s32 $0xFFFFDC00  }
.LBB2_2:
0x2b: {  	p0 =	sne.s32 s4, $0xFE00;
	[tilespmem:s2+$0x2670] =	vst v0  }
0x2c: {  	[tilespmem:s2+$0x2600] =	vst v0  }
0x2d: {  	[tilespmem:s2+$0x2610] =	vst v0  }
.Ltmp2:
0x2e: {  	[tilespmem:s2+$0x2620] =	vst v0;
	(pc) =	sbr.rel @p0 .LBB2_2-.Ltmp2, $4  }
0x2f: {  	[tilespmem:s2+$0x2630] =	vst v0  }
0x30: {  	[tilespmem:s2+$0x2640] =	vst v0  }
0x31: {  	[tilespmem:s2+$0x2650] =	vst v0  }
0x32: {  	[tilespmem:s2+$0x2660] =	vst v0;
	s2 =	sshra.s32 s4, $0x2;
	s4 =	sadd.s32 $0x200, s4  }
0x33: {  	[tilespmem:s2+$0x2670] =	vst v0  }
0x34: {  	[tilespmem:s2+$0x2600] =	vst v0  }
0x35: {  	[tilespmem:s2+$0x2610] =	vst v0  }
0x36: {  	[tilespmem:s2+$0x2620] =	vst v0  }
0x37: {  	[tilespmem:s2+$0x2630] =	vst v0  }
0x38: {  	[tilespmem:s2+$0x2640] =	vst v0  }
0x39: {  	[tilespmem:s2+$0x2650] =	vst v0  }
0x3a: {  	[tilespmem:s2+$0x2660] =	vst v0  }
0x3b: {  	[spmem:s10] =	stream.linear.scatter [tilespmem:s21], [sflag:$0x7], $0x4000, $0x38;
	[tilespmem:$0x1E600] =	vst v63  }
0x3c: {  	_ =	swait.ge [sflag:s20], $0x4000  }
0x3d: {  	[sflag:s20] =	ssyncset.done $0x0  }
0x3e: {  	s15 =	rddreg [dreg:$0x9];
	[sflag:s20] =	ssyncadd.s32 $0xFFFFC000  }
0x3f: {  	[spmem:s15] =	stream.linear.scatter [tilespmem:s21], [sflag:$0x7], $0x4000, $0x38;
	[tilespmem:$0x1E600] =	vst v63  }
0x40: {  	_ =	swait.ge [sflag:s20], $0x4000  }
0x41: {  	[sflag:s20] =	ssyncset.done $0x0  }
0x42: {  	[sflag:s20] =	ssyncadd.s32 $0xFFFFC000  }
0x43: {  	[spmem:s17] =	stream.linear.scatter [tilespmem:s21], [sflag:$0x7], $0x4000, $0x38;
	[tilespmem:$0x1E600] =	vst v63  }
0x44: {  	_ =	swait.ge [sflag:s20], $0x4000  }
0x45: {  	[sflag:s20] =	ssyncset.done $0x0  }
0x46: {  	[sflag:s20] =	ssyncadd.s32 $0xFFFFC000  }
0x47: {  	[spmem:s18] =	stream.linear.scatter [tilespmem:s21], [sflag:$0x7], $0x4000, $0x38;
	[tilespmem:$0x1E600] =	vst v63  }
0x48: {  	_ =	swait.ge [sflag:s20], $0x4000  }
0x49: {  	[sflag:s20] =	ssyncset.done $0x0  }
0x4a: {  	[sflag:s20] =	ssyncadd.s32 $0xFFFFC000  }
0x4b: {  	[spmem:s19] =	stream.linear.scatter [tilespmem:s21], [sflag:$0x7], $0x4000, $0x38;
	[tilespmem:$0x1E600] =	vst v63  }
0x4c: {  	_ =	swait.ge [sflag:s20], $0x4000  }
0x4d: {  	[sflag:s20] =	ssyncset.done $0x0  }
0x4e: {  	[sflag:s20] =	ssyncadd.s32 $0xFFFFC000  }
0x4f: {  	[bflag:$0x0] =	sbarrier.arrive $0xFFFF  }
0x50: {  	s4 =	simm.s32 $0x0;
	s9 =	simm.s32 $0x2400;
	s16 =	rddreg [dreg:$0x5]  }
0x51: {  	[tilespmem:s9], [sflag:$0x7] =	stream.linear.gather [hbm4b:s16+s4], $0x100, $0x38;
	[tilespmem:$0x1E600] =	vst v63  }
0x52: {  	_ =	swait.ge [sflag:s20], $0x100  }
0x53: {  	[sflag:s20] =	ssyncset.done $0x0  }
.Ltmp3:
0x54: {  	s22 =	rddreg [dreg:$0x6];
	[sflag:s20] =	ssyncadd.s32 $0xFFFFFF00;
	(pc) =	sbr.rel .LBB2_4-.Ltmp3, $4  }
0x55: {  	[tilespmem:s23], [sflag:$0x7] =	stream.linear.gather [hbm4b:s22+s4], $0x100, $0x38;
	[tilespmem:$0x1E600] =	vst v63  }
0x56: {  	_ =	swait.ge [sflag:s20], $0x100  }
0x57: {  	[sflag:s20] =	ssyncset.done $0x0  }
0x58: {  	[sflag:s20] =	ssyncadd.s32 $0xFFFFFF00  }
.LBB2_10:
0x59: {  	s4 =	sadd.s32 $0x1, s4  }
0x5a: {  	p0 =	sne.s32 s4, $0x24  }
.Ltmp4:
0x5b: {  	_ = 	snop;
	(pc) =	sbr.rel @!p0 .LBB2_11-.Ltmp4, $1  }
0x5c: {  	_ =	sdelay $0x3  }
.LBB2_4:
0x5d: {  	s22 =	sshll.u32 s4, $0x1  }
0x5e: {  	p0 =	sge.u32 s22, s7  }
.Ltmp5:
0x5f: {  	_ = 	snop;
	(pc) =	sbr.rel @p0 .LBB2_10-.Ltmp5, $1  }
0x60: {  	_ =	sdelay $0x3  }
0x61: {  	p0 =	seq.s32 s4, $0x0  }
0x62: {  	s2 =	simm.s32 @p0 $0x80;
	s9 =	simm.s32 @p0 $0x2400;
	s11 =	simm.s32 @p0 $0x2600  }
0x63: {  	[tilespmem:s11], [sflag:$0x1] =	stream.indirect.gather @p0 [hbm4b:s1+s2], $0x80, s9, s2, $0xb8;
	[tilespmem:$0x1E600] =	vst v63  }
0x64: {  	s2 =	simm.s32 @!p0 $0x5  }
0x65: {  	_ =	swait.ge @!p0 [sflag:s2], $0x100  }
0x66: {  	[sflag:s2] =	ssyncset.done @!p0 $0x0  }
0x67: {  	[sflag:s2] =	ssyncadd.s32 @!p0 $0xFFFFFF00;
	s2 =	simm.s32 @!p0 $0x3  }
0x68: {  	_ =	swait.ge @!p0 [sflag:s2], $0x4000  }
0x69: {  	s9 =	simm.s32 @!p0 $0x2400;
	[sflag:s2] =	ssyncset.done @!p0 $0x0  }
0x6a: {  	s11 =	simm.s32 @!p0 $0x2600;
	[sflag:s2] =	ssyncadd.s32 @!p0 $0xFFFFC000;
	s2 =	simm.s32 @!p0 $0x80  }
0x6b: {  	[tilespmem:s11], [sflag:$0x1] =	stream.indirect.gather @!p0 [hbm4b:s1+s2], $0x80, s9, s2, $0xb8;
	[tilespmem:$0x1E600] =	vst v63  }
0x6c: {  	s2 =	simm.s32 @!p0 $0x4  }
0x6d: {  	_ =	swait.ge @!p0 [sflag:s2], $0x4000  }
0x6e: {  	[sflag:s2] =	ssyncset.done @!p0 $0x0  }
0x6f: {  	s9 =	simm.s32 $0x0;
	[sflag:s2] =	ssyncadd.s32 @!p0 $0xFFFFC000  }
0x70: {  	v1 =	vmov s9;
	[tilespmem:s26], [sflag:$0x2] =	stream.indirect.gather [hbm4b:s1+s24], $0x80, s25, s24, $0xb8;
	[tilespmem:$0x1E600] =	vst v63  }
0x71: {  	v1 =	vand.u32 $0xFFFFFFFC, v1;
	_ =	swait.ge [sflag:s28], $0x4000  }
0x72: {  	v1 =	vbroadcast v1, $0x0;
	[sflag:s28] =	ssyncset.done $0x0  }
0x73: {  	s2 =	simm.s32 @!p0 $0x6;
	[sflag:s28] =	ssyncadd.s32 $0xFFFFC000  }
0x74: {  	_ =	swait.ge @!p0 [sflag:s2], $0x100  }
0x75: {  	[sflag:s2] =	ssyncset.done @!p0 $0x0  }
0x76: {  	[sflag:s2] =	ssyncadd.s32 @!p0 $0xFFFFFF00;
	s2 =	simm.s32 $0x2700  }
0x77: {  	v2 =	vld [tilespmem:s2+$0xFFFFFF70]  }
0x78: {  	v1 =	vld.idx.msk [tilespmem:v1+s23+$0x0], $0xffff  }
0x79: {  	v3 =	vld [tilespmem:s2+$0xFFFFFF00]  }
0x7a: {  	v4 =	vld [tilespmem:s2+$0xFFFFFF20]  }
0x7b: {  	v5 =	vld [tilespmem:s2+$0xFFFFFF50]  }
0x7c: {  	v6 =	vld [tilespmem:s2+$0xFFFFFF40]  }
0x7d: {  	v7 =	vld [tilespmem:s2+$0xFFFFFF60];
	v2 =	vmul.f32 v2, v1  }
0x7e: {  	s15 =	simm.s32 $0x1;
	v8 =	vld [tilespmem:s2+$0xFFFFFF30];
	v3 =	vmul.f32 v3, v1  }
0x7f: {  	v9 =	vld [tilespmem:s2+$0xFFFFFF10];
	v4 =	vmul.f32 v4, v1;
	[tilespmem:s2+$0xFFFFFF70] =	vst v2;
	v2 =	vmov s15  }
0x80: {  	v5 =	vmul.f32 v5, v1;
	[tilespmem:s2+$0xFFFFFF00] =	vst v3;
	v2 =	vand.u32 $0xFFFFFFFD, v2  }
0x81: {  	v3 =	vmul.f32 v6, v1;
	[tilespmem:s2+$0xFFFFFF20] =	vst v4;
	v2 =	vbroadcast v2, $0x0  }
0x82: {  	v4 =	vmul.f32 v7, v1;
	[tilespmem:s2+$0xFFFFFF50] =	vst v5  }
0x83: {  	v5 =	vmul.f32 v8, v1;
	[tilespmem:s2+$0xFFFFFF40] =	vst v3  }
0x84: {  	v1 =	vmul.f32 v9, v1;
	[tilespmem:s2+$0xFFFFFF60] =	vst v4  }
0x85: {  	[tilespmem:s2+$0xFFFFFF30] =	vst v5  }
0x86: {  	[tilespmem:s2+$0xFFFFFF10] =	vst v1;
	v1 =	vld [tilespmem:s2+$0xFFFFFF90]  }
0x87: {  	v3 =	vld.idx.msk [tilespmem:v2+s23+$0x0], $0xffff  }
0x88: {  	v2 =	vld [tilespmem:s2+$0xFFFFFFA0]  }
0x89: {  	v4 =	vld [tilespmem:s2+$0xFFFFFF80]  }
0x8a: {  	v5 =	vld [tilespmem:s2+$0xFFFFFFB0]  }
0x8b: {  	v6 =	vld [tilespmem:s2+$0xFFFFFFC0]  }
0x8c: {  	v7 =	vld [tilespmem:s2+$0xFFFFFFD0];
	v1 =	vmul.f32 v1, v3  }
0x8d: {  	s16 =	simm.s32 $0x2;
	v8 =	vld [tilespmem:s2+$0xFFFFFFF0];
	v2 =	vmul.f32 v2, v3  }
0x8e: {  	v63 =	vld [tilespmem:s2+$0xFFFFFFE0];
	v4 =	vmul.f32 v4, v3;
	[tilespmem:s2+$0xFFFFFF90] =	vst v1;
	v1 =	vmov s16  }
0x8f: {  	v5 =	vmul.f32 v5, v3;
	[tilespmem:s2+$0xFFFFFFA0] =	vst v2;
	v1 =	vand.u32 $0xFFFFFFFE, v1  }
0x90: {  	v2 =	vmul.f32 v6, v3;
	[tilespmem:s2+$0xFFFFFF80] =	vst v4;
	v6 =	vld [tilespmem:s2+$0x60];
	v10 =	vbroadcast v1, $0x0  }
0x91: {  	v4 =	vmul.f32 v7, v3;
	[tilespmem:s2+$0xFFFFFFB0] =	vst v5;
	v7 =	vld [tilespmem:s2+$0x0]  }
0x92: {  	v5 =	vmul.f32 v8, v3;
	v1 =	vld [tilespmem:s2+$0x20];
	[tilespmem:s2+$0xFFFFFFC0] =	vst v2  }
0x93: {  	v3 =	vmul.f32 v63, v3;
	v2 =	vld [tilespmem:s2+$0x30];
	[tilespmem:s2+$0xFFFFFFD0] =	vst v4  }
0x94: {  	[tilespmem:s2+$0xFFFFFFF0] =	vst v5;
	v4 =	vld [tilespmem:s2+$0x40]  }
0x95: {  	[tilespmem:s2+$0xFFFFFFE0] =	vst v3;
	v5 =	vld [tilespmem:s2+$0x10]  }
0x96: {  	s12 =	simm.s32 $0x2700;
	s11 =	simm.s32 $0x4;
	v3 =	vld.idx.msk [tilespmem:v10+s23+$0x0], $0xffff  }
.LBB2_6:
0x97: {  	p0 =	slt.u32 s11, $0x7C  }
0x98: {  	v8 =	vld [tilespmem:s2+$0x50];
	s12 =	sadd.s32 $0x200, s12;
	s14 =	smov.u32 s11;
	s11 =	sadd.s32 $0x4, s11  }
0x99: {  	v9 =	vld [tilespmem:s2+$0x70];
	_ =	sdelay $0x1  }
0x9a: {  	v6 =	vmul.f32 v6, v3;
	v7 =	vmul.f32 v7, v3  }
0x9b: {  	v4 =	vmul.f32 v4, v3;
	v5 =	vmul.f32 v5, v3  }
0x9c: {  	v1 =	vmul.f32 v1, v3;
	v2 =	vmul.f32 v2, v3;
	[tilespmem:s2+$0x60] =	vst v6  }
0x9d: {  	[tilespmem:s2+$0x40] =	vst v4;
	v4 =	vmul.f32 v8, v3;
	v3 =	vmul.f32 v9, v3  }
0x9e: {  	s15 =	sadd.s32 $0x3, s9;
	s9 =	smov.u32 s14;
	[tilespmem:s2+$0x20] =	vst v1;
	v6 =	vld [tilespmem:s2+$0x80]  }
0x9f: {  	v1 =	vld [tilespmem:s12+$0x20];
	[tilespmem:s2+$0x0] =	vst v7;
	v7 =	vmov s15  }
0xa0: {  	[tilespmem:s2+$0x50] =	vst v4;
	v4 =	vld [tilespmem:s2+$0xE0]  }
0xa1: {  	[tilespmem:s2+$0x30] =	vst v2;
	v8 =	vld [tilespmem:s2+$0xC0]  }
0xa2: {  	v2 =	vld [tilespmem:s12+$0x30];
	[tilespmem:s2+$0x10] =	vst v5  }
0xa3: {  	[tilespmem:s2+$0x70] =	vst v3;
	v3 =	vld [tilespmem:s2+$0xA0]  }
0xa4: {  	v5 =	vld.idx.msk [tilespmem:v7+s23+$0x0], $0xffff  }
0xa5: {  	v7 =	vld [tilespmem:s2+$0x90]  }
0xa6: {  	v9 =	vld [tilespmem:s2+$0xB0]  }
0xa7: {  	v10 =	vld [tilespmem:s2+$0xD0]  }
0xa8: {  	v11 =	vld [tilespmem:s2+$0xF0];
	_ =	sdelay $0x1  }
0xa9: {  	v6 =	vmul.f32 v6, v5;
	v7 =	vmul.f32 v7, v5  }
0xaa: {  	v3 =	vmul.f32 v3, v5;
	v9 =	vmul.f32 v9, v5  }
0xab: {  	v12 =	vmov s9;
	[tilespmem:s2+$0x80] =	vst v6;
	v6 =	vmul.f32 v8, v5;
	v8 =	vmul.f32 v10, v5  }
0xac: {  	v10 =	vand.u32 $0xFFFFFFFC, v12;
	[tilespmem:s2+$0xA0] =	vst v3;
	v3 =	vmul.f32 v4, v5;
	v4 =	vmul.f32 v11, v5  }
0xad: {  	v5 =	vbroadcast v10, $0x0;
	[tilespmem:s2+$0xC0] =	vst v6  }
0xae: {  	[tilespmem:s2+$0xF0] =	vst v4  }
0xaf: {  	v4 =	vld [tilespmem:s12+$0xFFFFFF40];
	[tilespmem:s2+$0xE0] =	vst v3  }
0xb0: {  	v3 =	vld [tilespmem:s12+$0xFFFFFF50];
	[tilespmem:s2+$0x90] =	vst v7  }
0xb1: {  	v6 =	vld [tilespmem:s12+$0xFFFFFF60];
	[tilespmem:s2+$0xB0] =	vst v9  }
0xb2: {  	v7 =	vld [tilespmem:s12+$0xFFFFFF70];
	[tilespmem:s2+$0xD0] =	vst v8;
	s2 =	smov.u32 s12  }
0xb3: {  	v5 =	vld.idx.msk [tilespmem:v5+s23+$0x0], $0xffff  }
0xb4: {  	v8 =	vld [tilespmem:s12+$0xFFFFFF00]  }
0xb5: {  	v9 =	vld [tilespmem:s12+$0xFFFFFF20]  }
0xb6: {  	v10 =	vld [tilespmem:s12+$0xFFFFFF10]  }
0xb7: {  	v11 =	vld [tilespmem:s12+$0xFFFFFF30];
	_ =	sdelay $0x1  }
0xb8: {  	v7 =	vmul.f32 v7, v5;
	v8 =	vmul.f32 v8, v5  }
0xb9: {  	s14 =	sadd.s32 $0x1, s9;
	v6 =	vmul.f32 v6, v5;
	v9 =	vmul.f32 v9, v5  }
0xba: {  	v3 =	vmul.f32 v3, v5;
	v10 =	vmul.f32 v10, v5;
	[tilespmem:s12+$0xFFFFFF70] =	vst v7;
	v7 =	vmov s14  }
0xbb: {  	v4 =	vmul.f32 v4, v5;
	[tilespmem:s12+$0xFFFFFF00] =	vst v8;
	v8 =	vmul.f32 v11, v5;
	v5 =	vand.u32 $0xFFFFFFFD, v7  }
0xbc: {  	[tilespmem:s12+$0xFFFFFF20] =	vst v9;
	v5 =	vbroadcast v5, $0x0  }
0xbd: {  	[tilespmem:s12+$0xFFFFFF50] =	vst v3  }
0xbe: {  	[tilespmem:s12+$0xFFFFFF40] =	vst v4;
	v3 =	vld [tilespmem:s12+$0xFFFFFFF0]  }
0xbf: {  	[tilespmem:s12+$0xFFFFFF60] =	vst v6;
	v4 =	vld [tilespmem:s12+$0xFFFFFFC0]  }
0xc0: {  	[tilespmem:s12+$0xFFFFFF30] =	vst v8;
	v6 =	vld [tilespmem:s12+$0xFFFFFFD0]  }
0xc1: {  	[tilespmem:s12+$0xFFFFFF10] =	vst v10;
	v7 =	vld [tilespmem:s12+$0xFFFFFF90]  }
0xc2: {  	v5 =	vld.idx.msk [tilespmem:v5+s23+$0x0], $0xffff  }
0xc3: {  	v8 =	vld [tilespmem:s12+$0xFFFFFF80]  }
0xc4: {  	v9 =	vld [tilespmem:s12+$0xFFFFFFA0]  }
0xc5: {  	v10 =	vld [tilespmem:s12+$0xFFFFFFB0]  }
0xc6: {  	v11 =	vld [tilespmem:s12+$0xFFFFFFE0];
	_ =	sdelay $0x1  }
0xc7: {  	v7 =	vmul.f32 v7, v5;
	v8 =	vmul.f32 v8, v5  }
0xc8: {  	s14 =	sadd.s32 $0x2, s9;
	v6 =	vmul.f32 v6, v5;
	v9 =	vmul.f32 v9, v5  }
0xc9: {  	v4 =	vmul.f32 v4, v5;
	[tilespmem:s12+$0xFFFFFF90] =	vst v7;
	v7 =	vmul.f32 v10, v5;
	v10 =	vmov s14  }
0xca: {  	v3 =	vmul.f32 v3, v5;
	[tilespmem:s12+$0xFFFFFFA0] =	vst v9;
	v9 =	vmul.f32 v11, v5;
	v5 =	vand.u32 $0xFFFFFFFE, v10  }
0xcb: {  	[tilespmem:s12+$0xFFFFFF80] =	vst v8;
	v5 =	vbroadcast v5, $0x0  }
0xcc: {  	[tilespmem:s12+$0xFFFFFFB0] =	vst v7  }
0xcd: {  	[tilespmem:s12+$0xFFFFFFC0] =	vst v4  }
0xce: {  	[tilespmem:s12+$0xFFFFFFD0] =	vst v6  }
.Ltmp6:
0xcf: {  	[tilespmem:s12+$0xFFFFFFF0] =	vst v3;
	v4 =	vld [tilespmem:s12+$0x40];
	(pc) =	sbr.rel @p0 .LBB2_6-.Ltmp6, $4  }
0xd0: {  	[tilespmem:s12+$0xFFFFFFE0] =	vst v9;
	v6 =	vld [tilespmem:s12+$0x60]  }
0xd1: {  	v3 =	vld.idx.msk [tilespmem:v5+s23+$0x0], $0xffff  }
0xd2: {  	v7 =	vld [tilespmem:s12+$0x0]  }
0xd3: {  	v5 =	vld [tilespmem:s12+$0x10]  }
0xd4: {  	_ =	sdelay $0x1  }
0xd5: {  	v6 =	vmul.f32 v6, v3  }
0xd6: {  	v8 =	vld [tilespmem:s2+$0x50];
	v4 =	vmul.f32 v4, v3  }
0xd7: {  	v9 =	vld [tilespmem:s2+$0x70];
	v1 =	vmul.f32 v1, v3;
	[tilespmem:s2+$0x60] =	vst v6  }
0xd8: {  	v6 =	vmul.f32 v7, v3;
	[tilespmem:s2+$0x40] =	vst v4  }
0xd9: {  	s9 =	sadd.s32 $0x3, s9;
	[tilespmem:s2+$0x20] =	vst v1;
	v1 =	vmul.f32 v2, v3  }
0xda: {  	v5 =	vmul.f32 v5, v3;
	[tilespmem:s2+$0x0] =	vst v6;
	v6 =	vmov s9  }
0xdb: {  	v4 =	vmul.f32 v8, v3;
	[tilespmem:s2+$0x30] =	vst v1  }
0xdc: {  	v3 =	vmul.f32 v9, v3;
	[tilespmem:s2+$0x10] =	vst v5  }
0xdd: {  	[tilespmem:s2+$0x50] =	vst v4  }
0xde: {  	v2 =	vld [tilespmem:s2+$0x80];
	[tilespmem:s2+$0x70] =	vst v3  }
0xdf: {  	v1 =	vld.idx.msk [tilespmem:v6+s23+$0x0], $0xffff  }
0xe0: {  	v3 =	vld [tilespmem:s2+$0xA0]  }
0xe1: {  	v4 =	vld [tilespmem:s2+$0xC0]  }
0xe2: {  	v5 =	vld [tilespmem:s2+$0xF0]  }
0xe3: {  	v6 =	vld [tilespmem:s2+$0xE0]  }
0xe4: {  	v7 =	vld [tilespmem:s2+$0x90];
	v2 =	vmul.f32 v2, v1  }
0xe5: {  	v8 =	vld [tilespmem:s2+$0xB0];
	v3 =	vmul.f32 v3, v1  }
0xe6: {  	v61 =	vld [tilespmem:s2+$0xD0];
	[tilespmem:s2+$0x80] =	vst v2;
	v2 =	vmul.f32 v4, v1  }
0xe7: {  	[tilespmem:s2+$0xA0] =	vst v3;
	v3 =	vmul.f32 v5, v1  }
0xe8: {  	v4 =	vmul.f32 v6, v1;
	[tilespmem:s2+$0xC0] =	vst v2  }
0xe9: {  	v2 =	vmul.f32 v7, v1;
	[tilespmem:s2+$0xF0] =	vst v3  }
0xea: {  	v3 =	vmul.f32 v8, v1;
	[tilespmem:s2+$0xE0] =	vst v4  }
0xeb: {  	v1 =	vmul.f32 v61, v1;
	[tilespmem:s2+$0x90] =	vst v2  }
0xec: {  	s11 =	sshll.u32 s4, $0x8;
	[tilespmem:s2+$0xB0] =	vst v3  }
0xed: {  	s12 =	simm.s32 $0x80;
	[tilespmem:s2+$0xD0] =	vst v1;
	s2 =	sand.u32 $0x3FFFFF00, s11;
	s11 =	sadd.s32 s8, s22  }
0xee: {  	v1 =	vmov s12;
	[spmem:s3] =	stream.indirect.scatter.add.f32 [tilespmem:s21], [sflag:$0x3], $0x80, s2, s24, $0xb8;
	[tilespmem:$0x1E600] =	vst v63  }
0xef: {  	s14 =	sshll.u32 s11, $0x7;
	v1 =	vand.u32 $0xFFFFFFFC, v1  }
0xf0: {  	p0 =	sge.u32 s22, s13;
	_ =	swait.ge [sflag:s29], $0x4000;
	s9 =	sadd.s32 $0x100, s14;
	v1 =	vbroadcast v1, $0x0  }
0xf1: {  	s12 =	simm.s32 @!p0 $0x2400;
	[sflag:s29] =	ssyncset.done $0x0;
	s22 =	sshrl.u32 @!p0 s9, $0x3  }
0xf2: {  	s11 =	simm.s32 @!p0 $0x0;
	[sflag:s29] =	ssyncadd.s32 $0xFFFFC000;
	s9 =	sadd.s32 @!p0 s5, s22  }
0xf3: {  	[tilespmem:s12], [sflag:$0x5] =	stream.linear.gather @!p0 [hbm4b:s9+s11], $0x100, $0x38;
	[tilespmem:$0x1E600] =	vst v63  }
0xf4: {  	s9 =	simm.s32 $0x6700  }
0xf5: {  	v2 =	vld [tilespmem:s9+$0xFFFFFF70]  }
0xf6: {  	v1 =	vld.idx.msk [tilespmem:v1+s23+$0x0], $0xffff  }
0xf7: {  	v3 =	vld [tilespmem:s9+$0xFFFFFF00]  }
0xf8: {  	v4 =	vld [tilespmem:s9+$0xFFFFFF20]  }
0xf9: {  	v5 =	vld [tilespmem:s9+$0xFFFFFF50]  }
0xfa: {  	v6 =	vld [tilespmem:s9+$0xFFFFFF40]  }
0xfb: {  	v7 =	vld [tilespmem:s9+$0xFFFFFF60];
	v2 =	vmul.f32 v2, v1  }
0xfc: {  	s15 =	simm.s32 $0x81;
	v8 =	vld [tilespmem:s9+$0xFFFFFF30];
	v3 =	vmul.f32 v3, v1  }
0xfd: {  	v62 =	vld [tilespmem:s9+$0xFFFFFF10];
	v4 =	vmul.f32 v4, v1;
	[tilespmem:s9+$0xFFFFFF70] =	vst v2;
	v2 =	vmov s15  }
0xfe: {  	v5 =	vmul.f32 v5, v1;
	[tilespmem:s9+$0xFFFFFF00] =	vst v3;
	v2 =	vand.u32 $0xFFFFFFFD, v2  }
0xff: {  	v3 =	vmul.f32 v6, v1;
	[tilespmem:s9+$0xFFFFFF20] =	vst v4;
	v2 =	vbroadcast v2, $0x0  }
0x100: {  	v4 =	vmul.f32 v7, v1;
	[tilespmem:s9+$0xFFFFFF50] =	vst v5  }
0x101: {  	v5 =	vmul.f32 v8, v1;
	[tilespmem:s9+$0xFFFFFF40] =	vst v3  }
0x102: {  	v1 =	vmul.f32 v62, v1;
	[tilespmem:s9+$0xFFFFFF60] =	vst v4  }
0x103: {  	[tilespmem:s9+$0xFFFFFF30] =	vst v5  }
0x104: {  	[tilespmem:s9+$0xFFFFFF10] =	vst v1;
	v1 =	vld [tilespmem:s9+$0xFFFFFF90]  }
0x105: {  	v3 =	vld.idx.msk [tilespmem:v2+s23+$0x0], $0xffff  }
0x106: {  	v2 =	vld [tilespmem:s9+$0xFFFFFFA0]  }
0x107: {  	v4 =	vld [tilespmem:s9+$0xFFFFFF80]  }
0x108: {  	v5 =	vld [tilespmem:s9+$0xFFFFFFB0]  }
0x109: {  	v6 =	vld [tilespmem:s9+$0xFFFFFFC0]  }
0x10a: {  	v7 =	vld [tilespmem:s9+$0xFFFFFFD0];
	v1 =	vmul.f32 v1, v3  }
0x10b: {  	s16 =	simm.s32 $0x82;
	v8 =	vld [tilespmem:s9+$0xFFFFFFF0];
	v2 =	vmul.f32 v2, v3  }
0x10c: {  	v63 =	vld [tilespmem:s9+$0xFFFFFFE0];
	v4 =	vmul.f32 v4, v3;
	[tilespmem:s9+$0xFFFFFF90] =	vst v1;
	v1 =	vmov s16  }
0x10d: {  	v5 =	vmul.f32 v5, v3;
	[tilespmem:s9+$0xFFFFFFA0] =	vst v2;
	v1 =	vand.u32 $0xFFFFFFFE, v1  }
0x10e: {  	v2 =	vmul.f32 v6, v3;
	[tilespmem:s9+$0xFFFFFF80] =	vst v4;
	v10 =	vbroadcast v1, $0x0  }
0x10f: {  	v4 =	vmul.f32 v7, v3;
	[tilespmem:s9+$0xFFFFFFB0] =	vst v5;
	v6 =	vld [tilespmem:s9+$0x60]  }
0x110: {  	v5 =	vmul.f32 v8, v3;
	v7 =	vld [tilespmem:s9+$0x0];
	[tilespmem:s9+$0xFFFFFFC0] =	vst v2  }
0x111: {  	v3 =	vmul.f32 v63, v3;
	v1 =	vld [tilespmem:s9+$0x20];
	[tilespmem:s9+$0xFFFFFFD0] =	vst v4  }
0x112: {  	v2 =	vld [tilespmem:s9+$0x30];
	[tilespmem:s9+$0xFFFFFFF0] =	vst v5  }
0x113: {  	v4 =	vld [tilespmem:s9+$0x40];
	[tilespmem:s9+$0xFFFFFFE0] =	vst v3  }
0x114: {  	v3 =	vld.idx.msk [tilespmem:v10+s23+$0x0], $0xffff  }
0x115: {  	s14 =	simm.s32 $0x6700;
	s11 =	simm.s32 $0xFFFFFFFC;
	s12 =	simm.s32 $0x0;
	v5 =	vld [tilespmem:s9+$0x10]  }
.LBB2_8:
0x116: {  	v8 =	vld [tilespmem:s9+$0x50];
	s14 =	sadd.s32 $0x200, s14;
	s15 =	smov.u32 s12;
	s12 =	sadd.s32 $0x4, s12  }
0x117: {  	p1 =	slt.u32 s12, $0x7C;
	v9 =	vld [tilespmem:s9+$0x70];
	_ =	sdelay $0x1  }
0x118: {  	v6 =	vmul.f32 v6, v3;
	v7 =	vmul.f32 v7, v3  }
0x119: {  	v4 =	vmul.f32 v4, v3;
	v5 =	vmul.f32 v5, v3  }
0x11a: {  	v1 =	vmul.f32 v1, v3;
	v2 =	vmul.f32 v2, v3;
	[tilespmem:s9+$0x60] =	vst v6  }
0x11b: {  	[tilespmem:s9+$0x40] =	vst v4;
	v4 =	vmul.f32 v8, v3;
	v3 =	vmul.f32 v9, v3  }
0x11c: {  	s16 =	sadd.s32 $0x87, s11;
	s11 =	smov.u32 s15;
	[tilespmem:s9+$0x20] =	vst v1;
	v6 =	vld [tilespmem:s9+$0x80]  }
0x11d: {  	v1 =	vld [tilespmem:s14+$0x20];
	[tilespmem:s9+$0x0] =	vst v7;
	v7 =	vmov s16  }
0x11e: {  	[tilespmem:s9+$0x50] =	vst v4;
	v4 =	vld [tilespmem:s9+$0xE0]  }
0x11f: {  	[tilespmem:s9+$0x30] =	vst v2;
	v8 =	vld [tilespmem:s9+$0xC0]  }
0x120: {  	v2 =	vld [tilespmem:s14+$0x30];
	[tilespmem:s9+$0x10] =	vst v5  }
0x121: {  	[tilespmem:s9+$0x70] =	vst v3;
	v3 =	vld [tilespmem:s9+$0xA0]  }
0x122: {  	v5 =	vld.idx.msk [tilespmem:v7+s23+$0x0], $0xffff  }
0x123: {  	v7 =	vld [tilespmem:s9+$0x90]  }
0x124: {  	v9 =	vld [tilespmem:s9+$0xB0]  }
0x125: {  	v10 =	vld [tilespmem:s9+$0xD0]  }
0x126: {  	v11 =	vld [tilespmem:s9+$0xF0];
	_ =	sdelay $0x1  }
0x127: {  	v6 =	vmul.f32 v6, v5;
	v7 =	vmul.f32 v7, v5  }
0x128: {  	s15 =	sadd.s32 $0x84, s11;
	v3 =	vmul.f32 v3, v5;
	v9 =	vmul.f32 v9, v5  }
0x129: {  	v12 =	vmov s15;
	[tilespmem:s9+$0x80] =	vst v6;
	v6 =	vmul.f32 v8, v5;
	v8 =	vmul.f32 v10, v5  }
0x12a: {  	v10 =	vand.u32 $0xFFFFFFFC, v12;
	[tilespmem:s9+$0xA0] =	vst v3;
	v3 =	vmul.f32 v4, v5;
	v4 =	vmul.f32 v11, v5  }
0x12b: {  	v5 =	vbroadcast v10, $0x0;
	[tilespmem:s9+$0xC0] =	vst v6  }
0x12c: {  	[tilespmem:s9+$0xF0] =	vst v4  }
0x12d: {  	v4 =	vld [tilespmem:s14+$0xFFFFFF40];
	[tilespmem:s9+$0xE0] =	vst v3  }
0x12e: {  	v3 =	vld [tilespmem:s14+$0xFFFFFF50];
	[tilespmem:s9+$0x90] =	vst v7  }
0x12f: {  	v6 =	vld [tilespmem:s14+$0xFFFFFF60];
	[tilespmem:s9+$0xB0] =	vst v9  }
0x130: {  	v7 =	vld [tilespmem:s14+$0xFFFFFF70];
	[tilespmem:s9+$0xD0] =	vst v8;
	s9 =	smov.u32 s14  }
0x131: {  	v5 =	vld.idx.msk [tilespmem:v5+s23+$0x0], $0xffff  }
0x132: {  	v8 =	vld [tilespmem:s14+$0xFFFFFF00]  }
0x133: {  	v9 =	vld [tilespmem:s14+$0xFFFFFF20]  }
0x134: {  	v10 =	vld [tilespmem:s14+$0xFFFFFF10]  }
0x135: {  	v11 =	vld [tilespmem:s14+$0xFFFFFF30];
	_ =	sdelay $0x1  }
0x136: {  	v7 =	vmul.f32 v7, v5;
	v8 =	vmul.f32 v8, v5  }
0x137: {  	s15 =	sadd.s32 $0x85, s11;
	v6 =	vmul.f32 v6, v5;
	v9 =	vmul.f32 v9, v5  }
0x138: {  	v3 =	vmul.f32 v3, v5;
	v10 =	vmul.f32 v10, v5;
	[tilespmem:s14+$0xFFFFFF70] =	vst v7;
	v7 =	vmov s15  }
0x139: {  	v4 =	vmul.f32 v4, v5;
	[tilespmem:s14+$0xFFFFFF00] =	vst v8;
	v8 =	vmul.f32 v11, v5;
	v5 =	vand.u32 $0xFFFFFFFD, v7  }
0x13a: {  	[tilespmem:s14+$0xFFFFFF20] =	vst v9;
	v5 =	vbroadcast v5, $0x0  }
0x13b: {  	[tilespmem:s14+$0xFFFFFF50] =	vst v3  }
0x13c: {  	[tilespmem:s14+$0xFFFFFF40] =	vst v4;
	v3 =	vld [tilespmem:s14+$0xFFFFFFF0]  }
0x13d: {  	[tilespmem:s14+$0xFFFFFF60] =	vst v6;
	v4 =	vld [tilespmem:s14+$0xFFFFFFC0]  }
0x13e: {  	[tilespmem:s14+$0xFFFFFF30] =	vst v8;
	v6 =	vld [tilespmem:s14+$0xFFFFFFD0]  }
0x13f: {  	[tilespmem:s14+$0xFFFFFF10] =	vst v10;
	v7 =	vld [tilespmem:s14+$0xFFFFFF90]  }
0x140: {  	v5 =	vld.idx.msk [tilespmem:v5+s23+$0x0], $0xffff  }
0x141: {  	v8 =	vld [tilespmem:s14+$0xFFFFFF80]  }
0x142: {  	v9 =	vld [tilespmem:s14+$0xFFFFFFA0]  }
0x143: {  	v10 =	vld [tilespmem:s14+$0xFFFFFFB0]  }
0x144: {  	v11 =	vld [tilespmem:s14+$0xFFFFFFE0];
	_ =	sdelay $0x1  }
0x145: {  	v7 =	vmul.f32 v7, v5;
	v8 =	vmul.f32 v8, v5  }
0x146: {  	s15 =	sadd.s32 $0x86, s11;
	v6 =	vmul.f32 v6, v5;
	v9 =	vmul.f32 v9, v5  }
0x147: {  	v4 =	vmul.f32 v4, v5;
	[tilespmem:s14+$0xFFFFFF90] =	vst v7;
	v7 =	vmul.f32 v10, v5;
	v10 =	vmov s15  }
0x148: {  	v3 =	vmul.f32 v3, v5;
	[tilespmem:s14+$0xFFFFFFA0] =	vst v9;
	v9 =	vmul.f32 v11, v5;
	v5 =	vand.u32 $0xFFFFFFFE, v10  }
0x149: {  	[tilespmem:s14+$0xFFFFFF80] =	vst v8;
	v5 =	vbroadcast v5, $0x0  }
0x14a: {  	[tilespmem:s14+$0xFFFFFFB0] =	vst v7  }
0x14b: {  	[tilespmem:s14+$0xFFFFFFC0] =	vst v4  }
0x14c: {  	[tilespmem:s14+$0xFFFFFFD0] =	vst v6  }
.Ltmp7:
0x14d: {  	[tilespmem:s14+$0xFFFFFFF0] =	vst v3;
	v4 =	vld [tilespmem:s14+$0x40];
	(pc) =	sbr.rel @p1 .LBB2_8-.Ltmp7, $4  }
0x14e: {  	[tilespmem:s14+$0xFFFFFFE0] =	vst v9;
	v6 =	vld [tilespmem:s14+$0x60]  }
0x14f: {  	v3 =	vld.idx.msk [tilespmem:v5+s23+$0x0], $0xffff  }
0x150: {  	v7 =	vld [tilespmem:s14+$0x0]  }
0x151: {  	v5 =	vld [tilespmem:s14+$0x10]  }
0x152: {  	_ =	sdelay $0x1  }
0x153: {  	v6 =	vmul.f32 v6, v3  }
0x154: {  	v8 =	vld [tilespmem:s9+$0x50];
	v4 =	vmul.f32 v4, v3  }
0x155: {  	v9 =	vld [tilespmem:s9+$0x70];
	v1 =	vmul.f32 v1, v3;
	[tilespmem:s9+$0x60] =	vst v6  }
0x156: {  	v54 =	vmul.f32 v7, v3;
	[tilespmem:s9+$0x40] =	vst v4  }
0x157: {  	s11 =	sadd.s32 $0x87, s11;
	[tilespmem:s9+$0x20] =	vst v1;
	v1 =	vmul.f32 v2, v3  }
0x158: {  	v56 =	vmov s11;
	v5 =	vmul.f32 v5, v3;
	[tilespmem:s9+$0x0] =	vst v54  }
0x159: {  	v55 =	vmul.f32 v8, v3;
	[tilespmem:s9+$0x30] =	vst v1  }
0x15a: {  	v3 =	vmul.f32 v9, v3;
	[tilespmem:s9+$0x10] =	vst v5  }
0x15b: {  	[tilespmem:s9+$0x50] =	vst v55  }
0x15c: {  	v2 =	vld [tilespmem:s9+$0x80];
	[tilespmem:s9+$0x70] =	vst v3  }
0x15d: {  	v1 =	vld.idx.msk [tilespmem:v56+s23+$0x0], $0xffff  }
0x15e: {  	v3 =	vld [tilespmem:s9+$0xA0]  }
0x15f: {  	v59 =	vld [tilespmem:s9+$0xE0]  }
0x160: {  	v57 =	vld [tilespmem:s9+$0xC0]  }
0x161: {  	v58 =	vld [tilespmem:s9+$0xF0]  }
0x162: {  	v60 =	vld [tilespmem:s9+$0x90];
	v2 =	vmul.f32 v2, v1  }
0x163: {  	v61 =	vld [tilespmem:s9+$0xB0];
	v3 =	vmul.f32 v3, v1  }
0x164: {  	v62 =	vld [tilespmem:s9+$0xD0];
	v63 =	vmul.f32 v59, v1;
	[tilespmem:s9+$0x80] =	vst v2  }
0x165: {  	v2 =	vmul.f32 v57, v1;
	[tilespmem:s9+$0xA0] =	vst v3  }
0x166: {  	v3 =	vmul.f32 v58, v1;
	[tilespmem:s9+$0xE0] =	vst v63  }
0x167: {  	[tilespmem:s9+$0xC0] =	vst v2;
	v2 =	vmul.f32 v60, v1  }
0x168: {  	[tilespmem:s9+$0xF0] =	vst v3;
	v3 =	vmul.f32 v61, v1  }
0x169: {  	v1 =	vmul.f32 v62, v1;
	[tilespmem:s9+$0x90] =	vst v2  }
.Ltmp8:
0x16a: {  	[tilespmem:s9+$0xB0] =	vst v3;
	(pc) =	sbr.rel .LBB2_10-.Ltmp8, $4  }
0x16b: {  	s2 =	sadd.s32 $0x80, s2;
	[tilespmem:s9+$0xD0] =	vst v1  }
0x16c: {  	[spmem:s3] =	stream.indirect.scatter.add.f32 [tilespmem:s26], [sflag:$0x4], $0x80, s2, s24, $0xb8;
	[tilespmem:$0x1E600] =	vst v63  }
0x16d: {  	s11 =	simm.s32 @!p0 $0x2500;
	s9 =	simm.s32 @!p0 $0x0;
	s2 =	sadd.s32 @!p0 s6, s22  }
0x16e: {  	[tilespmem:s11], [sflag:$0x6] =	stream.linear.gather @!p0 [hbm4b:s2+s9], $0x100, $0x38;
	[tilespmem:$0x1E600] =	vst v63  }
.LBB2_12:
0x16f: {  	_ =	sfence.sel $0x180000  }
0x170: {  	[bflag:$0x0] =	sbarrier.arrive $0xFFFF  }
0x171: {  	_ =	strace $0x90000047  }
0x172: {  	s0 =	stileid.u32;
	[bflag:$0x2] =	sbarrier.arrive $0xFFFF  }
0x173: {  	p0 =	sne.s32 s0, $0x0;
	s0 =	rddreg [dreg:$0x3]  }
0x174: {  	s0 =	sadd.s32 @!p0 $0x100000, s0  }
0x175: {  	[sflag:s0] =	ssyncadd.tile.s32 @!p0 $0x1;
	_ =	shalt  }
.Lfunc_end2:
_tile_overlayer_lowered:
.L_overlay_start_2:
0x176: {  	(tag) =	ssettag $0x2  }
0x177: {  	s0 =	rddreg [dreg:$0x0];
	s2 =	stileid.u32  }
0x178: {  	s1 =	rddreg [dreg:$0x1];
	p0 =	sne.s32 s2, $0x0  }
0x179: {  	s3 =	rddreg [dreg:$0x2];
	[bflag:$0x3] =	sbarrier.arrive $0xFFFF;
	s2 =	simm.s32 @!p0 $0x1C07  }
0x17a: {  	[timem:s3], [sflag:s2] =	dma.local @!p0 [hbm:s0], s1  }
0x17b: {  	s0 =	simm.s32 @!p0 $0x7  }
0x17c: {  	_ =	swait.ge @!p0 [sflag:s0], s1  }
0x17d: {  	s1 =	ssub.s32 @!p0 $0x0, s1;
	[sflag:s0] =	ssyncset.done @!p0 $0x0  }
0x17e: {  	[sflag:s0] =	ssyncadd.s32 @!p0 s1  }
0x17f: {  	[bflag:$0x3] =	sbarrier.arrive $0xFFFF  }
0x180: {  	_ =	shalt  }

</sc_bundles>
